<compile_context>
chip_gen: v7x
topology: tpu7x:2x2x1
jax: 0.10.2.dev20260603
libtpu: 0.0.44.dev20260713+nightly
codegen_flags: <defaults>
</compile_context>

<pallas_src>
import functools

import jax
import jax.numpy as jnp
from jax import lax
from jax.experimental import pallas as pl
from jax.experimental.pallas import tpu as pltpu
from jax.experimental.pallas import tpu_sc as plsc

_N = 10000
_E = 320000
_D = 128
_H = 128
_DE = 16
_INV_NORM = 1.0 / 100.0

_NC = 2
_NS = 16
_NW = _NC * _NS

_C = 128
_EH = _E // 2
_NCHH = _EH // _C
_T40 = 17
_K38 = 38
_KSTAGE = 40

_RPT = 632
_NACC = _RPT * _NS

_mesh = plsc.VectorSubcoreMesh(
    core_axis_name="c", subcore_axis_name="s", num_cores=_NC, num_subcores=_NS
)


def _half_span():
    c = lax.axis_index("c")
    s = lax.axis_index("s")
    wid = s * _NC + c
    start = jnp.where(wid < _T40, wid * _KSTAGE,
                      _T40 * _KSTAGE + (wid - _T40) * _K38)
    cnt = jnp.where(wid < _T40, _KSTAGE, _K38)
    return c, s, start, cnt


def _precompute_body(h_ref, w1_ref, a_ref, b_ref):
    hh = h_ref[...]
    w = w1_ref[...]
    a_ref[...] = jnp.dot(hh, w[0:_D, :], preferred_element_type=jnp.float32)
    b_ref[...] = jnp.dot(hh, w[_D:2 * _D, :], preferred_element_type=jnp.float32)


def _precompute(h, W1):
    bn = 2000
    return pl.pallas_call(
        _precompute_body,
        grid=(_N // bn,),
        in_specs=[
            pl.BlockSpec((bn, _D), lambda i: (i, 0)),
            pl.BlockSpec((2 * _D + _DE, _H), lambda i: (0, 0)),
        ],
        out_specs=[
            pl.BlockSpec((bn, _H), lambda i: (i, 0)),
            pl.BlockSpec((bn, _H), lambda i: (i, 0)),
        ],
        out_shape=[
            jax.ShapeDtypeStruct((_N, _H), jnp.float32),
            jax.ShapeDtypeStruct((_N, _H), jnp.float32),
        ],
    )(h, W1)


def _make_gather(offe):
    @functools.partial(
        pl.kernel,
        out_type=[
            jax.ShapeDtypeStruct((_EH, _H), jnp.float32),
            jax.ShapeDtypeStruct((_EH, _H), jnp.float32),
        ],
        mesh=_mesh,
        scratch_types=[
            pltpu.VMEM((_KSTAGE * _C,), jnp.int32),
            pltpu.VMEM((_KSTAGE * _C,), jnp.int32),
            pltpu.VMEM((_C, _H), jnp.float32),
            pltpu.VMEM((_C, _H), jnp.float32),
            pltpu.VMEM((_C, _H), jnp.float32),
            pltpu.VMEM((_C, _H), jnp.float32),
            pltpu.SemaphoreType.DMA,
            pltpu.SemaphoreType.DMA,
            pltpu.SemaphoreType.DMA,
            pltpu.SemaphoreType.DMA,
        ],
    )
    def gather(hA, hB, rows, cols, SA, SB, idxR, idxC, bA0, bB0, bA1, bB1,
               g0, g1, w0, w1):
        _, _, start, cnt = _half_span()
        pltpu.sync_copy(rows.at[pl.ds(offe + start * _C, _K38 * _C)],
                        idxR.at[pl.ds(0, _K38 * _C)])
        pltpu.sync_copy(cols.at[pl.ds(offe + start * _C, _K38 * _C)],
                        idxC.at[pl.ds(0, _K38 * _C)])

        @pl.when(cnt > _K38)
        def _():
            pltpu.sync_copy(rows.at[pl.ds(offe + (start + _K38) * _C, 2 * _C)],
                            idxR.at[pl.ds(_K38 * _C, 2 * _C)])
            pltpu.sync_copy(cols.at[pl.ds(offe + (start + _K38) * _C, 2 * _C)],
                            idxC.at[pl.ds(_K38 * _C, 2 * _C)])

        slots = ((bA0, bB0, g0, w0), (bA1, bB1, g1, w1))

        for s_ in (0, 1):
            bA, bB, g, _ = slots[s_]
            pltpu.async_copy(hA.at[idxR.at[pl.ds(s_ * _C, _C)]], bA, g)
            pltpu.async_copy(hB.at[idxC.at[pl.ds(s_ * _C, _C)]], bB, g)

        dummy = SA.at[pl.ds(0, _C)]

        def body(p, carry):
            for s_ in (0, 1):
                bA, bB, g, w = slots[s_]
                k = 2 * p + s_
                off = (start + k) * _C
                pltpu.make_async_copy(dummy, bA, g).wait()
                pltpu.make_async_copy(dummy, bB, g).wait()
                pltpu.async_copy(bA, SA.at[pl.ds(off, _C)], w)
                pltpu.async_copy(bB, SB.at[pl.ds(off, _C)], w)

                @pl.when(k + 2 < cnt)
                def _():
                    pltpu.make_async_copy(dummy, bA, w).wait()
                    pltpu.make_async_copy(dummy, bB, w).wait()
                    pltpu.async_copy(
                        hA.at[idxR.at[pl.ds((k + 2) * _C, _C)]], bA, g)
                    pltpu.async_copy(
                        hB.at[idxC.at[pl.ds((k + 2) * _C, _C)]], bB, g)

            return carry

        lax.fori_loop(0, cnt // 2, body, 0)
        for s_ in (0, 1):
            bA, bB, _, w = slots[s_]
            pltpu.make_async_copy(dummy, bA, w).wait()
            pltpu.make_async_copy(dummy, bB, w).wait()

    return gather


_gather0 = _make_gather(0)
_gather1 = _make_gather(_EH)


def _edge_body(sa_ref, sb_ref, ea_ref, w1_ref, b1_ref, w2_ref, b2_ref, o_ref):
    w1c = w1_ref[2 * _D:2 * _D + _DE, :]
    t = (
        sa_ref[...]
        + sb_ref[...]
        + jnp.dot(ea_ref[...], w1c, preferred_element_type=jnp.float32)
        + b1_ref[...]
    ).astype(jnp.bfloat16)
    t = t * jax.nn.sigmoid(t)
    m = (
        jnp.dot(
            t,
            w2_ref[...].astype(jnp.bfloat16),
            preferred_element_type=jnp.float32,
        )
        + b2_ref[...]
    )
    o_ref[...] = m * jax.nn.sigmoid(m)


def _edge_mlp(SA, SB, edge_attr, W1, b1, W2, b2, half):
    bn = 2000
    offb = half * (_EH // bn)
    return pl.pallas_call(
        _edge_body,
        grid=(_EH // bn,),
        in_specs=[
            pl.BlockSpec((bn, _H), lambda i: (i, 0)),
            pl.BlockSpec((bn, _H), lambda i: (i, 0)),
            pl.BlockSpec((bn, _DE), lambda i: (i + offb, 0)),
            pl.BlockSpec((2 * _D + _DE, _H), lambda i: (0, 0)),
            pl.BlockSpec((1, _H), lambda i: (0, 0)),
            pl.BlockSpec((_H, _H), lambda i: (0, 0)),
            pl.BlockSpec((1, _H), lambda i: (0, 0)),
        ],
        out_specs=pl.BlockSpec((bn, _H), lambda i: (i, 0)),
        out_shape=jax.ShapeDtypeStruct((_EH, _H), jnp.float32),
    )(SA, SB, edge_attr, W1, b1, W2, b2)


def _make_scatter(offe):
    @functools.partial(
        pl.kernel,
        out_type=jax.ShapeDtypeStruct((_NC, _NACC, _H), jnp.float32),
        mesh=_mesh,
        scratch_types=[
            pltpu.VMEM((_C,), jnp.int32),
            pltpu.VMEM((_C,), jnp.int32),
            pltpu.VMEM((_C, _H), jnp.float32),
            pltpu.VMEM((_C, _H), jnp.float32),
            pltpu.VMEM_SHARED((_NACC, _H), jnp.float32),
            pltpu.SemaphoreType.DMA,
            pltpu.SemaphoreType.DMA,
        ],
    )
    def scatter(mij, rows, zeros, out, idx0, idx1, buf0, buf1, acc, m0, m1):
        c, s, start, cnt = _half_span()
        pltpu.sync_copy(zeros, acc.at[pl.ds(s * _RPT, _RPT)])
        plsc.subcore_barrier()

        slots = ((idx0, buf0, m0), (idx1, buf1, m1))
        for s_ in (0, 1):
            idx, buf, m = slots[s_]
            off = (start + s_) * _C
            pltpu.async_copy(rows.at[pl.ds(offe + off, _C)], idx, m)
            pltpu.async_copy(mij.at[pl.ds(off, _C)], buf, m)

        didx = rows.at[pl.ds(0, _C)]
        dbuf = mij.at[pl.ds(0, _C)]

        def body(p, carry):
            for s_ in (0, 1):
                idx, buf, m = slots[s_]
                k = 2 * p + s_
                pltpu.make_async_copy(didx, idx, m).wait()
                pltpu.make_async_copy(dbuf, buf, m).wait()
                pltpu.sync_copy(buf, acc.at[idx], add=True)

                @pl.when(k + 2 < cnt)
                def _():
                    off = (start + k + 2) * _C
                    pltpu.async_copy(rows.at[pl.ds(offe + off, _C)], idx, m)
                    pltpu.async_copy(mij.at[pl.ds(off, _C)], buf, m)

            return carry

        lax.fori_loop(0, cnt // 2, body, 0)
        plsc.subcore_barrier()
        pltpu.sync_copy(
            acc.at[pl.ds(s * _RPT, _RPT)], out.at[c, pl.ds(s * _RPT, _RPT)]
        )

    return scatter


_scatter0 = _make_scatter(0)
_scatter1 = _make_scatter(_EH)


def _node_body(h_ref, p0_ref, p1_ref, w3_ref, b3_ref, w4_ref, b4_ref, o_ref):
    p0 = p0_ref[...]
    p1 = p1_ref[...]
    agg = (p0[0] + p0[1] + p1[0] + p1[1]) * _INV_NORM
    hh = h_ref[...]
    x = (
        jnp.dot(hh, w3_ref[0:_D, :], preferred_element_type=jnp.float32)
        + jnp.dot(agg, w3_ref[_D:_D + _H, :], preferred_element_type=jnp.float32)
        + b3_ref[...]
    )
    u = x * jax.nn.sigmoid(x)
    o_ref[...] = (
        hh + jnp.dot(u, w4_ref[...], preferred_element_type=jnp.float32) + b4_ref[...]
    )


def _node_mlp(h, p0, p1, W3, b3, W4, b4):
    bn = 1000
    return pl.pallas_call(
        _node_body,
        grid=(_N // bn,),
        in_specs=[
            pl.BlockSpec((bn, _D), lambda i: (i, 0)),
            pl.BlockSpec((_NC, bn, _H), lambda i: (0, i, 0)),
            pl.BlockSpec((_NC, bn, _H), lambda i: (0, i, 0)),
            pl.BlockSpec((_H + _D, _H), lambda i: (0, 0)),
            pl.BlockSpec((1, _H), lambda i: (0, 0)),
            pl.BlockSpec((_H, _D), lambda i: (0, 0)),
            pl.BlockSpec((1, _D), lambda i: (0, 0)),
        ],
        out_specs=pl.BlockSpec((bn, _D), lambda i: (i, 0)),
        out_shape=jax.ShapeDtypeStruct((_N, _D), jnp.float32),
    )(h, p0, p1, W3, b3, W4, b4)


def kernel(h, edge_index, edge_attr, W1, b1, W2, b2, W3, b3, W4, b4):
    row = edge_index[0].astype(jnp.int32)
    col = edge_index[1].astype(jnp.int32)

    hA, hB = _precompute(h, W1)
    SA0, SB0 = _gather0(hA, hB, row, col)
    SA1, SB1 = _gather1(hA, hB, row, col)
    b1r = b1.reshape(1, _H)
    b2r = b2.reshape(1, _H)
    m0 = _edge_mlp(SA0, SB0, edge_attr, W1, b1r, W2, b2r, 0)
    m1 = _edge_mlp(SA1, SB1, edge_attr, W1, b1r, W2, b2r, 1)
    zeros = jnp.zeros((_RPT, _H), jnp.float32)
    p0 = _scatter0(m0, row, zeros)
    p1 = _scatter1(m1, row, zeros)
    mij = jnp.concatenate([m0, m1], axis=0)
    h_out = _node_mlp(h, p0, p1, W3, b3.reshape(1, _H), W4, b4.reshape(1, _D))
    return h_out, mij

# --- scband reference (transcript-rebuilt; emitter-appended) ---
"""Pipeline reference for scband-gcl-21560735826060 (READ-ONLY COPY).

The authoritative reference and input builder live on the scoring server;
editing this copy changes nothing except your own understanding.
"""

import jax, jax.numpy as jnp
import numpy as np

N = 10000
E = 320000
D = 128
H = 128
DE = 16
NORM_FACTOR = 100.0


def setup_inputs(seed: int = 0) -> dict:
    key = jax.random.key(seed)
    ks = jax.random.split(key, 11)
    h = jax.random.normal(ks[0], (N, D), dtype=jnp.float32)
    edge_index = jax.random.randint(ks[1], (2, E), 0, N, dtype=jnp.int64)
    edge_attr = jax.random.normal(ks[2], (E, DE), dtype=jnp.float32)
    # edge_mlp: Linear(2*D+DE -> H), SiLU, Linear(H -> H), SiLU
    W1 = jax.random.normal(ks[3], (2 * D + DE, H), dtype=jnp.float32) * (1.0 / np.sqrt(2 * D + DE))
    b1 = jnp.zeros((H,), dtype=jnp.float32)
    W2 = jax.random.normal(ks[4], (H, H), dtype=jnp.float32) * (1.0 / np.sqrt(H))
    b2 = jnp.zeros((H,), dtype=jnp.float32)
    # node_mlp: Linear(H+D -> H), SiLU, Linear(H -> D)
    W3 = jax.random.normal(ks[5], (H + D, H), dtype=jnp.float32) * (1.0 / np.sqrt(H + D))
    b3 = jnp.zeros((H,), dtype=jnp.float32)
    W4 = jax.random.normal(ks[6], (H, D), dtype=jnp.float32) * (1.0 / np.sqrt(H))
    b4 = jnp.zeros((D,), dtype=jnp.float32)
    return {"h": h, "edge_index": edge_index, "edge_attr": edge_attr,
            "W1": W1, "b1": b1, "W2": W2, "b2": b2,
            "W3": W3, "b3": b3, "W4": W4, "b4": b4}


def reference(h, edge_index, edge_attr, W1, b1, W2, b2, W3, b3, W4, b4):
    row = edge_index[0]
    col = edge_index[1]
    source = h[row]
    target = h[col]
    # edge_model (no attention)
    out = jnp.concatenate([source, target, edge_attr], axis=1)
    t = jax.nn.silu(out @ W1 + b1)
    mij = jax.nn.silu(t @ W2 + b2)
    edge_feat = mij
    # node_model: unsorted_segment_sum with 'sum' aggregation -> divide by normalization_factor
    agg = jax.ops.segment_sum(edge_feat, row, num_segments=N) / NORM_FACTOR
    agg_cat = jnp.concatenate([h, agg], axis=1)
    messages = jax.nn.silu(agg_cat @ W3 + b3) @ W4 + b4
    h_out = h + messages
    return (h_out, mij)

if __name__ == "__main__":
    import jax
    _d = setup_inputs()
    print(jax.jit(kernel)(*tuple(_d.values())))

</pallas_src>

<mosaic_0001>
#map = affine_map<(d0, d1) -> (0, 0)>
#map1 = affine_map<(d0, d1) -> (0)>
module attributes {stable_mosaic.version = 14 : i64} {
  func.func @gather(%arg0: i32, %arg1: i32, %arg2: memref<10000x128xf32, #tpu.memory_space<hbm>>, %arg3: memref<10000x128xf32, #tpu.memory_space<hbm>>, %arg4: memref<320000xi32, #tpu.memory_space<hbm>>, %arg5: memref<320000xi32, #tpu.memory_space<hbm>>, %arg6: memref<160000x128xf32, #tpu.memory_space<hbm>>, %arg7: memref<160000x128xf32, #tpu.memory_space<hbm>>, %arg8: memref<5120xi32, #tpu.memory_space<vmem>>, %arg9: memref<5120xi32, #tpu.memory_space<vmem>>, %arg10: memref<128x128xf32, #tpu.memory_space<vmem>>, %arg11: memref<128x128xf32, #tpu.memory_space<vmem>>, %arg12: memref<128x128xf32, #tpu.memory_space<vmem>>, %arg13: memref<128x128xf32, #tpu.memory_space<vmem>>, %arg14: memref<!tpu.dma_semaphore, #tpu.memory_space<semaphore_mem>>, %arg15: memref<!tpu.dma_semaphore, #tpu.memory_space<semaphore_mem>>, %arg16: memref<!tpu.dma_semaphore, #tpu.memory_space<semaphore_mem>>, %arg17: memref<!tpu.dma_semaphore, #tpu.memory_space<semaphore_mem>>) attributes {dimension_semantics = [#tpu.dimension_semantics<core_parallel>, #tpu.dimension_semantics<subcore_parallel>], iteration_bounds = array<i64: 2, 16>, scalar_prefetch = 0 : i64, scratch_operands = 10 : i64, tpu.core_type = #tpu.core_type<sc_vector_subcore>, window_params = [{transform_indices = #map}, {transform_indices = #map}, {transform_indices = #map1}, {transform_indices = #map1}, {transform_indices = #map}, {transform_indices = #map}]} {
    %mul3A = arith.constant 2 : i32
    %mul3A_0 = arith.muli %arg1, %mul3A : i32
    %add3A = arith.addi %mul3A_0, %arg0 : i32
    %lt3A = arith.constant 17 : i32
    %lt3A_1 = arith.cmpi slt, %add3A, %lt3A : i32
    %mul3A_2 = arith.constant 40 : i32
    %mul3A_3 = arith.muli %add3A, %mul3A_2 : i32
    %sub3A = arith.constant 17 : i32
    %sub3A_4 = arith.subi %add3A, %sub3A : i32
    %mul3A_5 = arith.constant 38 : i32
    %mul3A_6 = arith.muli %sub3A_4, %mul3A_5 : i32
    %add3A_7 = arith.constant 680 : i32
    %add3A_8 = arith.addi %add3A_7, %mul3A_6 : i32
    %select_n3A = arith.select %lt3A_1, %mul3A_3, %add3A_8 : i32
    %lt3A_9 = arith.constant 17 : i32
    %lt3A_10 = arith.cmpi slt, %add3A, %lt3A_9 : i32
    %jit3A = arith.constant 40 : i32
    %jit3A_11 = arith.constant 38 : i32
    %select_n3A_12 = arith.select %lt3A_10, %jit3A, %jit3A_11 : i32
    %mul3A_13 = arith.constant 128 : i32
    %mul3A_14 = arith.muli %select_n3A, %mul3A_13 : i32
    %add3A_15 = arith.constant 160000 : i32
    %add3A_16 = arith.addi %add3A_15, %mul3A_14 : i32
    "tpu.region"() ({
      %run_scoped3A = tpu.sem_alloc : memref<!tpu.dma_semaphore, #tpu.memory_space<semaphore_mem>>
      %dma_start3A_93 = arith.constant 0 : i32
      %dma_start3A_94 = tpu.memref_slice %arg8[%dma_start3A_93] : memref<5120xi32, #tpu.memory_space<vmem>> -> memref<4864xi32, #tpu.memory_space<vmem>>
      %dma_start3A_95 = tpu.memref_slice %arg4[%add3A_16] : memref<320000xi32, #tpu.memory_space<hbm>> -> memref<4864xi32, #tpu.memory_space<hbm>>
      %dma_start3A_96 = arith.constant 0 : i32
      %dma_start3A_97 = tpu.memref_slice %arg8[%dma_start3A_96] : memref<5120xi32, #tpu.memory_space<vmem>> -> memref<4864xi32, #tpu.memory_space<vmem>>
      %dma_start3A_98 = tpu.memref_slice %arg4[%add3A_16] : memref<320000xi32, #tpu.memory_space<hbm>> -> memref<4864xi32, #tpu.memory_space<hbm>>
      tpu.enqueue_dma source(%dma_start3A_98 : memref<4864xi32, #tpu.memory_space<hbm>>) target(%dma_start3A_97 : memref<4864xi32, #tpu.memory_space<vmem>>) target_semaphore(%run_scoped3A : memref<!tpu.dma_semaphore, #tpu.memory_space<semaphore_mem>>)
      %dma_wait3A_99 = arith.constant 0 : i32
      %dma_wait3A_100 = tpu.memref_slice %arg8[%dma_wait3A_99] : memref<5120xi32, #tpu.memory_space<vmem>> -> memref<4864xi32, #tpu.memory_space<vmem>>
      %dma_wait3A_101 = tpu.memref_slice %arg4[%add3A_16] : memref<320000xi32, #tpu.memory_space<hbm>> -> memref<4864xi32, #tpu.memory_space<hbm>>
      %dma_wait3A_102 = arith.constant 0 : i32
      %dma_wait3A_103 = tpu.memref_slice %arg8[%dma_wait3A_102] : memref<5120xi32, #tpu.memory_space<vmem>> -> memref<4864xi32, #tpu.memory_space<vmem>>
      %dma_wait3A_104 = tpu.memref_slice %arg4[%add3A_16] : memref<320000xi32, #tpu.memory_space<hbm>> -> memref<4864xi32, #tpu.memory_space<hbm>>
      tpu.wait_dma2 semaphore(%run_scoped3A : memref<!tpu.dma_semaphore, #tpu.memory_space<semaphore_mem>>) src(%dma_wait3A_104 : memref<4864xi32, #tpu.memory_space<hbm>>) dst(%dma_wait3A_103 : memref<4864xi32, #tpu.memory_space<vmem>>)
      tpu.yield
    }) : () -> ()
    %mul3A_17 = arith.constant 128 : i32
    %mul3A_18 = arith.muli %select_n3A, %mul3A_17 : i32
    %add3A_19 = arith.constant 160000 : i32
    %add3A_20 = arith.addi %add3A_19, %mul3A_18 : i32
    "tpu.region"() ({
      %run_scoped3A = tpu.sem_alloc : memref<!tpu.dma_semaphore, #tpu.memory_space<semaphore_mem>>
      %dma_start3A_93 = arith.constant 0 : i32
      %dma_start3A_94 = tpu.memref_slice %arg9[%dma_start3A_93] : memref<5120xi32, #tpu.memory_space<vmem>> -> memref<4864xi32, #tpu.memory_space<vmem>>
      %dma_start3A_95 = tpu.memref_slice %arg5[%add3A_20] : memref<320000xi32, #tpu.memory_space<hbm>> -> memref<4864xi32, #tpu.memory_space<hbm>>
      %dma_start3A_96 = arith.constant 0 : i32
      %dma_start3A_97 = tpu.memref_slice %arg9[%dma_start3A_96] : memref<5120xi32, #tpu.memory_space<vmem>> -> memref<4864xi32, #tpu.memory_space<vmem>>
      %dma_start3A_98 = tpu.memref_slice %arg5[%add3A_20] : memref<320000xi32, #tpu.memory_space<hbm>> -> memref<4864xi32, #tpu.memory_space<hbm>>
      tpu.enqueue_dma source(%dma_start3A_98 : memref<4864xi32, #tpu.memory_space<hbm>>) target(%dma_start3A_97 : memref<4864xi32, #tpu.memory_space<vmem>>) target_semaphore(%run_scoped3A : memref<!tpu.dma_semaphore, #tpu.memory_space<semaphore_mem>>)
      %dma_wait3A_99 = arith.constant 0 : i32
      %dma_wait3A_100 = tpu.memref_slice %arg9[%dma_wait3A_99] : memref<5120xi32, #tpu.memory_space<vmem>> -> memref<4864xi32, #tpu.memory_space<vmem>>
      %dma_wait3A_101 = tpu.memref_slice %arg5[%add3A_20] : memref<320000xi32, #tpu.memory_space<hbm>> -> memref<4864xi32, #tpu.memory_space<hbm>>
      %dma_wait3A_102 = arith.constant 0 : i32
      %dma_wait3A_103 = tpu.memref_slice %arg9[%dma_wait3A_102] : memref<5120xi32, #tpu.memory_space<vmem>> -> memref<4864xi32, #tpu.memory_space<vmem>>
      %dma_wait3A_104 = tpu.memref_slice %arg5[%add3A_20] : memref<320000xi32, #tpu.memory_space<hbm>> -> memref<4864xi32, #tpu.memory_space<hbm>>
      tpu.wait_dma2 semaphore(%run_scoped3A : memref<!tpu.dma_semaphore, #tpu.memory_space<semaphore_mem>>) src(%dma_wait3A_104 : memref<4864xi32, #tpu.memory_space<hbm>>) dst(%dma_wait3A_103 : memref<4864xi32, #tpu.memory_space<vmem>>)
      tpu.yield
    }) : () -> ()
    %gt3A = arith.constant 38 : i32
    %gt3A_21 = arith.cmpi sgt, %select_n3A_12, %gt3A : i32
    %convert_element_type3A = arith.extui %gt3A_21 : i1 to i32
    %cond3A = arith.constant 0 : i32
    %cond3A_22 = arith.cmpi ne, %convert_element_type3A, %cond3A : i32
    scf.if %cond3A_22 {
      %add3A_93 = arith.constant 38 : i32
      %add3A_94 = arith.addi %select_n3A, %add3A_93 : i32
      %mul3A_95 = arith.constant 128 : i32
      %mul3A_96 = arith.muli %add3A_94, %mul3A_95 : i32
      %add3A_97 = arith.constant 160000 : i32
      %add3A_98 = arith.addi %add3A_97, %mul3A_96 : i32
      "tpu.region"() ({
        %run_scoped3A = tpu.sem_alloc : memref<!tpu.dma_semaphore, #tpu.memory_space<semaphore_mem>>
        %dma_start3A_105 = arith.constant 4864 : i32
        %dma_start3A_106 = tpu.memref_slice %arg8[%dma_start3A_105] : memref<5120xi32, #tpu.memory_space<vmem>> -> memref<256xi32, #tpu.memory_space<vmem>>
        %dma_start3A_107 = tpu.memref_slice %arg4[%add3A_98] : memref<320000xi32, #tpu.memory_space<hbm>> -> memref<256xi32, #tpu.memory_space<hbm>>
        %dma_start3A_108 = arith.constant 4864 : i32
        %dma_start3A_109 = tpu.memref_slice %arg8[%dma_start3A_108] : memref<5120xi32, #tpu.memory_space<vmem>> -> memref<256xi32, #tpu.memory_space<vmem>>
        %dma_start3A_110 = tpu.memref_slice %arg4[%add3A_98] : memref<320000xi32, #tpu.memory_space<hbm>> -> memref<256xi32, #tpu.memory_space<hbm>>
        tpu.enqueue_dma source(%dma_start3A_110 : memref<256xi32, #tpu.memory_space<hbm>>) target(%dma_start3A_109 : memref<256xi32, #tpu.memory_space<vmem>>) target_semaphore(%run_scoped3A : memref<!tpu.dma_semaphore, #tpu.memory_space<semaphore_mem>>)
        %dma_wait3A_111 = arith.constant 4864 : i32
        %dma_wait3A_112 = tpu.memref_slice %arg8[%dma_wait3A_111] : memref<5120xi32, #tpu.memory_space<vmem>> -> memref<256xi32, #tpu.memory_space<vmem>>
        %dma_wait3A_113 = tpu.memref_slice %arg4[%add3A_98] : memref<320000xi32, #tpu.memory_space<hbm>> -> memref<256xi32, #tpu.memory_space<hbm>>
        %dma_wait3A_114 = arith.constant 4864 : i32
        %dma_wait3A_115 = tpu.memref_slice %arg8[%dma_wait3A_114] : memref<5120xi32, #tpu.memory_space<vmem>> -> memref<256xi32, #tpu.memory_space<vmem>>
        %dma_wait3A_116 = tpu.memref_slice %arg4[%add3A_98] : memref<320000xi32, #tpu.memory_space<hbm>> -> memref<256xi32, #tpu.memory_space<hbm>>
        tpu.wait_dma2 semaphore(%run_scoped3A : memref<!tpu.dma_semaphore, #tpu.memory_space<semaphore_mem>>) src(%dma_wait3A_116 : memref<256xi32, #tpu.memory_space<hbm>>) dst(%dma_wait3A_115 : memref<256xi32, #tpu.memory_space<vmem>>)
        tpu.yield
      }) : () -> ()
      %add3A_99 = arith.constant 38 : i32
      %add3A_100 = arith.addi %select_n3A, %add3A_99 : i32
      %mul3A_101 = arith.constant 128 : i32
      %mul3A_102 = arith.muli %add3A_100, %mul3A_101 : i32
      %add3A_103 = arith.constant 160000 : i32
      %add3A_104 = arith.addi %add3A_103, %mul3A_102 : i32
      "tpu.region"() ({
        %run_scoped3A = tpu.sem_alloc : memref<!tpu.dma_semaphore, #tpu.memory_space<semaphore_mem>>
        %dma_start3A_105 = arith.constant 4864 : i32
        %dma_start3A_106 = tpu.memref_slice %arg9[%dma_start3A_105] : memref<5120xi32, #tpu.memory_space<vmem>> -> memref<256xi32, #tpu.memory_space<vmem>>
        %dma_start3A_107 = tpu.memref_slice %arg5[%add3A_104] : memref<320000xi32, #tpu.memory_space<hbm>> -> memref<256xi32, #tpu.memory_space<hbm>>
        %dma_start3A_108 = arith.constant 4864 : i32
        %dma_start3A_109 = tpu.memref_slice %arg9[%dma_start3A_108] : memref<5120xi32, #tpu.memory_space<vmem>> -> memref<256xi32, #tpu.memory_space<vmem>>
        %dma_start3A_110 = tpu.memref_slice %arg5[%add3A_104] : memref<320000xi32, #tpu.memory_space<hbm>> -> memref<256xi32, #tpu.memory_space<hbm>>
        tpu.enqueue_dma source(%dma_start3A_110 : memref<256xi32, #tpu.memory_space<hbm>>) target(%dma_start3A_109 : memref<256xi32, #tpu.memory_space<vmem>>) target_semaphore(%run_scoped3A : memref<!tpu.dma_semaphore, #tpu.memory_space<semaphore_mem>>)
        %dma_wait3A_111 = arith.constant 4864 : i32
        %dma_wait3A_112 = tpu.memref_slice %arg9[%dma_wait3A_111] : memref<5120xi32, #tpu.memory_space<vmem>> -> memref<256xi32, #tpu.memory_space<vmem>>
        %dma_wait3A_113 = tpu.memref_slice %arg5[%add3A_104] : memref<320000xi32, #tpu.memory_space<hbm>> -> memref<256xi32, #tpu.memory_space<hbm>>
        %dma_wait3A_114 = arith.constant 4864 : i32
        %dma_wait3A_115 = tpu.memref_slice %arg9[%dma_wait3A_114] : memref<5120xi32, #tpu.memory_space<vmem>> -> memref<256xi32, #tpu.memory_space<vmem>>
        %dma_wait3A_116 = tpu.memref_slice %arg5[%add3A_104] : memref<320000xi32, #tpu.memory_space<hbm>> -> memref<256xi32, #tpu.memory_space<hbm>>
        tpu.wait_dma2 semaphore(%run_scoped3A : memref<!tpu.dma_semaphore, #tpu.memory_space<semaphore_mem>>) src(%dma_wait3A_116 : memref<256xi32, #tpu.memory_space<hbm>>) dst(%dma_wait3A_115 : memref<256xi32, #tpu.memory_space<vmem>>)
        tpu.yield
      }) : () -> ()
    } else {
    }
    %dma_start3A = arith.constant 0 : i32
    %dma_start3A_23 = tpu.memref_slice %arg8[%dma_start3A] : memref<5120xi32, #tpu.memory_space<vmem>> -> memref<128xi32, #tpu.memory_space<vmem>>
    %dma_start3A_24 = arith.constant 0 : i32
    %dma_start3A_25 = arith.constant 0 : i32
    %dma_start3A_26 = tpu.memref_slice %arg2[%dma_start3A_24, %dma_start3A_25] : memref<10000x128xf32, #tpu.memory_space<hbm>> -> memref<10000x128xf32, #tpu.memory_space<hbm>>
    tpu.enqueue_indirect_dma source(%dma_start3A_26 : memref<10000x128xf32, #tpu.memory_space<hbm>>) target(%arg10 : memref<128x128xf32, #tpu.memory_space<vmem>>) offsets(%dma_start3A_23 : memref<128xi32, #tpu.memory_space<vmem>>) semaphore(%arg14 : memref<!tpu.dma_semaphore, #tpu.memory_space<semaphore_mem>>)
    %dma_start3A_27 = arith.constant 0 : i32
    %dma_start3A_28 = tpu.memref_slice %arg9[%dma_start3A_27] : memref<5120xi32, #tpu.memory_space<vmem>> -> memref<128xi32, #tpu.memory_space<vmem>>
    %dma_start3A_29 = arith.constant 0 : i32
    %dma_start3A_30 = arith.constant 0 : i32
    %dma_start3A_31 = tpu.memref_slice %arg3[%dma_start3A_29, %dma_start3A_30] : memref<10000x128xf32, #tpu.memory_space<hbm>> -> memref<10000x128xf32, #tpu.memory_space<hbm>>
    tpu.enqueue_indirect_dma source(%dma_start3A_31 : memref<10000x128xf32, #tpu.memory_space<hbm>>) target(%arg11 : memref<128x128xf32, #tpu.memory_space<vmem>>) offsets(%dma_start3A_28 : memref<128xi32, #tpu.memory_space<vmem>>) semaphore(%arg14 : memref<!tpu.dma_semaphore, #tpu.memory_space<semaphore_mem>>)
    %dma_start3A_32 = arith.constant 128 : i32
    %dma_start3A_33 = tpu.memref_slice %arg8[%dma_start3A_32] : memref<5120xi32, #tpu.memory_space<vmem>> -> memref<128xi32, #tpu.memory_space<vmem>>
    %dma_start3A_34 = arith.constant 0 : i32
    %dma_start3A_35 = arith.constant 0 : i32
    %dma_start3A_36 = tpu.memref_slice %arg2[%dma_start3A_34, %dma_start3A_35] : memref<10000x128xf32, #tpu.memory_space<hbm>> -> memref<10000x128xf32, #tpu.memory_space<hbm>>
    tpu.enqueue_indirect_dma source(%dma_start3A_36 : memref<10000x128xf32, #tpu.memory_space<hbm>>) target(%arg12 : memref<128x128xf32, #tpu.memory_space<vmem>>) offsets(%dma_start3A_33 : memref<128xi32, #tpu.memory_space<vmem>>) semaphore(%arg15 : memref<!tpu.dma_semaphore, #tpu.memory_space<semaphore_mem>>)
    %dma_start3A_37 = arith.constant 128 : i32
    %dma_start3A_38 = tpu.memref_slice %arg9[%dma_start3A_37] : memref<5120xi32, #tpu.memory_space<vmem>> -> memref<128xi32, #tpu.memory_space<vmem>>
    %dma_start3A_39 = arith.constant 0 : i32
    %dma_start3A_40 = arith.constant 0 : i32
    %dma_start3A_41 = tpu.memref_slice %arg3[%dma_start3A_39, %dma_start3A_40] : memref<10000x128xf32, #tpu.memory_space<hbm>> -> memref<10000x128xf32, #tpu.memory_space<hbm>>
    tpu.enqueue_indirect_dma source(%dma_start3A_41 : memref<10000x128xf32, #tpu.memory_space<hbm>>) target(%arg13 : memref<128x128xf32, #tpu.memory_space<vmem>>) offsets(%dma_start3A_38 : memref<128xi32, #tpu.memory_space<vmem>>) semaphore(%arg15 : memref<!tpu.dma_semaphore, #tpu.memory_space<semaphore_mem>>)
    %jit3A_42 = arith.constant 2 : i32
    %div3A = arith.divsi %select_n3A_12, %jit3A_42 : i32
    %sign3A = arith.constant 0 : i32
    %sign3A_43 = arith.cmpi sgt, %select_n3A_12, %sign3A : i32
    %sign3A_44 = arith.extui %sign3A_43 : i1 to i32
    %sign3A_45 = arith.constant 0 : i32
    %sign3A_46 = arith.cmpi slt, %select_n3A_12, %sign3A_45 : i32
    %sign3A_47 = arith.extui %sign3A_46 : i1 to i32
    %sign3A_48 = arith.subi %sign3A_44, %sign3A_47 : i32
    %sign3A_49 = arith.constant 0 : i32
    %sign3A_50 = arith.cmpi sgt, %jit3A_42, %sign3A_49 : i32
    %sign3A_51 = arith.extui %sign3A_50 : i1 to i32
    %sign3A_52 = arith.constant 0 : i32
    %sign3A_53 = arith.cmpi slt, %jit3A_42, %sign3A_52 : i32
    %sign3A_54 = arith.extui %sign3A_53 : i1 to i32
    %sign3A_55 = arith.subi %sign3A_51, %sign3A_54 : i32
    %ne3A = arith.cmpi ne, %sign3A_48, %sign3A_55 : i32
    %rem3A = arith.remsi %select_n3A_12, %jit3A_42 : i32
    %ne3A_56 = arith.constant 0 : i32
    %ne3A_57 = arith.cmpi ne, %rem3A, %ne3A_56 : i32
    %and3A = arith.andi %ne3A, %ne3A_57 : i1
    %sub3A_58 = arith.constant 1 : i32
    %sub3A_59 = arith.subi %div3A, %sub3A_58 : i32
    %select_n3A_60 = arith.select %and3A, %sub3A_59, %div3A : i32
    %while3A = arith.constant 0 : i32
    %while3A_61 = arith.constant 0 : i32
    %while3A_62 = arith.subi %select_n3A_60, %while3A_61 : i32
    %while3A_63 = arith.addi %while3A_61, %while3A_62 : i32
    %while3A_64 = arith.constant 1 : i32
    %while3A_65 = arith.divsi %while3A_62, %while3A_64 : i32
    %while3A_66 = arith.muli %while3A_65, %while3A_64 : i32
    %while3A_67 = arith.addi %while3A_61, %while3A_66 : i32
    %while3A_68 = arith.constant 1 : i32
    scf.for %while3A_93 = %while3A_61 to %while3A_67 step %while3A_68  : i32 {
      %mul3A_94 = arith.constant 2 : i32
      %mul3A_95 = arith.muli %mul3A_94, %while3A_93 : i32
      %add3A_96 = arith.constant 0 : i32
      %add3A_97 = arith.addi %mul3A_95, %add3A_96 : i32
      %add3A_98 = arith.addi %select_n3A, %add3A_97 : i32
      %mul3A_99 = arith.constant 128 : i32
      %mul3A_100 = arith.muli %add3A_98, %mul3A_99 : i32
      %dma_wait3A_101 = arith.constant 0 : i32
      %dma_wait3A_102 = arith.constant 0 : i32
      %dma_wait3A_103 = tpu.memref_slice %arg6[%dma_wait3A_101, %dma_wait3A_102] : memref<160000x128xf32, #tpu.memory_space<hbm>> -> memref<128x128xf32, #tpu.memory_space<hbm>>
      %dma_wait3A_104 = arith.constant 0 : i32
      %dma_wait3A_105 = arith.constant 0 : i32
      %dma_wait3A_106 = tpu.memref_slice %arg6[%dma_wait3A_104, %dma_wait3A_105] : memref<160000x128xf32, #tpu.memory_space<hbm>> -> memref<128x128xf32, #tpu.memory_space<hbm>>
      tpu.wait_dma2 semaphore(%arg14 : memref<!tpu.dma_semaphore, #tpu.memory_space<semaphore_mem>>) src(%dma_wait3A_106 : memref<128x128xf32, #tpu.memory_space<hbm>>) dst(%arg10 : memref<128x128xf32, #tpu.memory_space<vmem>>)
      %dma_wait3A_107 = arith.constant 0 : i32
      %dma_wait3A_108 = arith.constant 0 : i32
      %dma_wait3A_109 = tpu.memref_slice %arg6[%dma_wait3A_107, %dma_wait3A_108] : memref<160000x128xf32, #tpu.memory_space<hbm>> -> memref<128x128xf32, #tpu.memory_space<hbm>>
      %dma_wait3A_110 = arith.constant 0 : i32
      %dma_wait3A_111 = arith.constant 0 : i32
      %dma_wait3A_112 = tpu.memref_slice %arg6[%dma_wait3A_110, %dma_wait3A_111] : memref<160000x128xf32, #tpu.memory_space<hbm>> -> memref<128x128xf32, #tpu.memory_space<hbm>>
      tpu.wait_dma2 semaphore(%arg14 : memref<!tpu.dma_semaphore, #tpu.memory_space<semaphore_mem>>) src(%dma_wait3A_112 : memref<128x128xf32, #tpu.memory_space<hbm>>) dst(%arg11 : memref<128x128xf32, #tpu.memory_space<vmem>>)
      %dma_start3A_113 = arith.constant 0 : i32
      %dma_start3A_114 = tpu.memref_slice %arg6[%mul3A_100, %dma_start3A_113] : memref<160000x128xf32, #tpu.memory_space<hbm>> -> memref<128x128xf32, #tpu.memory_space<hbm>>
      %dma_start3A_115 = arith.constant 0 : i32
      %dma_start3A_116 = tpu.memref_slice %arg6[%mul3A_100, %dma_start3A_115] : memref<160000x128xf32, #tpu.memory_space<hbm>> -> memref<128x128xf32, #tpu.memory_space<hbm>>
      tpu.enqueue_dma source(%arg10 : memref<128x128xf32, #tpu.memory_space<vmem>>) target(%dma_start3A_116 : memref<128x128xf32, #tpu.memory_space<hbm>>) target_semaphore(%arg16 : memref<!tpu.dma_semaphore, #tpu.memory_space<semaphore_mem>>)
      %dma_start3A_117 = arith.constant 0 : i32
      %dma_start3A_118 = tpu.memref_slice %arg7[%mul3A_100, %dma_start3A_117] : memref<160000x128xf32, #tpu.memory_space<hbm>> -> memref<128x128xf32, #tpu.memory_space<hbm>>
      %dma_start3A_119 = arith.constant 0 : i32
      %dma_start3A_120 = tpu.memref_slice %arg7[%mul3A_100, %dma_start3A_119] : memref<160000x128xf32, #tpu.memory_space<hbm>> -> memref<128x128xf32, #tpu.memory_space<hbm>>
      tpu.enqueue_dma source(%arg11 : memref<128x128xf32, #tpu.memory_space<vmem>>) target(%dma_start3A_120 : memref<128x128xf32, #tpu.memory_space<hbm>>) target_semaphore(%arg16 : memref<!tpu.dma_semaphore, #tpu.memory_space<semaphore_mem>>)
      %add3A_121 = arith.constant 2 : i32
      %add3A_122 = arith.addi %add3A_97, %add3A_121 : i32
      %lt3A_123 = arith.cmpi slt, %add3A_122, %select_n3A_12 : i32
      %convert_element_type3A_124 = arith.extui %lt3A_123 : i1 to i32
      %cond3A_125 = arith.constant 0 : i32
      %cond3A_126 = arith.cmpi ne, %convert_element_type3A_124, %cond3A_125 : i32
      scf.if %cond3A_126 {
        %dma_wait3A_160 = arith.constant 0 : i32
        %dma_wait3A_161 = arith.constant 0 : i32
        %dma_wait3A_162 = tpu.memref_slice %arg6[%dma_wait3A_160, %dma_wait3A_161] : memref<160000x128xf32, #tpu.memory_space<hbm>> -> memref<128x128xf32, #tpu.memory_space<hbm>>
        %dma_wait3A_163 = arith.constant 0 : i32
        %dma_wait3A_164 = arith.constant 0 : i32
        %dma_wait3A_165 = tpu.memref_slice %arg6[%dma_wait3A_163, %dma_wait3A_164] : memref<160000x128xf32, #tpu.memory_space<hbm>> -> memref<128x128xf32, #tpu.memory_space<hbm>>
        tpu.wait_dma2 semaphore(%arg16 : memref<!tpu.dma_semaphore, #tpu.memory_space<semaphore_mem>>) src(%dma_wait3A_165 : memref<128x128xf32, #tpu.memory_space<hbm>>) dst(%arg10 : memref<128x128xf32, #tpu.memory_space<vmem>>)
        %dma_wait3A_166 = arith.constant 0 : i32
        %dma_wait3A_167 = arith.constant 0 : i32
        %dma_wait3A_168 = tpu.memref_slice %arg6[%dma_wait3A_166, %dma_wait3A_167] : memref<160000x128xf32, #tpu.memory_space<hbm>> -> memref<128x128xf32, #tpu.memory_space<hbm>>
        %dma_wait3A_169 = arith.constant 0 : i32
        %dma_wait3A_170 = arith.constant 0 : i32
        %dma_wait3A_171 = tpu.memref_slice %arg6[%dma_wait3A_169, %dma_wait3A_170] : memref<160000x128xf32, #tpu.memory_space<hbm>> -> memref<128x128xf32, #tpu.memory_space<hbm>>
        tpu.wait_dma2 semaphore(%arg16 : memref<!tpu.dma_semaphore, #tpu.memory_space<semaphore_mem>>) src(%dma_wait3A_171 : memref<128x128xf32, #tpu.memory_space<hbm>>) dst(%arg11 : memref<128x128xf32, #tpu.memory_space<vmem>>)
        %add3A_172 = arith.constant 2 : i32
        %add3A_173 = arith.addi %add3A_97, %add3A_172 : i32
        %mul3A_174 = arith.constant 128 : i32
        %mul3A_175 = arith.muli %add3A_173, %mul3A_174 : i32
        %dma_start3A_176 = tpu.memref_slice %arg8[%mul3A_175] : memref<5120xi32, #tpu.memory_space<vmem>> -> memref<128xi32, #tpu.memory_space<vmem>>
        %dma_start3A_177 = arith.constant 0 : i32
        %dma_start3A_178 = arith.constant 0 : i32
        %dma_start3A_179 = tpu.memref_slice %arg2[%dma_start3A_177, %dma_start3A_178] : memref<10000x128xf32, #tpu.memory_space<hbm>> -> memref<10000x128xf32, #tpu.memory_space<hbm>>
        tpu.enqueue_indirect_dma source(%dma_start3A_179 : memref<10000x128xf32, #tpu.memory_space<hbm>>) target(%arg10 : memref<128x128xf32, #tpu.memory_space<vmem>>) offsets(%dma_start3A_176 : memref<128xi32, #tpu.memory_space<vmem>>) semaphore(%arg14 : memref<!tpu.dma_semaphore, #tpu.memory_space<semaphore_mem>>)
        %add3A_180 = arith.constant 2 : i32
        %add3A_181 = arith.addi %add3A_97, %add3A_180 : i32
        %mul3A_182 = arith.constant 128 : i32
        %mul3A_183 = arith.muli %add3A_181, %mul3A_182 : i32
        %dma_start3A_184 = tpu.memref_slice %arg9[%mul3A_183] : memref<5120xi32, #tpu.memory_space<vmem>> -> memref<128xi32, #tpu.memory_space<vmem>>
        %dma_start3A_185 = arith.constant 0 : i32
        %dma_start3A_186 = arith.constant 0 : i32
        %dma_start3A_187 = tpu.memref_slice %arg3[%dma_start3A_185, %dma_start3A_186] : memref<10000x128xf32, #tpu.memory_space<hbm>> -> memref<10000x128xf32, #tpu.memory_space<hbm>>
        tpu.enqueue_indirect_dma source(%dma_start3A_187 : memref<10000x128xf32, #tpu.memory_space<hbm>>) target(%arg11 : memref<128x128xf32, #tpu.memory_space<vmem>>) offsets(%dma_start3A_184 : memref<128xi32, #tpu.memory_space<vmem>>) semaphore(%arg14 : memref<!tpu.dma_semaphore, #tpu.memory_space<semaphore_mem>>)
      } else {
      }
      %mul3A_127 = arith.constant 2 : i32
      %mul3A_128 = arith.muli %mul3A_127, %while3A_93 : i32
      %add3A_129 = arith.constant 1 : i32
      %add3A_130 = arith.addi %mul3A_128, %add3A_129 : i32
      %add3A_131 = arith.addi %select_n3A, %add3A_130 : i32
      %mul3A_132 = arith.constant 128 : i32
      %mul3A_133 = arith.muli %add3A_131, %mul3A_132 : i32
      %dma_wait3A_134 = arith.constant 0 : i32
      %dma_wait3A_135 = arith.constant 0 : i32
      %dma_wait3A_136 = tpu.memref_slice %arg6[%dma_wait3A_134, %dma_wait3A_135] : memref<160000x128xf32, #tpu.memory_space<hbm>> -> memref<128x128xf32, #tpu.memory_space<hbm>>
      %dma_wait3A_137 = arith.constant 0 : i32
      %dma_wait3A_138 = arith.constant 0 : i32
      %dma_wait3A_139 = tpu.memref_slice %arg6[%dma_wait3A_137, %dma_wait3A_138] : memref<160000x128xf32, #tpu.memory_space<hbm>> -> memref<128x128xf32, #tpu.memory_space<hbm>>
      tpu.wait_dma2 semaphore(%arg15 : memref<!tpu.dma_semaphore, #tpu.memory_space<semaphore_mem>>) src(%dma_wait3A_139 : memref<128x128xf32, #tpu.memory_space<hbm>>) dst(%arg12 : memref<128x128xf32, #tpu.memory_space<vmem>>)
      %dma_wait3A_140 = arith.constant 0 : i32
      %dma_wait3A_141 = arith.constant 0 : i32
      %dma_wait3A_142 = tpu.memref_slice %arg6[%dma_wait3A_140, %dma_wait3A_141] : memref<160000x128xf32, #tpu.memory_space<hbm>> -> memref<128x128xf32, #tpu.memory_space<hbm>>
      %dma_wait3A_143 = arith.constant 0 : i32
      %dma_wait3A_144 = arith.constant 0 : i32
      %dma_wait3A_145 = tpu.memref_slice %arg6[%dma_wait3A_143, %dma_wait3A_144] : memref<160000x128xf32, #tpu.memory_space<hbm>> -> memref<128x128xf32, #tpu.memory_space<hbm>>
      tpu.wait_dma2 semaphore(%arg15 : memref<!tpu.dma_semaphore, #tpu.memory_space<semaphore_mem>>) src(%dma_wait3A_145 : memref<128x128xf32, #tpu.memory_space<hbm>>) dst(%arg13 : memref<128x128xf32, #tpu.memory_space<vmem>>)
      %dma_start3A_146 = arith.constant 0 : i32
      %dma_start3A_147 = tpu.memref_slice %arg6[%mul3A_133, %dma_start3A_146] : memref<160000x128xf32, #tpu.memory_space<hbm>> -> memref<128x128xf32, #tpu.memory_space<hbm>>
      %dma_start3A_148 = arith.constant 0 : i32
      %dma_start3A_149 = tpu.memref_slice %arg6[%mul3A_133, %dma_start3A_148] : memref<160000x128xf32, #tpu.memory_space<hbm>> -> memref<128x128xf32, #tpu.memory_space<hbm>>
      tpu.enqueue_dma source(%arg12 : memref<128x128xf32, #tpu.memory_space<vmem>>) target(%dma_start3A_149 : memref<128x128xf32, #tpu.memory_space<hbm>>) target_semaphore(%arg17 : memref<!tpu.dma_semaphore, #tpu.memory_space<semaphore_mem>>)
      %dma_start3A_150 = arith.constant 0 : i32
      %dma_start3A_151 = tpu.memref_slice %arg7[%mul3A_133, %dma_start3A_150] : memref<160000x128xf32, #tpu.memory_space<hbm>> -> memref<128x128xf32, #tpu.memory_space<hbm>>
      %dma_start3A_152 = arith.constant 0 : i32
      %dma_start3A_153 = tpu.memref_slice %arg7[%mul3A_133, %dma_start3A_152] : memref<160000x128xf32, #tpu.memory_space<hbm>> -> memref<128x128xf32, #tpu.memory_space<hbm>>
      tpu.enqueue_dma source(%arg13 : memref<128x128xf32, #tpu.memory_space<vmem>>) target(%dma_start3A_153 : memref<128x128xf32, #tpu.memory_space<hbm>>) target_semaphore(%arg17 : memref<!tpu.dma_semaphore, #tpu.memory_space<semaphore_mem>>)
      %add3A_154 = arith.constant 2 : i32
      %add3A_155 = arith.addi %add3A_130, %add3A_154 : i32
      %lt3A_156 = arith.cmpi slt, %add3A_155, %select_n3A_12 : i32
      %convert_element_type3A_157 = arith.extui %lt3A_156 : i1 to i32
      %cond3A_158 = arith.constant 0 : i32
      %cond3A_159 = arith.cmpi ne, %convert_element_type3A_157, %cond3A_158 : i32
      scf.if %cond3A_159 {
        %dma_wait3A_160 = arith.constant 0 : i32
        %dma_wait3A_161 = arith.constant 0 : i32
        %dma_wait3A_162 = tpu.memref_slice %arg6[%dma_wait3A_160, %dma_wait3A_161] : memref<160000x128xf32, #tpu.memory_space<hbm>> -> memref<128x128xf32, #tpu.memory_space<hbm>>
        %dma_wait3A_163 = arith.constant 0 : i32
        %dma_wait3A_164 = arith.constant 0 : i32
        %dma_wait3A_165 = tpu.memref_slice %arg6[%dma_wait3A_163, %dma_wait3A_164] : memref<160000x128xf32, #tpu.memory_space<hbm>> -> memref<128x128xf32, #tpu.memory_space<hbm>>
        tpu.wait_dma2 semaphore(%arg17 : memref<!tpu.dma_semaphore, #tpu.memory_space<semaphore_mem>>) src(%dma_wait3A_165 : memref<128x128xf32, #tpu.memory_space<hbm>>) dst(%arg12 : memref<128x128xf32, #tpu.memory_space<vmem>>)
        %dma_wait3A_166 = arith.constant 0 : i32
        %dma_wait3A_167 = arith.constant 0 : i32
        %dma_wait3A_168 = tpu.memref_slice %arg6[%dma_wait3A_166, %dma_wait3A_167] : memref<160000x128xf32, #tpu.memory_space<hbm>> -> memref<128x128xf32, #tpu.memory_space<hbm>>
        %dma_wait3A_169 = arith.constant 0 : i32
        %dma_wait3A_170 = arith.constant 0 : i32
        %dma_wait3A_171 = tpu.memref_slice %arg6[%dma_wait3A_169, %dma_wait3A_170] : memref<160000x128xf32, #tpu.memory_space<hbm>> -> memref<128x128xf32, #tpu.memory_space<hbm>>
        tpu.wait_dma2 semaphore(%arg17 : memref<!tpu.dma_semaphore, #tpu.memory_space<semaphore_mem>>) src(%dma_wait3A_171 : memref<128x128xf32, #tpu.memory_space<hbm>>) dst(%arg13 : memref<128x128xf32, #tpu.memory_space<vmem>>)
        %add3A_172 = arith.constant 2 : i32
        %add3A_173 = arith.addi %add3A_130, %add3A_172 : i32
        %mul3A_174 = arith.constant 128 : i32
        %mul3A_175 = arith.muli %add3A_173, %mul3A_174 : i32
        %dma_start3A_176 = tpu.memref_slice %arg8[%mul3A_175] : memref<5120xi32, #tpu.memory_space<vmem>> -> memref<128xi32, #tpu.memory_space<vmem>>
        %dma_start3A_177 = arith.constant 0 : i32
        %dma_start3A_178 = arith.constant 0 : i32
        %dma_start3A_179 = tpu.memref_slice %arg2[%dma_start3A_177, %dma_start3A_178] : memref<10000x128xf32, #tpu.memory_space<hbm>> -> memref<10000x128xf32, #tpu.memory_space<hbm>>
        tpu.enqueue_indirect_dma source(%dma_start3A_179 : memref<10000x128xf32, #tpu.memory_space<hbm>>) target(%arg12 : memref<128x128xf32, #tpu.memory_space<vmem>>) offsets(%dma_start3A_176 : memref<128xi32, #tpu.memory_space<vmem>>) semaphore(%arg15 : memref<!tpu.dma_semaphore, #tpu.memory_space<semaphore_mem>>)
        %add3A_180 = arith.constant 2 : i32
        %add3A_181 = arith.addi %add3A_130, %add3A_180 : i32
        %mul3A_182 = arith.constant 128 : i32
        %mul3A_183 = arith.muli %add3A_181, %mul3A_182 : i32
        %dma_start3A_184 = tpu.memref_slice %arg9[%mul3A_183] : memref<5120xi32, #tpu.memory_space<vmem>> -> memref<128xi32, #tpu.memory_space<vmem>>
        %dma_start3A_185 = arith.constant 0 : i32
        %dma_start3A_186 = arith.constant 0 : i32
        %dma_start3A_187 = tpu.memref_slice %arg3[%dma_start3A_185, %dma_start3A_186] : memref<10000x128xf32, #tpu.memory_space<hbm>> -> memref<10000x128xf32, #tpu.memory_space<hbm>>
        tpu.enqueue_indirect_dma source(%dma_start3A_187 : memref<10000x128xf32, #tpu.memory_space<hbm>>) target(%arg13 : memref<128x128xf32, #tpu.memory_space<vmem>>) offsets(%dma_start3A_184 : memref<128xi32, #tpu.memory_space<vmem>>) semaphore(%arg15 : memref<!tpu.dma_semaphore, #tpu.memory_space<semaphore_mem>>)
      } else {
      }
    }
    %while3A_69 = arith.constant 1 : i32
    scf.for %while3A_93 = %while3A_67 to %while3A_63 step %while3A_69  : i32 {
      %mul3A_94 = arith.constant 2 : i32
      %mul3A_95 = arith.muli %mul3A_94, %while3A_93 : i32
      %add3A_96 = arith.constant 0 : i32
      %add3A_97 = arith.addi %mul3A_95, %add3A_96 : i32
      %add3A_98 = arith.addi %select_n3A, %add3A_97 : i32
      %mul3A_99 = arith.constant 128 : i32
      %mul3A_100 = arith.muli %add3A_98, %mul3A_99 : i32
      %dma_wait3A_101 = arith.constant 0 : i32
      %dma_wait3A_102 = arith.constant 0 : i32
      %dma_wait3A_103 = tpu.memref_slice %arg6[%dma_wait3A_101, %dma_wait3A_102] : memref<160000x128xf32, #tpu.memory_space<hbm>> -> memref<128x128xf32, #tpu.memory_space<hbm>>
      %dma_wait3A_104 = arith.constant 0 : i32
      %dma_wait3A_105 = arith.constant 0 : i32
      %dma_wait3A_106 = tpu.memref_slice %arg6[%dma_wait3A_104, %dma_wait3A_105] : memref<160000x128xf32, #tpu.memory_space<hbm>> -> memref<128x128xf32, #tpu.memory_space<hbm>>
      tpu.wait_dma2 semaphore(%arg14 : memref<!tpu.dma_semaphore, #tpu.memory_space<semaphore_mem>>) src(%dma_wait3A_106 : memref<128x128xf32, #tpu.memory_space<hbm>>) dst(%arg10 : memref<128x128xf32, #tpu.memory_space<vmem>>)
      %dma_wait3A_107 = arith.constant 0 : i32
      %dma_wait3A_108 = arith.constant 0 : i32
      %dma_wait3A_109 = tpu.memref_slice %arg6[%dma_wait3A_107, %dma_wait3A_108] : memref<160000x128xf32, #tpu.memory_space<hbm>> -> memref<128x128xf32, #tpu.memory_space<hbm>>
      %dma_wait3A_110 = arith.constant 0 : i32
      %dma_wait3A_111 = arith.constant 0 : i32
      %dma_wait3A_112 = tpu.memref_slice %arg6[%dma_wait3A_110, %dma_wait3A_111] : memref<160000x128xf32, #tpu.memory_space<hbm>> -> memref<128x128xf32, #tpu.memory_space<hbm>>
      tpu.wait_dma2 semaphore(%arg14 : memref<!tpu.dma_semaphore, #tpu.memory_space<semaphore_mem>>) src(%dma_wait3A_112 : memref<128x128xf32, #tpu.memory_space<hbm>>) dst(%arg11 : memref<128x128xf32, #tpu.memory_space<vmem>>)
      %dma_start3A_113 = arith.constant 0 : i32
      %dma_start3A_114 = tpu.memref_slice %arg6[%mul3A_100, %dma_start3A_113] : memref<160000x128xf32, #tpu.memory_space<hbm>> -> memref<128x128xf32, #tpu.memory_space<hbm>>
      %dma_start3A_115 = arith.constant 0 : i32
      %dma_start3A_116 = tpu.memref_slice %arg6[%mul3A_100, %dma_start3A_115] : memref<160000x128xf32, #tpu.memory_space<hbm>> -> memref<128x128xf32, #tpu.memory_space<hbm>>
      tpu.enqueue_dma source(%arg10 : memref<128x128xf32, #tpu.memory_space<vmem>>) target(%dma_start3A_116 : memref<128x128xf32, #tpu.memory_space<hbm>>) target_semaphore(%arg16 : memref<!tpu.dma_semaphore, #tpu.memory_space<semaphore_mem>>)
      %dma_start3A_117 = arith.constant 0 : i32
      %dma_start3A_118 = tpu.memref_slice %arg7[%mul3A_100, %dma_start3A_117] : memref<160000x128xf32, #tpu.memory_space<hbm>> -> memref<128x128xf32, #tpu.memory_space<hbm>>
      %dma_start3A_119 = arith.constant 0 : i32
      %dma_start3A_120 = tpu.memref_slice %arg7[%mul3A_100, %dma_start3A_119] : memref<160000x128xf32, #tpu.memory_space<hbm>> -> memref<128x128xf32, #tpu.memory_space<hbm>>
      tpu.enqueue_dma source(%arg11 : memref<128x128xf32, #tpu.memory_space<vmem>>) target(%dma_start3A_120 : memref<128x128xf32, #tpu.memory_space<hbm>>) target_semaphore(%arg16 : memref<!tpu.dma_semaphore, #tpu.memory_space<semaphore_mem>>)
      %add3A_121 = arith.constant 2 : i32
      %add3A_122 = arith.addi %add3A_97, %add3A_121 : i32
      %lt3A_123 = arith.cmpi slt, %add3A_122, %select_n3A_12 : i32
      %convert_element_type3A_124 = arith.extui %lt3A_123 : i1 to i32
      %cond3A_125 = arith.constant 0 : i32
      %cond3A_126 = arith.cmpi ne, %convert_element_type3A_124, %cond3A_125 : i32
      scf.if %cond3A_126 {
        %dma_wait3A_160 = arith.constant 0 : i32
        %dma_wait3A_161 = arith.constant 0 : i32
        %dma_wait3A_162 = tpu.memref_slice %arg6[%dma_wait3A_160, %dma_wait3A_161] : memref<160000x128xf32, #tpu.memory_space<hbm>> -> memref<128x128xf32, #tpu.memory_space<hbm>>
        %dma_wait3A_163 = arith.constant 0 : i32
        %dma_wait3A_164 = arith.constant 0 : i32
        %dma_wait3A_165 = tpu.memref_slice %arg6[%dma_wait3A_163, %dma_wait3A_164] : memref<160000x128xf32, #tpu.memory_space<hbm>> -> memref<128x128xf32, #tpu.memory_space<hbm>>
        tpu.wait_dma2 semaphore(%arg16 : memref<!tpu.dma_semaphore, #tpu.memory_space<semaphore_mem>>) src(%dma_wait3A_165 : memref<128x128xf32, #tpu.memory_space<hbm>>) dst(%arg10 : memref<128x128xf32, #tpu.memory_space<vmem>>)
        %dma_wait3A_166 = arith.constant 0 : i32
        %dma_wait3A_167 = arith.constant 0 : i32
        %dma_wait3A_168 = tpu.memref_slice %arg6[%dma_wait3A_166, %dma_wait3A_167] : memref<160000x128xf32, #tpu.memory_space<hbm>> -> memref<128x128xf32, #tpu.memory_space<hbm>>
        %dma_wait3A_169 = arith.constant 0 : i32
        %dma_wait3A_170 = arith.constant 0 : i32
        %dma_wait3A_171 = tpu.memref_slice %arg6[%dma_wait3A_169, %dma_wait3A_170] : memref<160000x128xf32, #tpu.memory_space<hbm>> -> memref<128x128xf32, #tpu.memory_space<hbm>>
        tpu.wait_dma2 semaphore(%arg16 : memref<!tpu.dma_semaphore, #tpu.memory_space<semaphore_mem>>) src(%dma_wait3A_171 : memref<128x128xf32, #tpu.memory_space<hbm>>) dst(%arg11 : memref<128x128xf32, #tpu.memory_space<vmem>>)
        %add3A_172 = arith.constant 2 : i32
        %add3A_173 = arith.addi %add3A_97, %add3A_172 : i32
        %mul3A_174 = arith.constant 128 : i32
        %mul3A_175 = arith.muli %add3A_173, %mul3A_174 : i32
        %dma_start3A_176 = tpu.memref_slice %arg8[%mul3A_175] : memref<5120xi32, #tpu.memory_space<vmem>> -> memref<128xi32, #tpu.memory_space<vmem>>
        %dma_start3A_177 = arith.constant 0 : i32
        %dma_start3A_178 = arith.constant 0 : i32
        %dma_start3A_179 = tpu.memref_slice %arg2[%dma_start3A_177, %dma_start3A_178] : memref<10000x128xf32, #tpu.memory_space<hbm>> -> memref<10000x128xf32, #tpu.memory_space<hbm>>
        tpu.enqueue_indirect_dma source(%dma_start3A_179 : memref<10000x128xf32, #tpu.memory_space<hbm>>) target(%arg10 : memref<128x128xf32, #tpu.memory_space<vmem>>) offsets(%dma_start3A_176 : memref<128xi32, #tpu.memory_space<vmem>>) semaphore(%arg14 : memref<!tpu.dma_semaphore, #tpu.memory_space<semaphore_mem>>)
        %add3A_180 = arith.constant 2 : i32
        %add3A_181 = arith.addi %add3A_97, %add3A_180 : i32
        %mul3A_182 = arith.constant 128 : i32
        %mul3A_183 = arith.muli %add3A_181, %mul3A_182 : i32
        %dma_start3A_184 = tpu.memref_slice %arg9[%mul3A_183] : memref<5120xi32, #tpu.memory_space<vmem>> -> memref<128xi32, #tpu.memory_space<vmem>>
        %dma_start3A_185 = arith.constant 0 : i32
        %dma_start3A_186 = arith.constant 0 : i32
        %dma_start3A_187 = tpu.memref_slice %arg3[%dma_start3A_185, %dma_start3A_186] : memref<10000x128xf32, #tpu.memory_space<hbm>> -> memref<10000x128xf32, #tpu.memory_space<hbm>>
        tpu.enqueue_indirect_dma source(%dma_start3A_187 : memref<10000x128xf32, #tpu.memory_space<hbm>>) target(%arg11 : memref<128x128xf32, #tpu.memory_space<vmem>>) offsets(%dma_start3A_184 : memref<128xi32, #tpu.memory_space<vmem>>) semaphore(%arg14 : memref<!tpu.dma_semaphore, #tpu.memory_space<semaphore_mem>>)
      } else {
      }
      %mul3A_127 = arith.constant 2 : i32
      %mul3A_128 = arith.muli %mul3A_127, %while3A_93 : i32
      %add3A_129 = arith.constant 1 : i32
      %add3A_130 = arith.addi %mul3A_128, %add3A_129 : i32
      %add3A_131 = arith.addi %select_n3A, %add3A_130 : i32
      %mul3A_132 = arith.constant 128 : i32
      %mul3A_133 = arith.muli %add3A_131, %mul3A_132 : i32
      %dma_wait3A_134 = arith.constant 0 : i32
      %dma_wait3A_135 = arith.constant 0 : i32
      %dma_wait3A_136 = tpu.memref_slice %arg6[%dma_wait3A_134, %dma_wait3A_135] : memref<160000x128xf32, #tpu.memory_space<hbm>> -> memref<128x128xf32, #tpu.memory_space<hbm>>
      %dma_wait3A_137 = arith.constant 0 : i32
      %dma_wait3A_138 = arith.constant 0 : i32
      %dma_wait3A_139 = tpu.memref_slice %arg6[%dma_wait3A_137, %dma_wait3A_138] : memref<160000x128xf32, #tpu.memory_space<hbm>> -> memref<128x128xf32, #tpu.memory_space<hbm>>
      tpu.wait_dma2 semaphore(%arg15 : memref<!tpu.dma_semaphore, #tpu.memory_space<semaphore_mem>>) src(%dma_wait3A_139 : memref<128x128xf32, #tpu.memory_space<hbm>>) dst(%arg12 : memref<128x128xf32, #tpu.memory_space<vmem>>)
      %dma_wait3A_140 = arith.constant 0 : i32
      %dma_wait3A_141 = arith.constant 0 : i32
      %dma_wait3A_142 = tpu.memref_slice %arg6[%dma_wait3A_140, %dma_wait3A_141] : memref<160000x128xf32, #tpu.memory_space<hbm>> -> memref<128x128xf32, #tpu.memory_space<hbm>>
      %dma_wait3A_143 = arith.constant 0 : i32
      %dma_wait3A_144 = arith.constant 0 : i32
      %dma_wait3A_145 = tpu.memref_slice %arg6[%dma_wait3A_143, %dma_wait3A_144] : memref<160000x128xf32, #tpu.memory_space<hbm>> -> memref<128x128xf32, #tpu.memory_space<hbm>>
      tpu.wait_dma2 semaphore(%arg15 : memref<!tpu.dma_semaphore, #tpu.memory_space<semaphore_mem>>) src(%dma_wait3A_145 : memref<128x128xf32, #tpu.memory_space<hbm>>) dst(%arg13 : memref<128x128xf32, #tpu.memory_space<vmem>>)
      %dma_start3A_146 = arith.constant 0 : i32
      %dma_start3A_147 = tpu.memref_slice %arg6[%mul3A_133, %dma_start3A_146] : memref<160000x128xf32, #tpu.memory_space<hbm>> -> memref<128x128xf32, #tpu.memory_space<hbm>>
      %dma_start3A_148 = arith.constant 0 : i32
      %dma_start3A_149 = tpu.memref_slice %arg6[%mul3A_133, %dma_start3A_148] : memref<160000x128xf32, #tpu.memory_space<hbm>> -> memref<128x128xf32, #tpu.memory_space<hbm>>
      tpu.enqueue_dma source(%arg12 : memref<128x128xf32, #tpu.memory_space<vmem>>) target(%dma_start3A_149 : memref<128x128xf32, #tpu.memory_space<hbm>>) target_semaphore(%arg17 : memref<!tpu.dma_semaphore, #tpu.memory_space<semaphore_mem>>)
      %dma_start3A_150 = arith.constant 0 : i32
      %dma_start3A_151 = tpu.memref_slice %arg7[%mul3A_133, %dma_start3A_150] : memref<160000x128xf32, #tpu.memory_space<hbm>> -> memref<128x128xf32, #tpu.memory_space<hbm>>
      %dma_start3A_152 = arith.constant 0 : i32
      %dma_start3A_153 = tpu.memref_slice %arg7[%mul3A_133, %dma_start3A_152] : memref<160000x128xf32, #tpu.memory_space<hbm>> -> memref<128x128xf32, #tpu.memory_space<hbm>>
      tpu.enqueue_dma source(%arg13 : memref<128x128xf32, #tpu.memory_space<vmem>>) target(%dma_start3A_153 : memref<128x128xf32, #tpu.memory_space<hbm>>) target_semaphore(%arg17 : memref<!tpu.dma_semaphore, #tpu.memory_space<semaphore_mem>>)
      %add3A_154 = arith.constant 2 : i32
      %add3A_155 = arith.addi %add3A_130, %add3A_154 : i32
      %lt3A_156 = arith.cmpi slt, %add3A_155, %select_n3A_12 : i32
      %convert_element_type3A_157 = arith.extui %lt3A_156 : i1 to i32
      %cond3A_158 = arith.constant 0 : i32
      %cond3A_159 = arith.cmpi ne, %convert_element_type3A_157, %cond3A_158 : i32
      scf.if %cond3A_159 {
        %dma_wait3A_160 = arith.constant 0 : i32
        %dma_wait3A_161 = arith.constant 0 : i32
        %dma_wait3A_162 = tpu.memref_slice %arg6[%dma_wait3A_160, %dma_wait3A_161] : memref<160000x128xf32, #tpu.memory_space<hbm>> -> memref<128x128xf32, #tpu.memory_space<hbm>>
        %dma_wait3A_163 = arith.constant 0 : i32
        %dma_wait3A_164 = arith.constant 0 : i32
        %dma_wait3A_165 = tpu.memref_slice %arg6[%dma_wait3A_163, %dma_wait3A_164] : memref<160000x128xf32, #tpu.memory_space<hbm>> -> memref<128x128xf32, #tpu.memory_space<hbm>>
        tpu.wait_dma2 semaphore(%arg17 : memref<!tpu.dma_semaphore, #tpu.memory_space<semaphore_mem>>) src(%dma_wait3A_165 : memref<128x128xf32, #tpu.memory_space<hbm>>) dst(%arg12 : memref<128x128xf32, #tpu.memory_space<vmem>>)
        %dma_wait3A_166 = arith.constant 0 : i32
        %dma_wait3A_167 = arith.constant 0 : i32
        %dma_wait3A_168 = tpu.memref_slice %arg6[%dma_wait3A_166, %dma_wait3A_167] : memref<160000x128xf32, #tpu.memory_space<hbm>> -> memref<128x128xf32, #tpu.memory_space<hbm>>
        %dma_wait3A_169 = arith.constant 0 : i32
        %dma_wait3A_170 = arith.constant 0 : i32
        %dma_wait3A_171 = tpu.memref_slice %arg6[%dma_wait3A_169, %dma_wait3A_170] : memref<160000x128xf32, #tpu.memory_space<hbm>> -> memref<128x128xf32, #tpu.memory_space<hbm>>
        tpu.wait_dma2 semaphore(%arg17 : memref<!tpu.dma_semaphore, #tpu.memory_space<semaphore_mem>>) src(%dma_wait3A_171 : memref<128x128xf32, #tpu.memory_space<hbm>>) dst(%arg13 : memref<128x128xf32, #tpu.memory_space<vmem>>)
        %add3A_172 = arith.constant 2 : i32
        %add3A_173 = arith.addi %add3A_130, %add3A_172 : i32
        %mul3A_174 = arith.constant 128 : i32
        %mul3A_175 = arith.muli %add3A_173, %mul3A_174 : i32
        %dma_start3A_176 = tpu.memref_slice %arg8[%mul3A_175] : memref<5120xi32, #tpu.memory_space<vmem>> -> memref<128xi32, #tpu.memory_space<vmem>>
        %dma_start3A_177 = arith.constant 0 : i32
        %dma_start3A_178 = arith.constant 0 : i32
        %dma_start3A_179 = tpu.memref_slice %arg2[%dma_start3A_177, %dma_start3A_178] : memref<10000x128xf32, #tpu.memory_space<hbm>> -> memref<10000x128xf32, #tpu.memory_space<hbm>>
        tpu.enqueue_indirect_dma source(%dma_start3A_179 : memref<10000x128xf32, #tpu.memory_space<hbm>>) target(%arg12 : memref<128x128xf32, #tpu.memory_space<vmem>>) offsets(%dma_start3A_176 : memref<128xi32, #tpu.memory_space<vmem>>) semaphore(%arg15 : memref<!tpu.dma_semaphore, #tpu.memory_space<semaphore_mem>>)
        %add3A_180 = arith.constant 2 : i32
        %add3A_181 = arith.addi %add3A_130, %add3A_180 : i32
        %mul3A_182 = arith.constant 128 : i32
        %mul3A_183 = arith.muli %add3A_181, %mul3A_182 : i32
        %dma_start3A_184 = tpu.memref_slice %arg9[%mul3A_183] : memref<5120xi32, #tpu.memory_space<vmem>> -> memref<128xi32, #tpu.memory_space<vmem>>
        %dma_start3A_185 = arith.constant 0 : i32
        %dma_start3A_186 = arith.constant 0 : i32
        %dma_start3A_187 = tpu.memref_slice %arg3[%dma_start3A_185, %dma_start3A_186] : memref<10000x128xf32, #tpu.memory_space<hbm>> -> memref<10000x128xf32, #tpu.memory_space<hbm>>
        tpu.enqueue_indirect_dma source(%dma_start3A_187 : memref<10000x128xf32, #tpu.memory_space<hbm>>) target(%arg13 : memref<128x128xf32, #tpu.memory_space<vmem>>) offsets(%dma_start3A_184 : memref<128xi32, #tpu.memory_space<vmem>>) semaphore(%arg15 : memref<!tpu.dma_semaphore, #tpu.memory_space<semaphore_mem>>)
      } else {
      }
    }
    %dma_wait3A = arith.constant 0 : i32
    %dma_wait3A_70 = arith.constant 0 : i32
    %dma_wait3A_71 = tpu.memref_slice %arg6[%dma_wait3A, %dma_wait3A_70] : memref<160000x128xf32, #tpu.memory_space<hbm>> -> memref<128x128xf32, #tpu.memory_space<hbm>>
    %dma_wait3A_72 = arith.constant 0 : i32
    %dma_wait3A_73 = arith.constant 0 : i32
    %dma_wait3A_74 = tpu.memref_slice %arg6[%dma_wait3A_72, %dma_wait3A_73] : memref<160000x128xf32, #tpu.memory_space<hbm>> -> memref<128x128xf32, #tpu.memory_space<hbm>>
    tpu.wait_dma2 semaphore(%arg16 : memref<!tpu.dma_semaphore, #tpu.memory_space<semaphore_mem>>) src(%dma_wait3A_74 : memref<128x128xf32, #tpu.memory_space<hbm>>) dst(%arg10 : memref<128x128xf32, #tpu.memory_space<vmem>>)
    %dma_wait3A_75 = arith.constant 0 : i32
    %dma_wait3A_76 = arith.constant 0 : i32
    %dma_wait3A_77 = tpu.memref_slice %arg6[%dma_wait3A_75, %dma_wait3A_76] : memref<160000x128xf32, #tpu.memory_space<hbm>> -> memref<128x128xf32, #tpu.memory_space<hbm>>
    %dma_wait3A_78 = arith.constant 0 : i32
    %dma_wait3A_79 = arith.constant 0 : i32
    %dma_wait3A_80 = tpu.memref_slice %arg6[%dma_wait3A_78, %dma_wait3A_79] : memref<160000x128xf32, #tpu.memory_space<hbm>> -> memref<128x128xf32, #tpu.memory_space<hbm>>
    tpu.wait_dma2 semaphore(%arg16 : memref<!tpu.dma_semaphore, #tpu.memory_space<semaphore_mem>>) src(%dma_wait3A_80 : memref<128x128xf32, #tpu.memory_space<hbm>>) dst(%arg11 : memref<128x128xf32, #tpu.memory_space<vmem>>)
    %dma_wait3A_81 = arith.constant 0 : i32
    %dma_wait3A_82 = arith.constant 0 : i32
    %dma_wait3A_83 = tpu.memref_slice %arg6[%dma_wait3A_81, %dma_wait3A_82] : memref<160000x128xf32, #tpu.memory_space<hbm>> -> memref<128x128xf32, #tpu.memory_space<hbm>>
    %dma_wait3A_84 = arith.constant 0 : i32
    %dma_wait3A_85 = arith.constant 0 : i32
    %dma_wait3A_86 = tpu.memref_slice %arg6[%dma_wait3A_84, %dma_wait3A_85] : memref<160000x128xf32, #tpu.memory_space<hbm>> -> memref<128x128xf32, #tpu.memory_space<hbm>>
    tpu.wait_dma2 semaphore(%arg17 : memref<!tpu.dma_semaphore, #tpu.memory_space<semaphore_mem>>) src(%dma_wait3A_86 : memref<128x128xf32, #tpu.memory_space<hbm>>) dst(%arg12 : memref<128x128xf32, #tpu.memory_space<vmem>>)
    %dma_wait3A_87 = arith.constant 0 : i32
    %dma_wait3A_88 = arith.constant 0 : i32
    %dma_wait3A_89 = tpu.memref_slice %arg6[%dma_wait3A_87, %dma_wait3A_88] : memref<160000x128xf32, #tpu.memory_space<hbm>> -> memref<128x128xf32, #tpu.memory_space<hbm>>
    %dma_wait3A_90 = arith.constant 0 : i32
    %dma_wait3A_91 = arith.constant 0 : i32
    %dma_wait3A_92 = tpu.memref_slice %arg6[%dma_wait3A_90, %dma_wait3A_91] : memref<160000x128xf32, #tpu.memory_space<hbm>> -> memref<128x128xf32, #tpu.memory_space<hbm>>
    tpu.wait_dma2 semaphore(%arg17 : memref<!tpu.dma_semaphore, #tpu.memory_space<semaphore_mem>>) src(%dma_wait3A_92 : memref<128x128xf32, #tpu.memory_space<hbm>>) dst(%arg13 : memref<128x128xf32, #tpu.memory_space<vmem>>)
    return
  }
}

#map = affine_map<(d0, d1) -> (0, 0)>
#map1 = affine_map<(d0, d1) -> (0)>
#map2 = affine_map<(d0, d1) -> (0, 0, 0)>
module attributes {stable_mosaic.version = 14 : i64} {
  func.func @scatter(%arg0: i32, %arg1: i32, %arg2: memref<160000x128xf32, #tpu.memory_space<hbm>>, %arg3: memref<320000xi32, #tpu.memory_space<hbm>>, %arg4: memref<632x128xf32, #tpu.memory_space<hbm>>, %arg5: memref<2x10112x128xf32, #tpu.memory_space<hbm>>, %arg6: memref<128xi32, #tpu.memory_space<vmem>>, %arg7: memref<128xi32, #tpu.memory_space<vmem>>, %arg8: memref<128x128xf32, #tpu.memory_space<vmem>>, %arg9: memref<128x128xf32, #tpu.memory_space<vmem>>, %arg10: memref<10112x128xf32, #tpu.memory_space<vmem_shared>>, %arg11: memref<!tpu.dma_semaphore, #tpu.memory_space<semaphore_mem>>, %arg12: memref<!tpu.dma_semaphore, #tpu.memory_space<semaphore_mem>>) attributes {dimension_semantics = [#tpu.dimension_semantics<core_parallel>, #tpu.dimension_semantics<subcore_parallel>], iteration_bounds = array<i64: 2, 16>, scalar_prefetch = 0 : i64, scratch_operands = 7 : i64, tpu.core_type = #tpu.core_type<sc_vector_subcore>, window_params = [{transform_indices = #map}, {transform_indices = #map1}, {transform_indices = #map}, {transform_indices = #map2}]} {
    %mul3A = arith.constant 2 : i32
    %mul3A_0 = arith.muli %arg1, %mul3A : i32
    %add3A = arith.addi %mul3A_0, %arg0 : i32
    %lt3A = arith.constant 17 : i32
    %lt3A_1 = arith.cmpi slt, %add3A, %lt3A : i32
    %mul3A_2 = arith.constant 40 : i32
    %mul3A_3 = arith.muli %add3A, %mul3A_2 : i32
    %sub3A = arith.constant 17 : i32
    %sub3A_4 = arith.subi %add3A, %sub3A : i32
    %mul3A_5 = arith.constant 38 : i32
    %mul3A_6 = arith.muli %sub3A_4, %mul3A_5 : i32
    %add3A_7 = arith.constant 680 : i32
    %add3A_8 = arith.addi %add3A_7, %mul3A_6 : i32
    %select_n3A = arith.select %lt3A_1, %mul3A_3, %add3A_8 : i32
    %lt3A_9 = arith.constant 17 : i32
    %lt3A_10 = arith.cmpi slt, %add3A, %lt3A_9 : i32
    %jit3A = arith.constant 40 : i32
    %jit3A_11 = arith.constant 38 : i32
    %select_n3A_12 = arith.select %lt3A_10, %jit3A, %jit3A_11 : i32
    %mul3A_13 = arith.constant 632 : i32
    %mul3A_14 = arith.muli %arg1, %mul3A_13 : i32
    "tpu.region"() ({
      %run_scoped3A = tpu.sem_alloc : memref<!tpu.dma_semaphore, #tpu.memory_space<semaphore_mem>>
      %dma_start3A_71 = arith.constant 0 : i32
      %dma_start3A_72 = tpu.memref_slice %arg10[%mul3A_14, %dma_start3A_71] : memref<10112x128xf32, #tpu.memory_space<vmem_shared>> -> memref<632x128xf32, #tpu.memory_space<vmem_shared>>
      tpu.enqueue_dma source(%arg4 : memref<632x128xf32, #tpu.memory_space<hbm>>) target(%dma_start3A_72 : memref<632x128xf32, #tpu.memory_space<vmem_shared>>) target_semaphore(%run_scoped3A : memref<!tpu.dma_semaphore, #tpu.memory_space<semaphore_mem>>)
      %dma_wait3A = arith.constant 0 : i32
      %dma_wait3A_73 = tpu.memref_slice %arg10[%mul3A_14, %dma_wait3A] : memref<10112x128xf32, #tpu.memory_space<vmem_shared>> -> memref<632x128xf32, #tpu.memory_space<vmem_shared>>
      tpu.wait_dma2 semaphore(%run_scoped3A : memref<!tpu.dma_semaphore, #tpu.memory_space<semaphore_mem>>) src(%arg4 : memref<632x128xf32, #tpu.memory_space<hbm>>) dst(%dma_wait3A_73 : memref<632x128xf32, #tpu.memory_space<vmem_shared>>)
      tpu.yield
    }) : () -> ()
    %barrier3A = arith.constant 0 : index
    tpu.barrier barrier_id(%barrier3A)
    %add3A_15 = arith.constant 0 : i32
    %add3A_16 = arith.addi %select_n3A, %add3A_15 : i32
    %mul3A_17 = arith.constant 128 : i32
    %mul3A_18 = arith.muli %add3A_16, %mul3A_17 : i32
    %add3A_19 = arith.constant 160000 : i32
    %add3A_20 = arith.addi %add3A_19, %mul3A_18 : i32
    %dma_start3A = tpu.memref_slice %arg3[%add3A_20] : memref<320000xi32, #tpu.memory_space<hbm>> -> memref<128xi32, #tpu.memory_space<hbm>>
    %dma_start3A_21 = tpu.memref_slice %arg3[%add3A_20] : memref<320000xi32, #tpu.memory_space<hbm>> -> memref<128xi32, #tpu.memory_space<hbm>>
    tpu.enqueue_dma source(%dma_start3A_21 : memref<128xi32, #tpu.memory_space<hbm>>) target(%arg6 : memref<128xi32, #tpu.memory_space<vmem>>) target_semaphore(%arg11 : memref<!tpu.dma_semaphore, #tpu.memory_space<semaphore_mem>>)
    %dma_start3A_22 = arith.constant 0 : i32
    %dma_start3A_23 = tpu.memref_slice %arg2[%mul3A_18, %dma_start3A_22] : memref<160000x128xf32, #tpu.memory_space<hbm>> -> memref<128x128xf32, #tpu.memory_space<hbm>>
    %dma_start3A_24 = arith.constant 0 : i32
    %dma_start3A_25 = tpu.memref_slice %arg2[%mul3A_18, %dma_start3A_24] : memref<160000x128xf32, #tpu.memory_space<hbm>> -> memref<128x128xf32, #tpu.memory_space<hbm>>
    tpu.enqueue_dma source(%dma_start3A_25 : memref<128x128xf32, #tpu.memory_space<hbm>>) target(%arg8 : memref<128x128xf32, #tpu.memory_space<vmem>>) target_semaphore(%arg11 : memref<!tpu.dma_semaphore, #tpu.memory_space<semaphore_mem>>)
    %add3A_26 = arith.constant 1 : i32
    %add3A_27 = arith.addi %select_n3A, %add3A_26 : i32
    %mul3A_28 = arith.constant 128 : i32
    %mul3A_29 = arith.muli %add3A_27, %mul3A_28 : i32
    %add3A_30 = arith.constant 160000 : i32
    %add3A_31 = arith.addi %add3A_30, %mul3A_29 : i32
    %dma_start3A_32 = tpu.memref_slice %arg3[%add3A_31] : memref<320000xi32, #tpu.memory_space<hbm>> -> memref<128xi32, #tpu.memory_space<hbm>>
    %dma_start3A_33 = tpu.memref_slice %arg3[%add3A_31] : memref<320000xi32, #tpu.memory_space<hbm>> -> memref<128xi32, #tpu.memory_space<hbm>>
    tpu.enqueue_dma source(%dma_start3A_33 : memref<128xi32, #tpu.memory_space<hbm>>) target(%arg7 : memref<128xi32, #tpu.memory_space<vmem>>) target_semaphore(%arg12 : memref<!tpu.dma_semaphore, #tpu.memory_space<semaphore_mem>>)
    %dma_start3A_34 = arith.constant 0 : i32
    %dma_start3A_35 = tpu.memref_slice %arg2[%mul3A_29, %dma_start3A_34] : memref<160000x128xf32, #tpu.memory_space<hbm>> -> memref<128x128xf32, #tpu.memory_space<hbm>>
    %dma_start3A_36 = arith.constant 0 : i32
    %dma_start3A_37 = tpu.memref_slice %arg2[%mul3A_29, %dma_start3A_36] : memref<160000x128xf32, #tpu.memory_space<hbm>> -> memref<128x128xf32, #tpu.memory_space<hbm>>
    tpu.enqueue_dma source(%dma_start3A_37 : memref<128x128xf32, #tpu.memory_space<hbm>>) target(%arg9 : memref<128x128xf32, #tpu.memory_space<vmem>>) target_semaphore(%arg12 : memref<!tpu.dma_semaphore, #tpu.memory_space<semaphore_mem>>)
    %jit3A_38 = arith.constant 2 : i32
    %div3A = arith.divsi %select_n3A_12, %jit3A_38 : i32
    %sign3A = arith.constant 0 : i32
    %sign3A_39 = arith.cmpi sgt, %select_n3A_12, %sign3A : i32
    %sign3A_40 = arith.extui %sign3A_39 : i1 to i32
    %sign3A_41 = arith.constant 0 : i32
    %sign3A_42 = arith.cmpi slt, %select_n3A_12, %sign3A_41 : i32
    %sign3A_43 = arith.extui %sign3A_42 : i1 to i32
    %sign3A_44 = arith.subi %sign3A_40, %sign3A_43 : i32
    %sign3A_45 = arith.constant 0 : i32
    %sign3A_46 = arith.cmpi sgt, %jit3A_38, %sign3A_45 : i32
    %sign3A_47 = arith.extui %sign3A_46 : i1 to i32
    %sign3A_48 = arith.constant 0 : i32
    %sign3A_49 = arith.cmpi slt, %jit3A_38, %sign3A_48 : i32
    %sign3A_50 = arith.extui %sign3A_49 : i1 to i32
    %sign3A_51 = arith.subi %sign3A_47, %sign3A_50 : i32
    %ne3A = arith.cmpi ne, %sign3A_44, %sign3A_51 : i32
    %rem3A = arith.remsi %select_n3A_12, %jit3A_38 : i32
    %ne3A_52 = arith.constant 0 : i32
    %ne3A_53 = arith.cmpi ne, %rem3A, %ne3A_52 : i32
    %and3A = arith.andi %ne3A, %ne3A_53 : i1
    %sub3A_54 = arith.constant 1 : i32
    %sub3A_55 = arith.subi %div3A, %sub3A_54 : i32
    %select_n3A_56 = arith.select %and3A, %sub3A_55, %div3A : i32
    %while3A = arith.constant 0 : i32
    %while3A_57 = arith.constant 0 : i32
    %while3A_58 = arith.subi %select_n3A_56, %while3A_57 : i32
    %while3A_59 = arith.addi %while3A_57, %while3A_58 : i32
    %while3A_60 = arith.constant 1 : i32
    %while3A_61 = arith.divsi %while3A_58, %while3A_60 : i32
    %while3A_62 = arith.muli %while3A_61, %while3A_60 : i32
    %while3A_63 = arith.addi %while3A_57, %while3A_62 : i32
    %while3A_64 = arith.constant 1 : i32
    scf.for %while3A_71 = %while3A_57 to %while3A_63 step %while3A_64  : i32 {
      %mul3A_72 = arith.constant 2 : i32
      %mul3A_73 = arith.muli %mul3A_72, %while3A_71 : i32
      %add3A_74 = arith.constant 0 : i32
      %add3A_75 = arith.addi %mul3A_73, %add3A_74 : i32
      %dma_wait3A = arith.constant 0 : i32
      %dma_wait3A_76 = tpu.memref_slice %arg3[%dma_wait3A] : memref<320000xi32, #tpu.memory_space<hbm>> -> memref<128xi32, #tpu.memory_space<hbm>>
      %dma_wait3A_77 = arith.constant 0 : i32
      %dma_wait3A_78 = tpu.memref_slice %arg3[%dma_wait3A_77] : memref<320000xi32, #tpu.memory_space<hbm>> -> memref<128xi32, #tpu.memory_space<hbm>>
      tpu.wait_dma2 semaphore(%arg11 : memref<!tpu.dma_semaphore, #tpu.memory_space<semaphore_mem>>) src(%dma_wait3A_78 : memref<128xi32, #tpu.memory_space<hbm>>) dst(%arg6 : memref<128xi32, #tpu.memory_space<vmem>>)
      %dma_wait3A_79 = arith.constant 0 : i32
      %dma_wait3A_80 = arith.constant 0 : i32
      %dma_wait3A_81 = tpu.memref_slice %arg2[%dma_wait3A_79, %dma_wait3A_80] : memref<160000x128xf32, #tpu.memory_space<hbm>> -> memref<128x128xf32, #tpu.memory_space<hbm>>
      %dma_wait3A_82 = arith.constant 0 : i32
      %dma_wait3A_83 = arith.constant 0 : i32
      %dma_wait3A_84 = tpu.memref_slice %arg2[%dma_wait3A_82, %dma_wait3A_83] : memref<160000x128xf32, #tpu.memory_space<hbm>> -> memref<128x128xf32, #tpu.memory_space<hbm>>
      tpu.wait_dma2 semaphore(%arg11 : memref<!tpu.dma_semaphore, #tpu.memory_space<semaphore_mem>>) src(%dma_wait3A_84 : memref<128x128xf32, #tpu.memory_space<hbm>>) dst(%arg8 : memref<128x128xf32, #tpu.memory_space<vmem>>)
      "tpu.region"() ({
        %run_scoped3A = tpu.sem_alloc : memref<!tpu.dma_semaphore, #tpu.memory_space<semaphore_mem>>
        %dma_start3A_109 = arith.constant 0 : i32
        %dma_start3A_110 = arith.constant 0 : i32
        %dma_start3A_111 = tpu.memref_slice %arg10[%dma_start3A_109, %dma_start3A_110] : memref<10112x128xf32, #tpu.memory_space<vmem_shared>> -> memref<10112x128xf32, #tpu.memory_space<vmem_shared>>
        tpu.enqueue_indirect_dma source(%arg8 : memref<128x128xf32, #tpu.memory_space<vmem>>) target(%dma_start3A_111 : memref<10112x128xf32, #tpu.memory_space<vmem_shared>>) offsets(%arg6 : memref<128xi32, #tpu.memory_space<vmem>>) semaphore(%run_scoped3A : memref<!tpu.dma_semaphore, #tpu.memory_space<semaphore_mem>>) {add = true}
        %dma_wait3A_112 = arith.constant 0 : i32
        %dma_wait3A_113 = arith.constant 0 : i32
        %dma_wait3A_114 = tpu.memref_slice %arg10[%dma_wait3A_112, %dma_wait3A_113] : memref<10112x128xf32, #tpu.memory_space<vmem_shared>> -> memref<10112x128xf32, #tpu.memory_space<vmem_shared>>
        tpu.wait_indirect_dma semaphore(%run_scoped3A : memref<!tpu.dma_semaphore, #tpu.memory_space<semaphore_mem>>) src(%arg8 : memref<128x128xf32, #tpu.memory_space<vmem>>) dst(%dma_wait3A_114 : memref<10112x128xf32, #tpu.memory_space<vmem_shared>>)
        tpu.yield
      }) : () -> ()
      %add3A_85 = arith.constant 2 : i32
      %add3A_86 = arith.addi %add3A_75, %add3A_85 : i32
      %lt3A_87 = arith.cmpi slt, %add3A_86, %select_n3A_12 : i32
      %convert_element_type3A = arith.extui %lt3A_87 : i1 to i32
      %cond3A = arith.constant 0 : i32
      %cond3A_88 = arith.cmpi ne, %convert_element_type3A, %cond3A : i32
      scf.if %cond3A_88 {
        %add3A_109 = arith.addi %select_n3A, %add3A_75 : i32
        %add3A_110 = arith.constant 2 : i32
        %add3A_111 = arith.addi %add3A_109, %add3A_110 : i32
        %mul3A_112 = arith.constant 128 : i32
        %mul3A_113 = arith.muli %add3A_111, %mul3A_112 : i32
        %add3A_114 = arith.constant 160000 : i32
        %add3A_115 = arith.addi %add3A_114, %mul3A_113 : i32
        %dma_start3A_116 = tpu.memref_slice %arg3[%add3A_115] : memref<320000xi32, #tpu.memory_space<hbm>> -> memref<128xi32, #tpu.memory_space<hbm>>
        %dma_start3A_117 = tpu.memref_slice %arg3[%add3A_115] : memref<320000xi32, #tpu.memory_space<hbm>> -> memref<128xi32, #tpu.memory_space<hbm>>
        tpu.enqueue_dma source(%dma_start3A_117 : memref<128xi32, #tpu.memory_space<hbm>>) target(%arg6 : memref<128xi32, #tpu.memory_space<vmem>>) target_semaphore(%arg11 : memref<!tpu.dma_semaphore, #tpu.memory_space<semaphore_mem>>)
        %dma_start3A_118 = arith.constant 0 : i32
        %dma_start3A_119 = tpu.memref_slice %arg2[%mul3A_113, %dma_start3A_118] : memref<160000x128xf32, #tpu.memory_space<hbm>> -> memref<128x128xf32, #tpu.memory_space<hbm>>
        %dma_start3A_120 = arith.constant 0 : i32
        %dma_start3A_121 = tpu.memref_slice %arg2[%mul3A_113, %dma_start3A_120] : memref<160000x128xf32, #tpu.memory_space<hbm>> -> memref<128x128xf32, #tpu.memory_space<hbm>>
        tpu.enqueue_dma source(%dma_start3A_121 : memref<128x128xf32, #tpu.memory_space<hbm>>) target(%arg8 : memref<128x128xf32, #tpu.memory_space<vmem>>) target_semaphore(%arg11 : memref<!tpu.dma_semaphore, #tpu.memory_space<semaphore_mem>>)
      } else {
      }
      %mul3A_89 = arith.constant 2 : i32
      %mul3A_90 = arith.muli %mul3A_89, %while3A_71 : i32
      %add3A_91 = arith.constant 1 : i32
      %add3A_92 = arith.addi %mul3A_90, %add3A_91 : i32
      %dma_wait3A_93 = arith.constant 0 : i32
      %dma_wait3A_94 = tpu.memref_slice %arg3[%dma_wait3A_93] : memref<320000xi32, #tpu.memory_space<hbm>> -> memref<128xi32, #tpu.memory_space<hbm>>
      %dma_wait3A_95 = arith.constant 0 : i32
      %dma_wait3A_96 = tpu.memref_slice %arg3[%dma_wait3A_95] : memref<320000xi32, #tpu.memory_space<hbm>> -> memref<128xi32, #tpu.memory_space<hbm>>
      tpu.wait_dma2 semaphore(%arg12 : memref<!tpu.dma_semaphore, #tpu.memory_space<semaphore_mem>>) src(%dma_wait3A_96 : memref<128xi32, #tpu.memory_space<hbm>>) dst(%arg7 : memref<128xi32, #tpu.memory_space<vmem>>)
      %dma_wait3A_97 = arith.constant 0 : i32
      %dma_wait3A_98 = arith.constant 0 : i32
      %dma_wait3A_99 = tpu.memref_slice %arg2[%dma_wait3A_97, %dma_wait3A_98] : memref<160000x128xf32, #tpu.memory_space<hbm>> -> memref<128x128xf32, #tpu.memory_space<hbm>>
      %dma_wait3A_100 = arith.constant 0 : i32
      %dma_wait3A_101 = arith.constant 0 : i32
      %dma_wait3A_102 = tpu.memref_slice %arg2[%dma_wait3A_100, %dma_wait3A_101] : memref<160000x128xf32, #tpu.memory_space<hbm>> -> memref<128x128xf32, #tpu.memory_space<hbm>>
      tpu.wait_dma2 semaphore(%arg12 : memref<!tpu.dma_semaphore, #tpu.memory_space<semaphore_mem>>) src(%dma_wait3A_102 : memref<128x128xf32, #tpu.memory_space<hbm>>) dst(%arg9 : memref<128x128xf32, #tpu.memory_space<vmem>>)
      "tpu.region"() ({
        %run_scoped3A = tpu.sem_alloc : memref<!tpu.dma_semaphore, #tpu.memory_space<semaphore_mem>>
        %dma_start3A_109 = arith.constant 0 : i32
        %dma_start3A_110 = arith.constant 0 : i32
        %dma_start3A_111 = tpu.memref_slice %arg10[%dma_start3A_109, %dma_start3A_110] : memref<10112x128xf32, #tpu.memory_space<vmem_shared>> -> memref<10112x128xf32, #tpu.memory_space<vmem_shared>>
        tpu.enqueue_indirect_dma source(%arg9 : memref<128x128xf32, #tpu.memory_space<vmem>>) target(%dma_start3A_111 : memref<10112x128xf32, #tpu.memory_space<vmem_shared>>) offsets(%arg7 : memref<128xi32, #tpu.memory_space<vmem>>) semaphore(%run_scoped3A : memref<!tpu.dma_semaphore, #tpu.memory_space<semaphore_mem>>) {add = true}
        %dma_wait3A_112 = arith.constant 0 : i32
        %dma_wait3A_113 = arith.constant 0 : i32
        %dma_wait3A_114 = tpu.memref_slice %arg10[%dma_wait3A_112, %dma_wait3A_113] : memref<10112x128xf32, #tpu.memory_space<vmem_shared>> -> memref<10112x128xf32, #tpu.memory_space<vmem_shared>>
        tpu.wait_indirect_dma semaphore(%run_scoped3A : memref<!tpu.dma_semaphore, #tpu.memory_space<semaphore_mem>>) src(%arg9 : memref<128x128xf32, #tpu.memory_space<vmem>>) dst(%dma_wait3A_114 : memref<10112x128xf32, #tpu.memory_space<vmem_shared>>)
        tpu.yield
      }) : () -> ()
      %add3A_103 = arith.constant 2 : i32
      %add3A_104 = arith.addi %add3A_92, %add3A_103 : i32
      %lt3A_105 = arith.cmpi slt, %add3A_104, %select_n3A_12 : i32
      %convert_element_type3A_106 = arith.extui %lt3A_105 : i1 to i32
      %cond3A_107 = arith.constant 0 : i32
      %cond3A_108 = arith.cmpi ne, %convert_element_type3A_106, %cond3A_107 : i32
      scf.if %cond3A_108 {
        %add3A_109 = arith.addi %select_n3A, %add3A_92 : i32
        %add3A_110 = arith.constant 2 : i32
        %add3A_111 = arith.addi %add3A_109, %add3A_110 : i32
        %mul3A_112 = arith.constant 128 : i32
        %mul3A_113 = arith.muli %add3A_111, %mul3A_112 : i32
        %add3A_114 = arith.constant 160000 : i32
        %add3A_115 = arith.addi %add3A_114, %mul3A_113 : i32
        %dma_start3A_116 = tpu.memref_slice %arg3[%add3A_115] : memref<320000xi32, #tpu.memory_space<hbm>> -> memref<128xi32, #tpu.memory_space<hbm>>
        %dma_start3A_117 = tpu.memref_slice %arg3[%add3A_115] : memref<320000xi32, #tpu.memory_space<hbm>> -> memref<128xi32, #tpu.memory_space<hbm>>
        tpu.enqueue_dma source(%dma_start3A_117 : memref<128xi32, #tpu.memory_space<hbm>>) target(%arg7 : memref<128xi32, #tpu.memory_space<vmem>>) target_semaphore(%arg12 : memref<!tpu.dma_semaphore, #tpu.memory_space<semaphore_mem>>)
        %dma_start3A_118 = arith.constant 0 : i32
        %dma_start3A_119 = tpu.memref_slice %arg2[%mul3A_113, %dma_start3A_118] : memref<160000x128xf32, #tpu.memory_space<hbm>> -> memref<128x128xf32, #tpu.memory_space<hbm>>
        %dma_start3A_120 = arith.constant 0 : i32
        %dma_start3A_121 = tpu.memref_slice %arg2[%mul3A_113, %dma_start3A_120] : memref<160000x128xf32, #tpu.memory_space<hbm>> -> memref<128x128xf32, #tpu.memory_space<hbm>>
        tpu.enqueue_dma source(%dma_start3A_121 : memref<128x128xf32, #tpu.memory_space<hbm>>) target(%arg9 : memref<128x128xf32, #tpu.memory_space<vmem>>) target_semaphore(%arg12 : memref<!tpu.dma_semaphore, #tpu.memory_space<semaphore_mem>>)
      } else {
      }
    }
    %while3A_65 = arith.constant 1 : i32
    scf.for %while3A_71 = %while3A_63 to %while3A_59 step %while3A_65  : i32 {
      %mul3A_72 = arith.constant 2 : i32
      %mul3A_73 = arith.muli %mul3A_72, %while3A_71 : i32
      %add3A_74 = arith.constant 0 : i32
      %add3A_75 = arith.addi %mul3A_73, %add3A_74 : i32
      %dma_wait3A = arith.constant 0 : i32
      %dma_wait3A_76 = tpu.memref_slice %arg3[%dma_wait3A] : memref<320000xi32, #tpu.memory_space<hbm>> -> memref<128xi32, #tpu.memory_space<hbm>>
      %dma_wait3A_77 = arith.constant 0 : i32
      %dma_wait3A_78 = tpu.memref_slice %arg3[%dma_wait3A_77] : memref<320000xi32, #tpu.memory_space<hbm>> -> memref<128xi32, #tpu.memory_space<hbm>>
      tpu.wait_dma2 semaphore(%arg11 : memref<!tpu.dma_semaphore, #tpu.memory_space<semaphore_mem>>) src(%dma_wait3A_78 : memref<128xi32, #tpu.memory_space<hbm>>) dst(%arg6 : memref<128xi32, #tpu.memory_space<vmem>>)
      %dma_wait3A_79 = arith.constant 0 : i32
      %dma_wait3A_80 = arith.constant 0 : i32
      %dma_wait3A_81 = tpu.memref_slice %arg2[%dma_wait3A_79, %dma_wait3A_80] : memref<160000x128xf32, #tpu.memory_space<hbm>> -> memref<128x128xf32, #tpu.memory_space<hbm>>
      %dma_wait3A_82 = arith.constant 0 : i32
      %dma_wait3A_83 = arith.constant 0 : i32
      %dma_wait3A_84 = tpu.memref_slice %arg2[%dma_wait3A_82, %dma_wait3A_83] : memref<160000x128xf32, #tpu.memory_space<hbm>> -> memref<128x128xf32, #tpu.memory_space<hbm>>
      tpu.wait_dma2 semaphore(%arg11 : memref<!tpu.dma_semaphore, #tpu.memory_space<semaphore_mem>>) src(%dma_wait3A_84 : memref<128x128xf32, #tpu.memory_space<hbm>>) dst(%arg8 : memref<128x128xf32, #tpu.memory_space<vmem>>)
      "tpu.region"() ({
        %run_scoped3A = tpu.sem_alloc : memref<!tpu.dma_semaphore, #tpu.memory_space<semaphore_mem>>
        %dma_start3A_109 = arith.constant 0 : i32
        %dma_start3A_110 = arith.constant 0 : i32
        %dma_start3A_111 = tpu.memref_slice %arg10[%dma_start3A_109, %dma_start3A_110] : memref<10112x128xf32, #tpu.memory_space<vmem_shared>> -> memref<10112x128xf32, #tpu.memory_space<vmem_shared>>
        tpu.enqueue_indirect_dma source(%arg8 : memref<128x128xf32, #tpu.memory_space<vmem>>) target(%dma_start3A_111 : memref<10112x128xf32, #tpu.memory_space<vmem_shared>>) offsets(%arg6 : memref<128xi32, #tpu.memory_space<vmem>>) semaphore(%run_scoped3A : memref<!tpu.dma_semaphore, #tpu.memory_space<semaphore_mem>>) {add = true}
        %dma_wait3A_112 = arith.constant 0 : i32
        %dma_wait3A_113 = arith.constant 0 : i32
        %dma_wait3A_114 = tpu.memref_slice %arg10[%dma_wait3A_112, %dma_wait3A_113] : memref<10112x128xf32, #tpu.memory_space<vmem_shared>> -> memref<10112x128xf32, #tpu.memory_space<vmem_shared>>
        tpu.wait_indirect_dma semaphore(%run_scoped3A : memref<!tpu.dma_semaphore, #tpu.memory_space<semaphore_mem>>) src(%arg8 : memref<128x128xf32, #tpu.memory_space<vmem>>) dst(%dma_wait3A_114 : memref<10112x128xf32, #tpu.memory_space<vmem_shared>>)
        tpu.yield
      }) : () -> ()
      %add3A_85 = arith.constant 2 : i32
      %add3A_86 = arith.addi %add3A_75, %add3A_85 : i32
      %lt3A_87 = arith.cmpi slt, %add3A_86, %select_n3A_12 : i32
      %convert_element_type3A = arith.extui %lt3A_87 : i1 to i32
      %cond3A = arith.constant 0 : i32
      %cond3A_88 = arith.cmpi ne, %convert_element_type3A, %cond3A : i32
      scf.if %cond3A_88 {
        %add3A_109 = arith.addi %select_n3A, %add3A_75 : i32
        %add3A_110 = arith.constant 2 : i32
        %add3A_111 = arith.addi %add3A_109, %add3A_110 : i32
        %mul3A_112 = arith.constant 128 : i32
        %mul3A_113 = arith.muli %add3A_111, %mul3A_112 : i32
        %add3A_114 = arith.constant 160000 : i32
        %add3A_115 = arith.addi %add3A_114, %mul3A_113 : i32
        %dma_start3A_116 = tpu.memref_slice %arg3[%add3A_115] : memref<320000xi32, #tpu.memory_space<hbm>> -> memref<128xi32, #tpu.memory_space<hbm>>
        %dma_start3A_117 = tpu.memref_slice %arg3[%add3A_115] : memref<320000xi32, #tpu.memory_space<hbm>> -> memref<128xi32, #tpu.memory_space<hbm>>
        tpu.enqueue_dma source(%dma_start3A_117 : memref<128xi32, #tpu.memory_space<hbm>>) target(%arg6 : memref<128xi32, #tpu.memory_space<vmem>>) target_semaphore(%arg11 : memref<!tpu.dma_semaphore, #tpu.memory_space<semaphore_mem>>)
        %dma_start3A_118 = arith.constant 0 : i32
        %dma_start3A_119 = tpu.memref_slice %arg2[%mul3A_113, %dma_start3A_118] : memref<160000x128xf32, #tpu.memory_space<hbm>> -> memref<128x128xf32, #tpu.memory_space<hbm>>
        %dma_start3A_120 = arith.constant 0 : i32
        %dma_start3A_121 = tpu.memref_slice %arg2[%mul3A_113, %dma_start3A_120] : memref<160000x128xf32, #tpu.memory_space<hbm>> -> memref<128x128xf32, #tpu.memory_space<hbm>>
        tpu.enqueue_dma source(%dma_start3A_121 : memref<128x128xf32, #tpu.memory_space<hbm>>) target(%arg8 : memref<128x128xf32, #tpu.memory_space<vmem>>) target_semaphore(%arg11 : memref<!tpu.dma_semaphore, #tpu.memory_space<semaphore_mem>>)
      } else {
      }
      %mul3A_89 = arith.constant 2 : i32
      %mul3A_90 = arith.muli %mul3A_89, %while3A_71 : i32
      %add3A_91 = arith.constant 1 : i32
      %add3A_92 = arith.addi %mul3A_90, %add3A_91 : i32
      %dma_wait3A_93 = arith.constant 0 : i32
      %dma_wait3A_94 = tpu.memref_slice %arg3[%dma_wait3A_93] : memref<320000xi32, #tpu.memory_space<hbm>> -> memref<128xi32, #tpu.memory_space<hbm>>
      %dma_wait3A_95 = arith.constant 0 : i32
      %dma_wait3A_96 = tpu.memref_slice %arg3[%dma_wait3A_95] : memref<320000xi32, #tpu.memory_space<hbm>> -> memref<128xi32, #tpu.memory_space<hbm>>
      tpu.wait_dma2 semaphore(%arg12 : memref<!tpu.dma_semaphore, #tpu.memory_space<semaphore_mem>>) src(%dma_wait3A_96 : memref<128xi32, #tpu.memory_space<hbm>>) dst(%arg7 : memref<128xi32, #tpu.memory_space<vmem>>)
      %dma_wait3A_97 = arith.constant 0 : i32
      %dma_wait3A_98 = arith.constant 0 : i32
      %dma_wait3A_99 = tpu.memref_slice %arg2[%dma_wait3A_97, %dma_wait3A_98] : memref<160000x128xf32, #tpu.memory_space<hbm>> -> memref<128x128xf32, #tpu.memory_space<hbm>>
      %dma_wait3A_100 = arith.constant 0 : i32
      %dma_wait3A_101 = arith.constant 0 : i32
      %dma_wait3A_102 = tpu.memref_slice %arg2[%dma_wait3A_100, %dma_wait3A_101] : memref<160000x128xf32, #tpu.memory_space<hbm>> -> memref<128x128xf32, #tpu.memory_space<hbm>>
      tpu.wait_dma2 semaphore(%arg12 : memref<!tpu.dma_semaphore, #tpu.memory_space<semaphore_mem>>) src(%dma_wait3A_102 : memref<128x128xf32, #tpu.memory_space<hbm>>) dst(%arg9 : memref<128x128xf32, #tpu.memory_space<vmem>>)
      "tpu.region"() ({
        %run_scoped3A = tpu.sem_alloc : memref<!tpu.dma_semaphore, #tpu.memory_space<semaphore_mem>>
        %dma_start3A_109 = arith.constant 0 : i32
        %dma_start3A_110 = arith.constant 0 : i32
        %dma_start3A_111 = tpu.memref_slice %arg10[%dma_start3A_109, %dma_start3A_110] : memref<10112x128xf32, #tpu.memory_space<vmem_shared>> -> memref<10112x128xf32, #tpu.memory_space<vmem_shared>>
        tpu.enqueue_indirect_dma source(%arg9 : memref<128x128xf32, #tpu.memory_space<vmem>>) target(%dma_start3A_111 : memref<10112x128xf32, #tpu.memory_space<vmem_shared>>) offsets(%arg7 : memref<128xi32, #tpu.memory_space<vmem>>) semaphore(%run_scoped3A : memref<!tpu.dma_semaphore, #tpu.memory_space<semaphore_mem>>) {add = true}
        %dma_wait3A_112 = arith.constant 0 : i32
        %dma_wait3A_113 = arith.constant 0 : i32
        %dma_wait3A_114 = tpu.memref_slice %arg10[%dma_wait3A_112, %dma_wait3A_113] : memref<10112x128xf32, #tpu.memory_space<vmem_shared>> -> memref<10112x128xf32, #tpu.memory_space<vmem_shared>>
        tpu.wait_indirect_dma semaphore(%run_scoped3A : memref<!tpu.dma_semaphore, #tpu.memory_space<semaphore_mem>>) src(%arg9 : memref<128x128xf32, #tpu.memory_space<vmem>>) dst(%dma_wait3A_114 : memref<10112x128xf32, #tpu.memory_space<vmem_shared>>)
        tpu.yield
      }) : () -> ()
      %add3A_103 = arith.constant 2 : i32
      %add3A_104 = arith.addi %add3A_92, %add3A_103 : i32
      %lt3A_105 = arith.cmpi slt, %add3A_104, %select_n3A_12 : i32
      %convert_element_type3A_106 = arith.extui %lt3A_105 : i1 to i32
      %cond3A_107 = arith.constant 0 : i32
      %cond3A_108 = arith.cmpi ne, %convert_element_type3A_106, %cond3A_107 : i32
      scf.if %cond3A_108 {
        %add3A_109 = arith.addi %select_n3A, %add3A_92 : i32
        %add3A_110 = arith.constant 2 : i32
        %add3A_111 = arith.addi %add3A_109, %add3A_110 : i32
        %mul3A_112 = arith.constant 128 : i32
        %mul3A_113 = arith.muli %add3A_111, %mul3A_112 : i32
        %add3A_114 = arith.constant 160000 : i32
        %add3A_115 = arith.addi %add3A_114, %mul3A_113 : i32
        %dma_start3A_116 = tpu.memref_slice %arg3[%add3A_115] : memref<320000xi32, #tpu.memory_space<hbm>> -> memref<128xi32, #tpu.memory_space<hbm>>
        %dma_start3A_117 = tpu.memref_slice %arg3[%add3A_115] : memref<320000xi32, #tpu.memory_space<hbm>> -> memref<128xi32, #tpu.memory_space<hbm>>
        tpu.enqueue_dma source(%dma_start3A_117 : memref<128xi32, #tpu.memory_space<hbm>>) target(%arg7 : memref<128xi32, #tpu.memory_space<vmem>>) target_semaphore(%arg12 : memref<!tpu.dma_semaphore, #tpu.memory_space<semaphore_mem>>)
        %dma_start3A_118 = arith.constant 0 : i32
        %dma_start3A_119 = tpu.memref_slice %arg2[%mul3A_113, %dma_start3A_118] : memref<160000x128xf32, #tpu.memory_space<hbm>> -> memref<128x128xf32, #tpu.memory_space<hbm>>
        %dma_start3A_120 = arith.constant 0 : i32
        %dma_start3A_121 = tpu.memref_slice %arg2[%mul3A_113, %dma_start3A_120] : memref<160000x128xf32, #tpu.memory_space<hbm>> -> memref<128x128xf32, #tpu.memory_space<hbm>>
        tpu.enqueue_dma source(%dma_start3A_121 : memref<128x128xf32, #tpu.memory_space<hbm>>) target(%arg9 : memref<128x128xf32, #tpu.memory_space<vmem>>) target_semaphore(%arg12 : memref<!tpu.dma_semaphore, #tpu.memory_space<semaphore_mem>>)
      } else {
      }
    }
    %barrier3A_66 = arith.constant 0 : index
    tpu.barrier barrier_id(%barrier3A_66)
    %mul3A_67 = arith.constant 632 : i32
    %mul3A_68 = arith.muli %arg1, %mul3A_67 : i32
    %mul3A_69 = arith.constant 632 : i32
    %mul3A_70 = arith.muli %arg1, %mul3A_69 : i32
    "tpu.region"() ({
      %run_scoped3A = tpu.sem_alloc : memref<!tpu.dma_semaphore, #tpu.memory_space<semaphore_mem>>
      %dma_start3A_71 = arith.constant 0 : i32
      %dma_start3A_72 = tpu.memref_slice %arg5[%arg0, %mul3A_70, %dma_start3A_71] : memref<2x10112x128xf32, #tpu.memory_space<hbm>> -> memref<1x632x128xf32, #tpu.memory_space<hbm>>
      %dma_start3A_73 = tpu.memref_squeeze %dma_start3A_72 : memref<1x632x128xf32, #tpu.memory_space<hbm>> -> memref<632x128xf32, #tpu.memory_space<hbm>>
      %dma_start3A_74 = arith.constant 0 : i32
      %dma_start3A_75 = tpu.memref_slice %arg10[%mul3A_68, %dma_start3A_74] : memref<10112x128xf32, #tpu.memory_space<vmem_shared>> -> memref<632x128xf32, #tpu.memory_space<vmem_shared>>
      tpu.enqueue_dma source(%dma_start3A_75 : memref<632x128xf32, #tpu.memory_space<vmem_shared>>) target(%dma_start3A_73 : memref<632x128xf32, #tpu.memory_space<hbm>>) target_semaphore(%run_scoped3A : memref<!tpu.dma_semaphore, #tpu.memory_space<semaphore_mem>>)
      %dma_wait3A = arith.constant 0 : i32
      %dma_wait3A_76 = tpu.memref_slice %arg5[%arg0, %mul3A_70, %dma_wait3A] : memref<2x10112x128xf32, #tpu.memory_space<hbm>> -> memref<1x632x128xf32, #tpu.memory_space<hbm>>
      %dma_wait3A_77 = tpu.memref_squeeze %dma_wait3A_76 : memref<1x632x128xf32, #tpu.memory_space<hbm>> -> memref<632x128xf32, #tpu.memory_space<hbm>>
      %dma_wait3A_78 = arith.constant 0 : i32
      %dma_wait3A_79 = tpu.memref_slice %arg10[%mul3A_68, %dma_wait3A_78] : memref<10112x128xf32, #tpu.memory_space<vmem_shared>> -> memref<632x128xf32, #tpu.memory_space<vmem_shared>>
      tpu.wait_dma2 semaphore(%run_scoped3A : memref<!tpu.dma_semaphore, #tpu.memory_space<semaphore_mem>>) src(%dma_wait3A_79 : memref<632x128xf32, #tpu.memory_space<vmem_shared>>) dst(%dma_wait3A_77 : memref<632x128xf32, #tpu.memory_space<hbm>>)
      tpu.yield
    }) : () -> ()
    return
  }
}

#map = affine_map<(d0, d1) -> (0, 0)>
#map1 = affine_map<(d0, d1) -> (0)>
module attributes {stable_mosaic.version = 14 : i64} {
  func.func @gather(%arg0: i32, %arg1: i32, %arg2: memref<10000x128xf32, #tpu.memory_space<hbm>>, %arg3: memref<10000x128xf32, #tpu.memory_space<hbm>>, %arg4: memref<320000xi32, #tpu.memory_space<hbm>>, %arg5: memref<320000xi32, #tpu.memory_space<hbm>>, %arg6: memref<160000x128xf32, #tpu.memory_space<hbm>>, %arg7: memref<160000x128xf32, #tpu.memory_space<hbm>>, %arg8: memref<5120xi32, #tpu.memory_space<vmem>>, %arg9: memref<5120xi32, #tpu.memory_space<vmem>>, %arg10: memref<128x128xf32, #tpu.memory_space<vmem>>, %arg11: memref<128x128xf32, #tpu.memory_space<vmem>>, %arg12: memref<128x128xf32, #tpu.memory_space<vmem>>, %arg13: memref<128x128xf32, #tpu.memory_space<vmem>>, %arg14: memref<!tpu.dma_semaphore, #tpu.memory_space<semaphore_mem>>, %arg15: memref<!tpu.dma_semaphore, #tpu.memory_space<semaphore_mem>>, %arg16: memref<!tpu.dma_semaphore, #tpu.memory_space<semaphore_mem>>, %arg17: memref<!tpu.dma_semaphore, #tpu.memory_space<semaphore_mem>>) attributes {dimension_semantics = [#tpu.dimension_semantics<core_parallel>, #tpu.dimension_semantics<subcore_parallel>], iteration_bounds = array<i64: 2, 16>, scalar_prefetch = 0 : i64, scratch_operands = 10 : i64, tpu.core_type = #tpu.core_type<sc_vector_subcore>, window_params = [{transform_indices = #map}, {transform_indices = #map}, {transform_indices = #map1}, {transform_indices = #map1}, {transform_indices = #map}, {transform_indices = #map}]} {
    %mul3A = arith.constant 2 : i32
    %mul3A_0 = arith.muli %arg1, %mul3A : i32
    %add3A = arith.addi %mul3A_0, %arg0 : i32
    %lt3A = arith.constant 17 : i32
    %lt3A_1 = arith.cmpi slt, %add3A, %lt3A : i32
    %mul3A_2 = arith.constant 40 : i32
    %mul3A_3 = arith.muli %add3A, %mul3A_2 : i32
    %sub3A = arith.constant 17 : i32
    %sub3A_4 = arith.subi %add3A, %sub3A : i32
    %mul3A_5 = arith.constant 38 : i32
    %mul3A_6 = arith.muli %sub3A_4, %mul3A_5 : i32
    %add3A_7 = arith.constant 680 : i32
    %add3A_8 = arith.addi %add3A_7, %mul3A_6 : i32
    %select_n3A = arith.select %lt3A_1, %mul3A_3, %add3A_8 : i32
    %lt3A_9 = arith.constant 17 : i32
    %lt3A_10 = arith.cmpi slt, %add3A, %lt3A_9 : i32
    %jit3A = arith.constant 40 : i32
    %jit3A_11 = arith.constant 38 : i32
    %select_n3A_12 = arith.select %lt3A_10, %jit3A, %jit3A_11 : i32
    %mul3A_13 = arith.constant 128 : i32
    %mul3A_14 = arith.muli %select_n3A, %mul3A_13 : i32
    %add3A_15 = arith.constant 0 : i32
    %add3A_16 = arith.addi %add3A_15, %mul3A_14 : i32
    "tpu.region"() ({
      %run_scoped3A = tpu.sem_alloc : memref<!tpu.dma_semaphore, #tpu.memory_space<semaphore_mem>>
      %dma_start3A_93 = arith.constant 0 : i32
      %dma_start3A_94 = tpu.memref_slice %arg8[%dma_start3A_93] : memref<5120xi32, #tpu.memory_space<vmem>> -> memref<4864xi32, #tpu.memory_space<vmem>>
      %dma_start3A_95 = tpu.memref_slice %arg4[%add3A_16] : memref<320000xi32, #tpu.memory_space<hbm>> -> memref<4864xi32, #tpu.memory_space<hbm>>
      %dma_start3A_96 = arith.constant 0 : i32
      %dma_start3A_97 = tpu.memref_slice %arg8[%dma_start3A_96] : memref<5120xi32, #tpu.memory_space<vmem>> -> memref<4864xi32, #tpu.memory_space<vmem>>
      %dma_start3A_98 = tpu.memref_slice %arg4[%add3A_16] : memref<320000xi32, #tpu.memory_space<hbm>> -> memref<4864xi32, #tpu.memory_space<hbm>>
      tpu.enqueue_dma source(%dma_start3A_98 : memref<4864xi32, #tpu.memory_space<hbm>>) target(%dma_start3A_97 : memref<4864xi32, #tpu.memory_space<vmem>>) target_semaphore(%run_scoped3A : memref<!tpu.dma_semaphore, #tpu.memory_space<semaphore_mem>>)
      %dma_wait3A_99 = arith.constant 0 : i32
      %dma_wait3A_100 = tpu.memref_slice %arg8[%dma_wait3A_99] : memref<5120xi32, #tpu.memory_space<vmem>> -> memref<4864xi32, #tpu.memory_space<vmem>>
      %dma_wait3A_101 = tpu.memref_slice %arg4[%add3A_16] : memref<320000xi32, #tpu.memory_space<hbm>> -> memref<4864xi32, #tpu.memory_space<hbm>>
      %dma_wait3A_102 = arith.constant 0 : i32
      %dma_wait3A_103 = tpu.memref_slice %arg8[%dma_wait3A_102] : memref<5120xi32, #tpu.memory_space<vmem>> -> memref<4864xi32, #tpu.memory_space<vmem>>
      %dma_wait3A_104 = tpu.memref_slice %arg4[%add3A_16] : memref<320000xi32, #tpu.memory_space<hbm>> -> memref<4864xi32, #tpu.memory_space<hbm>>
      tpu.wait_dma2 semaphore(%run_scoped3A : memref<!tpu.dma_semaphore, #tpu.memory_space<semaphore_mem>>) src(%dma_wait3A_104 : memref<4864xi32, #tpu.memory_space<hbm>>) dst(%dma_wait3A_103 : memref<4864xi32, #tpu.memory_space<vmem>>)
      tpu.yield
    }) : () -> ()
    %mul3A_17 = arith.constant 128 : i32
    %mul3A_18 = arith.muli %select_n3A, %mul3A_17 : i32
    %add3A_19 = arith.constant 0 : i32
    %add3A_20 = arith.addi %add3A_19, %mul3A_18 : i32
    "tpu.region"() ({
      %run_scoped3A = tpu.sem_alloc : memref<!tpu.dma_semaphore, #tpu.memory_space<semaphore_mem>>
      %dma_start3A_93 = arith.constant 0 : i32
      %dma_start3A_94 = tpu.memref_slice %arg9[%dma_start3A_93] : memref<5120xi32, #tpu.memory_space<vmem>> -> memref<4864xi32, #tpu.memory_space<vmem>>
      %dma_start3A_95 = tpu.memref_slice %arg5[%add3A_20] : memref<320000xi32, #tpu.memory_space<hbm>> -> memref<4864xi32, #tpu.memory_space<hbm>>
      %dma_start3A_96 = arith.constant 0 : i32
      %dma_start3A_97 = tpu.memref_slice %arg9[%dma_start3A_96] : memref<5120xi32, #tpu.memory_space<vmem>> -> memref<4864xi32, #tpu.memory_space<vmem>>
      %dma_start3A_98 = tpu.memref_slice %arg5[%add3A_20] : memref<320000xi32, #tpu.memory_space<hbm>> -> memref<4864xi32, #tpu.memory_space<hbm>>
      tpu.enqueue_dma source(%dma_start3A_98 : memref<4864xi32, #tpu.memory_space<hbm>>) target(%dma_start3A_97 : memref<4864xi32, #tpu.memory_space<vmem>>) target_semaphore(%run_scoped3A : memref<!tpu.dma_semaphore, #tpu.memory_space<semaphore_mem>>)
      %dma_wait3A_99 = arith.constant 0 : i32
      %dma_wait3A_100 = tpu.memref_slice %arg9[%dma_wait3A_99] : memref<5120xi32, #tpu.memory_space<vmem>> -> memref<4864xi32, #tpu.memory_space<vmem>>
      %dma_wait3A_101 = tpu.memref_slice %arg5[%add3A_20] : memref<320000xi32, #tpu.memory_space<hbm>> -> memref<4864xi32, #tpu.memory_space<hbm>>
      %dma_wait3A_102 = arith.constant 0 : i32
      %dma_wait3A_103 = tpu.memref_slice %arg9[%dma_wait3A_102] : memref<5120xi32, #tpu.memory_space<vmem>> -> memref<4864xi32, #tpu.memory_space<vmem>>
      %dma_wait3A_104 = tpu.memref_slice %arg5[%add3A_20] : memref<320000xi32, #tpu.memory_space<hbm>> -> memref<4864xi32, #tpu.memory_space<hbm>>
      tpu.wait_dma2 semaphore(%run_scoped3A : memref<!tpu.dma_semaphore, #tpu.memory_space<semaphore_mem>>) src(%dma_wait3A_104 : memref<4864xi32, #tpu.memory_space<hbm>>) dst(%dma_wait3A_103 : memref<4864xi32, #tpu.memory_space<vmem>>)
      tpu.yield
    }) : () -> ()
    %gt3A = arith.constant 38 : i32
    %gt3A_21 = arith.cmpi sgt, %select_n3A_12, %gt3A : i32
    %convert_element_type3A = arith.extui %gt3A_21 : i1 to i32
    %cond3A = arith.constant 0 : i32
    %cond3A_22 = arith.cmpi ne, %convert_element_type3A, %cond3A : i32
    scf.if %cond3A_22 {
      %add3A_93 = arith.constant 38 : i32
      %add3A_94 = arith.addi %select_n3A, %add3A_93 : i32
      %mul3A_95 = arith.constant 128 : i32
      %mul3A_96 = arith.muli %add3A_94, %mul3A_95 : i32
      %add3A_97 = arith.constant 0 : i32
      %add3A_98 = arith.addi %add3A_97, %mul3A_96 : i32
      "tpu.region"() ({
        %run_scoped3A = tpu.sem_alloc : memref<!tpu.dma_semaphore, #tpu.memory_space<semaphore_mem>>
        %dma_start3A_105 = arith.constant 4864 : i32
        %dma_start3A_106 = tpu.memref_slice %arg8[%dma_start3A_105] : memref<5120xi32, #tpu.memory_space<vmem>> -> memref<256xi32, #tpu.memory_space<vmem>>
        %dma_start3A_107 = tpu.memref_slice %arg4[%add3A_98] : memref<320000xi32, #tpu.memory_space<hbm>> -> memref<256xi32, #tpu.memory_space<hbm>>
        %dma_start3A_108 = arith.constant 4864 : i32
        %dma_start3A_109 = tpu.memref_slice %arg8[%dma_start3A_108] : memref<5120xi32, #tpu.memory_space<vmem>> -> memref<256xi32, #tpu.memory_space<vmem>>
        %dma_start3A_110 = tpu.memref_slice %arg4[%add3A_98] : memref<320000xi32, #tpu.memory_space<hbm>> -> memref<256xi32, #tpu.memory_space<hbm>>
        tpu.enqueue_dma source(%dma_start3A_110 : memref<256xi32, #tpu.memory_space<hbm>>) target(%dma_start3A_109 : memref<256xi32, #tpu.memory_space<vmem>>) target_semaphore(%run_scoped3A : memref<!tpu.dma_semaphore, #tpu.memory_space<semaphore_mem>>)
        %dma_wait3A_111 = arith.constant 4864 : i32
        %dma_wait3A_112 = tpu.memref_slice %arg8[%dma_wait3A_111] : memref<5120xi32, #tpu.memory_space<vmem>> -> memref<256xi32, #tpu.memory_space<vmem>>
        %dma_wait3A_113 = tpu.memref_slice %arg4[%add3A_98] : memref<320000xi32, #tpu.memory_space<hbm>> -> memref<256xi32, #tpu.memory_space<hbm>>
        %dma_wait3A_114 = arith.constant 4864 : i32
        %dma_wait3A_115 = tpu.memref_slice %arg8[%dma_wait3A_114] : memref<5120xi32, #tpu.memory_space<vmem>> -> memref<256xi32, #tpu.memory_space<vmem>>
        %dma_wait3A_116 = tpu.memref_slice %arg4[%add3A_98] : memref<320000xi32, #tpu.memory_space<hbm>> -> memref<256xi32, #tpu.memory_space<hbm>>
        tpu.wait_dma2 semaphore(%run_scoped3A : memref<!tpu.dma_semaphore, #tpu.memory_space<semaphore_mem>>) src(%dma_wait3A_116 : memref<256xi32, #tpu.memory_space<hbm>>) dst(%dma_wait3A_115 : memref<256xi32, #tpu.memory_space<vmem>>)
        tpu.yield
      }) : () -> ()
      %add3A_99 = arith.constant 38 : i32
      %add3A_100 = arith.addi %select_n3A, %add3A_99 : i32
      %mul3A_101 = arith.constant 128 : i32
      %mul3A_102 = arith.muli %add3A_100, %mul3A_101 : i32
      %add3A_103 = arith.constant 0 : i32
      %add3A_104 = arith.addi %add3A_103, %mul3A_102 : i32
      "tpu.region"() ({
        %run_scoped3A = tpu.sem_alloc : memref<!tpu.dma_semaphore, #tpu.memory_space<semaphore_mem>>
        %dma_start3A_105 = arith.constant 4864 : i32
        %dma_start3A_106 = tpu.memref_slice %arg9[%dma_start3A_105] : memref<5120xi32, #tpu.memory_space<vmem>> -> memref<256xi32, #tpu.memory_space<vmem>>
        %dma_start3A_107 = tpu.memref_slice %arg5[%add3A_104] : memref<320000xi32, #tpu.memory_space<hbm>> -> memref<256xi32, #tpu.memory_space<hbm>>
        %dma_start3A_108 = arith.constant 4864 : i32
        %dma_start3A_109 = tpu.memref_slice %arg9[%dma_start3A_108] : memref<5120xi32, #tpu.memory_space<vmem>> -> memref<256xi32, #tpu.memory_space<vmem>>
        %dma_start3A_110 = tpu.memref_slice %arg5[%add3A_104] : memref<320000xi32, #tpu.memory_space<hbm>> -> memref<256xi32, #tpu.memory_space<hbm>>
        tpu.enqueue_dma source(%dma_start3A_110 : memref<256xi32, #tpu.memory_space<hbm>>) target(%dma_start3A_109 : memref<256xi32, #tpu.memory_space<vmem>>) target_semaphore(%run_scoped3A : memref<!tpu.dma_semaphore, #tpu.memory_space<semaphore_mem>>)
        %dma_wait3A_111 = arith.constant 4864 : i32
        %dma_wait3A_112 = tpu.memref_slice %arg9[%dma_wait3A_111] : memref<5120xi32, #tpu.memory_space<vmem>> -> memref<256xi32, #tpu.memory_space<vmem>>
        %dma_wait3A_113 = tpu.memref_slice %arg5[%add3A_104] : memref<320000xi32, #tpu.memory_space<hbm>> -> memref<256xi32, #tpu.memory_space<hbm>>
        %dma_wait3A_114 = arith.constant 4864 : i32
        %dma_wait3A_115 = tpu.memref_slice %arg9[%dma_wait3A_114] : memref<5120xi32, #tpu.memory_space<vmem>> -> memref<256xi32, #tpu.memory_space<vmem>>
        %dma_wait3A_116 = tpu.memref_slice %arg5[%add3A_104] : memref<320000xi32, #tpu.memory_space<hbm>> -> memref<256xi32, #tpu.memory_space<hbm>>
        tpu.wait_dma2 semaphore(%run_scoped3A : memref<!tpu.dma_semaphore, #tpu.memory_space<semaphore_mem>>) src(%dma_wait3A_116 : memref<256xi32, #tpu.memory_space<hbm>>) dst(%dma_wait3A_115 : memref<256xi32, #tpu.memory_space<vmem>>)
        tpu.yield
      }) : () -> ()
    } else {
    }
    %dma_start3A = arith.constant 0 : i32
    %dma_start3A_23 = tpu.memref_slice %arg8[%dma_start3A] : memref<5120xi32, #tpu.memory_space<vmem>> -> memref<128xi32, #tpu.memory_space<vmem>>
    %dma_start3A_24 = arith.constant 0 : i32
    %dma_start3A_25 = arith.constant 0 : i32
    %dma_start3A_26 = tpu.memref_slice %arg2[%dma_start3A_24, %dma_start3A_25] : memref<10000x128xf32, #tpu.memory_space<hbm>> -> memref<10000x128xf32, #tpu.memory_space<hbm>>
    tpu.enqueue_indirect_dma source(%dma_start3A_26 : memref<10000x128xf32, #tpu.memory_space<hbm>>) target(%arg10 : memref<128x128xf32, #tpu.memory_space<vmem>>) offsets(%dma_start3A_23 : memref<128xi32, #tpu.memory_space<vmem>>) semaphore(%arg14 : memref<!tpu.dma_semaphore, #tpu.memory_space<semaphore_mem>>)
    %dma_start3A_27 = arith.constant 0 : i32
    %dma_start3A_28 = tpu.memref_slice %arg9[%dma_start3A_27] : memref<5120xi32, #tpu.memory_space<vmem>> -> memref<128xi32, #tpu.memory_space<vmem>>
    %dma_start3A_29 = arith.constant 0 : i32
    %dma_start3A_30 = arith.constant 0 : i32
    %dma_start3A_31 = tpu.memref_slice %arg3[%dma_start3A_29, %dma_start3A_30] : memref<10000x128xf32, #tpu.memory_space<hbm>> -> memref<10000x128xf32, #tpu.memory_space<hbm>>
    tpu.enqueue_indirect_dma source(%dma_start3A_31 : memref<10000x128xf32, #tpu.memory_space<hbm>>) target(%arg11 : memref<128x128xf32, #tpu.memory_space<vmem>>) offsets(%dma_start3A_28 : memref<128xi32, #tpu.memory_space<vmem>>) semaphore(%arg14 : memref<!tpu.dma_semaphore, #tpu.memory_space<semaphore_mem>>)
    %dma_start3A_32 = arith.constant 128 : i32
    %dma_start3A_33 = tpu.memref_slice %arg8[%dma_start3A_32] : memref<5120xi32, #tpu.memory_space<vmem>> -> memref<128xi32, #tpu.memory_space<vmem>>
    %dma_start3A_34 = arith.constant 0 : i32
    %dma_start3A_35 = arith.constant 0 : i32
    %dma_start3A_36 = tpu.memref_slice %arg2[%dma_start3A_34, %dma_start3A_35] : memref<10000x128xf32, #tpu.memory_space<hbm>> -> memref<10000x128xf32, #tpu.memory_space<hbm>>
    tpu.enqueue_indirect_dma source(%dma_start3A_36 : memref<10000x128xf32, #tpu.memory_space<hbm>>) target(%arg12 : memref<128x128xf32, #tpu.memory_space<vmem>>) offsets(%dma_start3A_33 : memref<128xi32, #tpu.memory_space<vmem>>) semaphore(%arg15 : memref<!tpu.dma_semaphore, #tpu.memory_space<semaphore_mem>>)
    %dma_start3A_37 = arith.constant 128 : i32
    %dma_start3A_38 = tpu.memref_slice %arg9[%dma_start3A_37] : memref<5120xi32, #tpu.memory_space<vmem>> -> memref<128xi32, #tpu.memory_space<vmem>>
    %dma_start3A_39 = arith.constant 0 : i32
    %dma_start3A_40 = arith.constant 0 : i32
    %dma_start3A_41 = tpu.memref_slice %arg3[%dma_start3A_39, %dma_start3A_40] : memref<10000x128xf32, #tpu.memory_space<hbm>> -> memref<10000x128xf32, #tpu.memory_space<hbm>>
    tpu.enqueue_indirect_dma source(%dma_start3A_41 : memref<10000x128xf32, #tpu.memory_space<hbm>>) target(%arg13 : memref<128x128xf32, #tpu.memory_space<vmem>>) offsets(%dma_start3A_38 : memref<128xi32, #tpu.memory_space<vmem>>) semaphore(%arg15 : memref<!tpu.dma_semaphore, #tpu.memory_space<semaphore_mem>>)
    %jit3A_42 = arith.constant 2 : i32
    %div3A = arith.divsi %select_n3A_12, %jit3A_42 : i32
    %sign3A = arith.constant 0 : i32
    %sign3A_43 = arith.cmpi sgt, %select_n3A_12, %sign3A : i32
    %sign3A_44 = arith.extui %sign3A_43 : i1 to i32
    %sign3A_45 = arith.constant 0 : i32
    %sign3A_46 = arith.cmpi slt, %select_n3A_12, %sign3A_45 : i32
    %sign3A_47 = arith.extui %sign3A_46 : i1 to i32
    %sign3A_48 = arith.subi %sign3A_44, %sign3A_47 : i32
    %sign3A_49 = arith.constant 0 : i32
    %sign3A_50 = arith.cmpi sgt, %jit3A_42, %sign3A_49 : i32
    %sign3A_51 = arith.extui %sign3A_50 : i1 to i32
    %sign3A_52 = arith.constant 0 : i32
    %sign3A_53 = arith.cmpi slt, %jit3A_42, %sign3A_52 : i32
    %sign3A_54 = arith.extui %sign3A_53 : i1 to i32
    %sign3A_55 = arith.subi %sign3A_51, %sign3A_54 : i32
    %ne3A = arith.cmpi ne, %sign3A_48, %sign3A_55 : i32
    %rem3A = arith.remsi %select_n3A_12, %jit3A_42 : i32
    %ne3A_56 = arith.constant 0 : i32
    %ne3A_57 = arith.cmpi ne, %rem3A, %ne3A_56 : i32
    %and3A = arith.andi %ne3A, %ne3A_57 : i1
    %sub3A_58 = arith.constant 1 : i32
    %sub3A_59 = arith.subi %div3A, %sub3A_58 : i32
    %select_n3A_60 = arith.select %and3A, %sub3A_59, %div3A : i32
    %while3A = arith.constant 0 : i32
    %while3A_61 = arith.constant 0 : i32
    %while3A_62 = arith.subi %select_n3A_60, %while3A_61 : i32
    %while3A_63 = arith.addi %while3A_61, %while3A_62 : i32
    %while3A_64 = arith.constant 1 : i32
    %while3A_65 = arith.divsi %while3A_62, %while3A_64 : i32
    %while3A_66 = arith.muli %while3A_65, %while3A_64 : i32
    %while3A_67 = arith.addi %while3A_61, %while3A_66 : i32
    %while3A_68 = arith.constant 1 : i32
    scf.for %while3A_93 = %while3A_61 to %while3A_67 step %while3A_68  : i32 {
      %mul3A_94 = arith.constant 2 : i32
      %mul3A_95 = arith.muli %mul3A_94, %while3A_93 : i32
      %add3A_96 = arith.constant 0 : i32
      %add3A_97 = arith.addi %mul3A_95, %add3A_96 : i32
      %add3A_98 = arith.addi %select_n3A, %add3A_97 : i32
      %mul3A_99 = arith.constant 128 : i32
      %mul3A_100 = arith.muli %add3A_98, %mul3A_99 : i32
      %dma_wait3A_101 = arith.constant 0 : i32
      %dma_wait3A_102 = arith.constant 0 : i32
      %dma_wait3A_103 = tpu.memref_slice %arg6[%dma_wait3A_101, %dma_wait3A_102] : memref<160000x128xf32, #tpu.memory_space<hbm>> -> memref<128x128xf32, #tpu.memory_space<hbm>>
      %dma_wait3A_104 = arith.constant 0 : i32
      %dma_wait3A_105 = arith.constant 0 : i32
      %dma_wait3A_106 = tpu.memref_slice %arg6[%dma_wait3A_104, %dma_wait3A_105] : memref<160000x128xf32, #tpu.memory_space<hbm>> -> memref<128x128xf32, #tpu.memory_space<hbm>>
      tpu.wait_dma2 semaphore(%arg14 : memref<!tpu.dma_semaphore, #tpu.memory_space<semaphore_mem>>) src(%dma_wait3A_106 : memref<128x128xf32, #tpu.memory_space<hbm>>) dst(%arg10 : memref<128x128xf32, #tpu.memory_space<vmem>>)
      %dma_wait3A_107 = arith.constant 0 : i32
      %dma_wait3A_108 = arith.constant 0 : i32
      %dma_wait3A_109 = tpu.memref_slice %arg6[%dma_wait3A_107, %dma_wait3A_108] : memref<160000x128xf32, #tpu.memory_space<hbm>> -> memref<128x128xf32, #tpu.memory_space<hbm>>
      %dma_wait3A_110 = arith.constant 0 : i32
      %dma_wait3A_111 = arith.constant 0 : i32
      %dma_wait3A_112 = tpu.memref_slice %arg6[%dma_wait3A_110, %dma_wait3A_111] : memref<160000x128xf32, #tpu.memory_space<hbm>> -> memref<128x128xf32, #tpu.memory_space<hbm>>
      tpu.wait_dma2 semaphore(%arg14 : memref<!tpu.dma_semaphore, #tpu.memory_space<semaphore_mem>>) src(%dma_wait3A_112 : memref<128x128xf32, #tpu.memory_space<hbm>>) dst(%arg11 : memref<128x128xf32, #tpu.memory_space<vmem>>)
      %dma_start3A_113 = arith.constant 0 : i32
      %dma_start3A_114 = tpu.memref_slice %arg6[%mul3A_100, %dma_start3A_113] : memref<160000x128xf32, #tpu.memory_space<hbm>> -> memref<128x128xf32, #tpu.memory_space<hbm>>
      %dma_start3A_115 = arith.constant 0 : i32
      %dma_start3A_116 = tpu.memref_slice %arg6[%mul3A_100, %dma_start3A_115] : memref<160000x128xf32, #tpu.memory_space<hbm>> -> memref<128x128xf32, #tpu.memory_space<hbm>>
      tpu.enqueue_dma source(%arg10 : memref<128x128xf32, #tpu.memory_space<vmem>>) target(%dma_start3A_116 : memref<128x128xf32, #tpu.memory_space<hbm>>) target_semaphore(%arg16 : memref<!tpu.dma_semaphore, #tpu.memory_space<semaphore_mem>>)
      %dma_start3A_117 = arith.constant 0 : i32
      %dma_start3A_118 = tpu.memref_slice %arg7[%mul3A_100, %dma_start3A_117] : memref<160000x128xf32, #tpu.memory_space<hbm>> -> memref<128x128xf32, #tpu.memory_space<hbm>>
      %dma_start3A_119 = arith.constant 0 : i32
      %dma_start3A_120 = tpu.memref_slice %arg7[%mul3A_100, %dma_start3A_119] : memref<160000x128xf32, #tpu.memory_space<hbm>> -> memref<128x128xf32, #tpu.memory_space<hbm>>
      tpu.enqueue_dma source(%arg11 : memref<128x128xf32, #tpu.memory_space<vmem>>) target(%dma_start3A_120 : memref<128x128xf32, #tpu.memory_space<hbm>>) target_semaphore(%arg16 : memref<!tpu.dma_semaphore, #tpu.memory_space<semaphore_mem>>)
      %add3A_121 = arith.constant 2 : i32
      %add3A_122 = arith.addi %add3A_97, %add3A_121 : i32
      %lt3A_123 = arith.cmpi slt, %add3A_122, %select_n3A_12 : i32
      %convert_element_type3A_124 = arith.extui %lt3A_123 : i1 to i32
      %cond3A_125 = arith.constant 0 : i32
      %cond3A_126 = arith.cmpi ne, %convert_element_type3A_124, %cond3A_125 : i32
      scf.if %cond3A_126 {
        %dma_wait3A_160 = arith.constant 0 : i32
        %dma_wait3A_161 = arith.constant 0 : i32
        %dma_wait3A_162 = tpu.memref_slice %arg6[%dma_wait3A_160, %dma_wait3A_161] : memref<160000x128xf32, #tpu.memory_space<hbm>> -> memref<128x128xf32, #tpu.memory_space<hbm>>
        %dma_wait3A_163 = arith.constant 0 : i32
        %dma_wait3A_164 = arith.constant 0 : i32
        %dma_wait3A_165 = tpu.memref_slice %arg6[%dma_wait3A_163, %dma_wait3A_164] : memref<160000x128xf32, #tpu.memory_space<hbm>> -> memref<128x128xf32, #tpu.memory_space<hbm>>
        tpu.wait_dma2 semaphore(%arg16 : memref<!tpu.dma_semaphore, #tpu.memory_space<semaphore_mem>>) src(%dma_wait3A_165 : memref<128x128xf32, #tpu.memory_space<hbm>>) dst(%arg10 : memref<128x128xf32, #tpu.memory_space<vmem>>)
        %dma_wait3A_166 = arith.constant 0 : i32
        %dma_wait3A_167 = arith.constant 0 : i32
        %dma_wait3A_168 = tpu.memref_slice %arg6[%dma_wait3A_166, %dma_wait3A_167] : memref<160000x128xf32, #tpu.memory_space<hbm>> -> memref<128x128xf32, #tpu.memory_space<hbm>>
        %dma_wait3A_169 = arith.constant 0 : i32
        %dma_wait3A_170 = arith.constant 0 : i32
        %dma_wait3A_171 = tpu.memref_slice %arg6[%dma_wait3A_169, %dma_wait3A_170] : memref<160000x128xf32, #tpu.memory_space<hbm>> -> memref<128x128xf32, #tpu.memory_space<hbm>>
        tpu.wait_dma2 semaphore(%arg16 : memref<!tpu.dma_semaphore, #tpu.memory_space<semaphore_mem>>) src(%dma_wait3A_171 : memref<128x128xf32, #tpu.memory_space<hbm>>) dst(%arg11 : memref<128x128xf32, #tpu.memory_space<vmem>>)
        %add3A_172 = arith.constant 2 : i32
        %add3A_173 = arith.addi %add3A_97, %add3A_172 : i32
        %mul3A_174 = arith.constant 128 : i32
        %mul3A_175 = arith.muli %add3A_173, %mul3A_174 : i32
        %dma_start3A_176 = tpu.memref_slice %arg8[%mul3A_175] : memref<5120xi32, #tpu.memory_space<vmem>> -> memref<128xi32, #tpu.memory_space<vmem>>
        %dma_start3A_177 = arith.constant 0 : i32
        %dma_start3A_178 = arith.constant 0 : i32
        %dma_start3A_179 = tpu.memref_slice %arg2[%dma_start3A_177, %dma_start3A_178] : memref<10000x128xf32, #tpu.memory_space<hbm>> -> memref<10000x128xf32, #tpu.memory_space<hbm>>
        tpu.enqueue_indirect_dma source(%dma_start3A_179 : memref<10000x128xf32, #tpu.memory_space<hbm>>) target(%arg10 : memref<128x128xf32, #tpu.memory_space<vmem>>) offsets(%dma_start3A_176 : memref<128xi32, #tpu.memory_space<vmem>>) semaphore(%arg14 : memref<!tpu.dma_semaphore, #tpu.memory_space<semaphore_mem>>)
        %add3A_180 = arith.constant 2 : i32
        %add3A_181 = arith.addi %add3A_97, %add3A_180 : i32
        %mul3A_182 = arith.constant 128 : i32
        %mul3A_183 = arith.muli %add3A_181, %mul3A_182 : i32
        %dma_start3A_184 = tpu.memref_slice %arg9[%mul3A_183] : memref<5120xi32, #tpu.memory_space<vmem>> -> memref<128xi32, #tpu.memory_space<vmem>>
        %dma_start3A_185 = arith.constant 0 : i32
        %dma_start3A_186 = arith.constant 0 : i32
        %dma_start3A_187 = tpu.memref_slice %arg3[%dma_start3A_185, %dma_start3A_186] : memref<10000x128xf32, #tpu.memory_space<hbm>> -> memref<10000x128xf32, #tpu.memory_space<hbm>>
        tpu.enqueue_indirect_dma source(%dma_start3A_187 : memref<10000x128xf32, #tpu.memory_space<hbm>>) target(%arg11 : memref<128x128xf32, #tpu.memory_space<vmem>>) offsets(%dma_start3A_184 : memref<128xi32, #tpu.memory_space<vmem>>) semaphore(%arg14 : memref<!tpu.dma_semaphore, #tpu.memory_space<semaphore_mem>>)
      } else {
      }
      %mul3A_127 = arith.constant 2 : i32
      %mul3A_128 = arith.muli %mul3A_127, %while3A_93 : i32
      %add3A_129 = arith.constant 1 : i32
      %add3A_130 = arith.addi %mul3A_128, %add3A_129 : i32
      %add3A_131 = arith.addi %select_n3A, %add3A_130 : i32
      %mul3A_132 = arith.constant 128 : i32
      %mul3A_133 = arith.muli %add3A_131, %mul3A_132 : i32
      %dma_wait3A_134 = arith.constant 0 : i32
      %dma_wait3A_135 = arith.constant 0 : i32
      %dma_wait3A_136 = tpu.memref_slice %arg6[%dma_wait3A_134, %dma_wait3A_135] : memref<160000x128xf32, #tpu.memory_space<hbm>> -> memref<128x128xf32, #tpu.memory_space<hbm>>
      %dma_wait3A_137 = arith.constant 0 : i32
      %dma_wait3A_138 = arith.constant 0 : i32
      %dma_wait3A_139 = tpu.memref_slice %arg6[%dma_wait3A_137, %dma_wait3A_138] : memref<160000x128xf32, #tpu.memory_space<hbm>> -> memref<128x128xf32, #tpu.memory_space<hbm>>
      tpu.wait_dma2 semaphore(%arg15 : memref<!tpu.dma_semaphore, #tpu.memory_space<semaphore_mem>>) src(%dma_wait3A_139 : memref<128x128xf32, #tpu.memory_space<hbm>>) dst(%arg12 : memref<128x128xf32, #tpu.memory_space<vmem>>)
      %dma_wait3A_140 = arith.constant 0 : i32
      %dma_wait3A_141 = arith.constant 0 : i32
      %dma_wait3A_142 = tpu.memref_slice %arg6[%dma_wait3A_140, %dma_wait3A_141] : memref<160000x128xf32, #tpu.memory_space<hbm>> -> memref<128x128xf32, #tpu.memory_space<hbm>>
      %dma_wait3A_143 = arith.constant 0 : i32
      %dma_wait3A_144 = arith.constant 0 : i32
      %dma_wait3A_145 = tpu.memref_slice %arg6[%dma_wait3A_143, %dma_wait3A_144] : memref<160000x128xf32, #tpu.memory_space<hbm>> -> memref<128x128xf32, #tpu.memory_space<hbm>>
      tpu.wait_dma2 semaphore(%arg15 : memref<!tpu.dma_semaphore, #tpu.memory_space<semaphore_mem>>) src(%dma_wait3A_145 : memref<128x128xf32, #tpu.memory_space<hbm>>) dst(%arg13 : memref<128x128xf32, #tpu.memory_space<vmem>>)
      %dma_start3A_146 = arith.constant 0 : i32
      %dma_start3A_147 = tpu.memref_slice %arg6[%mul3A_133, %dma_start3A_146] : memref<160000x128xf32, #tpu.memory_space<hbm>> -> memref<128x128xf32, #tpu.memory_space<hbm>>
      %dma_start3A_148 = arith.constant 0 : i32
      %dma_start3A_149 = tpu.memref_slice %arg6[%mul3A_133, %dma_start3A_148] : memref<160000x128xf32, #tpu.memory_space<hbm>> -> memref<128x128xf32, #tpu.memory_space<hbm>>
      tpu.enqueue_dma source(%arg12 : memref<128x128xf32, #tpu.memory_space<vmem>>) target(%dma_start3A_149 : memref<128x128xf32, #tpu.memory_space<hbm>>) target_semaphore(%arg17 : memref<!tpu.dma_semaphore, #tpu.memory_space<semaphore_mem>>)
      %dma_start3A_150 = arith.constant 0 : i32
      %dma_start3A_151 = tpu.memref_slice %arg7[%mul3A_133, %dma_start3A_150] : memref<160000x128xf32, #tpu.memory_space<hbm>> -> memref<128x128xf32, #tpu.memory_space<hbm>>
      %dma_start3A_152 = arith.constant 0 : i32
      %dma_start3A_153 = tpu.memref_slice %arg7[%mul3A_133, %dma_start3A_152] : memref<160000x128xf32, #tpu.memory_space<hbm>> -> memref<128x128xf32, #tpu.memory_space<hbm>>
      tpu.enqueue_dma source(%arg13 : memref<128x128xf32, #tpu.memory_space<vmem>>) target(%dma_start3A_153 : memref<128x128xf32, #tpu.memory_space<hbm>>) target_semaphore(%arg17 : memref<!tpu.dma_semaphore, #tpu.memory_space<semaphore_mem>>)
      %add3A_154 = arith.constant 2 : i32
      %add3A_155 = arith.addi %add3A_130, %add3A_154 : i32
      %lt3A_156 = arith.cmpi slt, %add3A_155, %select_n3A_12 : i32
      %convert_element_type3A_157 = arith.extui %lt3A_156 : i1 to i32
      %cond3A_158 = arith.constant 0 : i32
      %cond3A_159 = arith.cmpi ne, %convert_element_type3A_157, %cond3A_158 : i32
      scf.if %cond3A_159 {
        %dma_wait3A_160 = arith.constant 0 : i32
        %dma_wait3A_161 = arith.constant 0 : i32
        %dma_wait3A_162 = tpu.memref_slice %arg6[%dma_wait3A_160, %dma_wait3A_161] : memref<160000x128xf32, #tpu.memory_space<hbm>> -> memref<128x128xf32, #tpu.memory_space<hbm>>
        %dma_wait3A_163 = arith.constant 0 : i32
        %dma_wait3A_164 = arith.constant 0 : i32
        %dma_wait3A_165 = tpu.memref_slice %arg6[%dma_wait3A_163, %dma_wait3A_164] : memref<160000x128xf32, #tpu.memory_space<hbm>> -> memref<128x128xf32, #tpu.memory_space<hbm>>
        tpu.wait_dma2 semaphore(%arg17 : memref<!tpu.dma_semaphore, #tpu.memory_space<semaphore_mem>>) src(%dma_wait3A_165 : memref<128x128xf32, #tpu.memory_space<hbm>>) dst(%arg12 : memref<128x128xf32, #tpu.memory_space<vmem>>)
        %dma_wait3A_166 = arith.constant 0 : i32
        %dma_wait3A_167 = arith.constant 0 : i32
        %dma_wait3A_168 = tpu.memref_slice %arg6[%dma_wait3A_166, %dma_wait3A_167] : memref<160000x128xf32, #tpu.memory_space<hbm>> -> memref<128x128xf32, #tpu.memory_space<hbm>>
        %dma_wait3A_169 = arith.constant 0 : i32
        %dma_wait3A_170 = arith.constant 0 : i32
        %dma_wait3A_171 = tpu.memref_slice %arg6[%dma_wait3A_169, %dma_wait3A_170] : memref<160000x128xf32, #tpu.memory_space<hbm>> -> memref<128x128xf32, #tpu.memory_space<hbm>>
        tpu.wait_dma2 semaphore(%arg17 : memref<!tpu.dma_semaphore, #tpu.memory_space<semaphore_mem>>) src(%dma_wait3A_171 : memref<128x128xf32, #tpu.memory_space<hbm>>) dst(%arg13 : memref<128x128xf32, #tpu.memory_space<vmem>>)
        %add3A_172 = arith.constant 2 : i32
        %add3A_173 = arith.addi %add3A_130, %add3A_172 : i32
        %mul3A_174 = arith.constant 128 : i32
        %mul3A_175 = arith.muli %add3A_173, %mul3A_174 : i32
        %dma_start3A_176 = tpu.memref_slice %arg8[%mul3A_175] : memref<5120xi32, #tpu.memory_space<vmem>> -> memref<128xi32, #tpu.memory_space<vmem>>
        %dma_start3A_177 = arith.constant 0 : i32
        %dma_start3A_178 = arith.constant 0 : i32
        %dma_start3A_179 = tpu.memref_slice %arg2[%dma_start3A_177, %dma_start3A_178] : memref<10000x128xf32, #tpu.memory_space<hbm>> -> memref<10000x128xf32, #tpu.memory_space<hbm>>
        tpu.enqueue_indirect_dma source(%dma_start3A_179 : memref<10000x128xf32, #tpu.memory_space<hbm>>) target(%arg12 : memref<128x128xf32, #tpu.memory_space<vmem>>) offsets(%dma_start3A_176 : memref<128xi32, #tpu.memory_space<vmem>>) semaphore(%arg15 : memref<!tpu.dma_semaphore, #tpu.memory_space<semaphore_mem>>)
        %add3A_180 = arith.constant 2 : i32
        %add3A_181 = arith.addi %add3A_130, %add3A_180 : i32
        %mul3A_182 = arith.constant 128 : i32
        %mul3A_183 = arith.muli %add3A_181, %mul3A_182 : i32
        %dma_start3A_184 = tpu.memref_slice %arg9[%mul3A_183] : memref<5120xi32, #tpu.memory_space<vmem>> -> memref<128xi32, #tpu.memory_space<vmem>>
        %dma_start3A_185 = arith.constant 0 : i32
        %dma_start3A_186 = arith.constant 0 : i32
        %dma_start3A_187 = tpu.memref_slice %arg3[%dma_start3A_185, %dma_start3A_186] : memref<10000x128xf32, #tpu.memory_space<hbm>> -> memref<10000x128xf32, #tpu.memory_space<hbm>>
        tpu.enqueue_indirect_dma source(%dma_start3A_187 : memref<10000x128xf32, #tpu.memory_space<hbm>>) target(%arg13 : memref<128x128xf32, #tpu.memory_space<vmem>>) offsets(%dma_start3A_184 : memref<128xi32, #tpu.memory_space<vmem>>) semaphore(%arg15 : memref<!tpu.dma_semaphore, #tpu.memory_space<semaphore_mem>>)
      } else {
      }
    }
    %while3A_69 = arith.constant 1 : i32
    scf.for %while3A_93 = %while3A_67 to %while3A_63 step %while3A_69  : i32 {
      %mul3A_94 = arith.constant 2 : i32
      %mul3A_95 = arith.muli %mul3A_94, %while3A_93 : i32
      %add3A_96 = arith.constant 0 : i32
      %add3A_97 = arith.addi %mul3A_95, %add3A_96 : i32
      %add3A_98 = arith.addi %select_n3A, %add3A_97 : i32
      %mul3A_99 = arith.constant 128 : i32
      %mul3A_100 = arith.muli %add3A_98, %mul3A_99 : i32
      %dma_wait3A_101 = arith.constant 0 : i32
      %dma_wait3A_102 = arith.constant 0 : i32
      %dma_wait3A_103 = tpu.memref_slice %arg6[%dma_wait3A_101, %dma_wait3A_102] : memref<160000x128xf32, #tpu.memory_space<hbm>> -> memref<128x128xf32, #tpu.memory_space<hbm>>
      %dma_wait3A_104 = arith.constant 0 : i32
      %dma_wait3A_105 = arith.constant 0 : i32
      %dma_wait3A_106 = tpu.memref_slice %arg6[%dma_wait3A_104, %dma_wait3A_105] : memref<160000x128xf32, #tpu.memory_space<hbm>> -> memref<128x128xf32, #tpu.memory_space<hbm>>
      tpu.wait_dma2 semaphore(%arg14 : memref<!tpu.dma_semaphore, #tpu.memory_space<semaphore_mem>>) src(%dma_wait3A_106 : memref<128x128xf32, #tpu.memory_space<hbm>>) dst(%arg10 : memref<128x128xf32, #tpu.memory_space<vmem>>)
      %dma_wait3A_107 = arith.constant 0 : i32
      %dma_wait3A_108 = arith.constant 0 : i32
      %dma_wait3A_109 = tpu.memref_slice %arg6[%dma_wait3A_107, %dma_wait3A_108] : memref<160000x128xf32, #tpu.memory_space<hbm>> -> memref<128x128xf32, #tpu.memory_space<hbm>>
      %dma_wait3A_110 = arith.constant 0 : i32
      %dma_wait3A_111 = arith.constant 0 : i32
      %dma_wait3A_112 = tpu.memref_slice %arg6[%dma_wait3A_110, %dma_wait3A_111] : memref<160000x128xf32, #tpu.memory_space<hbm>> -> memref<128x128xf32, #tpu.memory_space<hbm>>
      tpu.wait_dma2 semaphore(%arg14 : memref<!tpu.dma_semaphore, #tpu.memory_space<semaphore_mem>>) src(%dma_wait3A_112 : memref<128x128xf32, #tpu.memory_space<hbm>>) dst(%arg11 : memref<128x128xf32, #tpu.memory_space<vmem>>)
      %dma_start3A_113 = arith.constant 0 : i32
      %dma_start3A_114 = tpu.memref_slice %arg6[%mul3A_100, %dma_start3A_113] : memref<160000x128xf32, #tpu.memory_space<hbm>> -> memref<128x128xf32, #tpu.memory_space<hbm>>
      %dma_start3A_115 = arith.constant 0 : i32
      %dma_start3A_116 = tpu.memref_slice %arg6[%mul3A_100, %dma_start3A_115] : memref<160000x128xf32, #tpu.memory_space<hbm>> -> memref<128x128xf32, #tpu.memory_space<hbm>>
      tpu.enqueue_dma source(%arg10 : memref<128x128xf32, #tpu.memory_space<vmem>>) target(%dma_start3A_116 : memref<128x128xf32, #tpu.memory_space<hbm>>) target_semaphore(%arg16 : memref<!tpu.dma_semaphore, #tpu.memory_space<semaphore_mem>>)
      %dma_start3A_117 = arith.constant 0 : i32
      %dma_start3A_118 = tpu.memref_slice %arg7[%mul3A_100, %dma_start3A_117] : memref<160000x128xf32, #tpu.memory_space<hbm>> -> memref<128x128xf32, #tpu.memory_space<hbm>>
      %dma_start3A_119 = arith.constant 0 : i32
      %dma_start3A_120 = tpu.memref_slice %arg7[%mul3A_100, %dma_start3A_119] : memref<160000x128xf32, #tpu.memory_space<hbm>> -> memref<128x128xf32, #tpu.memory_space<hbm>>
      tpu.enqueue_dma source(%arg11 : memref<128x128xf32, #tpu.memory_space<vmem>>) target(%dma_start3A_120 : memref<128x128xf32, #tpu.memory_space<hbm>>) target_semaphore(%arg16 : memref<!tpu.dma_semaphore, #tpu.memory_space<semaphore_mem>>)
      %add3A_121 = arith.constant 2 : i32
      %add3A_122 = arith.addi %add3A_97, %add3A_121 : i32
      %lt3A_123 = arith.cmpi slt, %add3A_122, %select_n3A_12 : i32
      %convert_element_type3A_124 = arith.extui %lt3A_123 : i1 to i32
      %cond3A_125 = arith.constant 0 : i32
      %cond3A_126 = arith.cmpi ne, %convert_element_type3A_124, %cond3A_125 : i32
      scf.if %cond3A_126 {
        %dma_wait3A_160 = arith.constant 0 : i32
        %dma_wait3A_161 = arith.constant 0 : i32
        %dma_wait3A_162 = tpu.memref_slice %arg6[%dma_wait3A_160, %dma_wait3A_161] : memref<160000x128xf32, #tpu.memory_space<hbm>> -> memref<128x128xf32, #tpu.memory_space<hbm>>
        %dma_wait3A_163 = arith.constant 0 : i32
        %dma_wait3A_164 = arith.constant 0 : i32
        %dma_wait3A_165 = tpu.memref_slice %arg6[%dma_wait3A_163, %dma_wait3A_164] : memref<160000x128xf32, #tpu.memory_space<hbm>> -> memref<128x128xf32, #tpu.memory_space<hbm>>
        tpu.wait_dma2 semaphore(%arg16 : memref<!tpu.dma_semaphore, #tpu.memory_space<semaphore_mem>>) src(%dma_wait3A_165 : memref<128x128xf32, #tpu.memory_space<hbm>>) dst(%arg10 : memref<128x128xf32, #tpu.memory_space<vmem>>)
        %dma_wait3A_166 = arith.constant 0 : i32
        %dma_wait3A_167 = arith.constant 0 : i32
        %dma_wait3A_168 = tpu.memref_slice %arg6[%dma_wait3A_166, %dma_wait3A_167] : memref<160000x128xf32, #tpu.memory_space<hbm>> -> memref<128x128xf32, #tpu.memory_space<hbm>>
        %dma_wait3A_169 = arith.constant 0 : i32
        %dma_wait3A_170 = arith.constant 0 : i32
        %dma_wait3A_171 = tpu.memref_slice %arg6[%dma_wait3A_169, %dma_wait3A_170] : memref<160000x128xf32, #tpu.memory_space<hbm>> -> memref<128x128xf32, #tpu.memory_space<hbm>>
        tpu.wait_dma2 semaphore(%arg16 : memref<!tpu.dma_semaphore, #tpu.memory_space<semaphore_mem>>) src(%dma_wait3A_171 : memref<128x128xf32, #tpu.memory_space<hbm>>) dst(%arg11 : memref<128x128xf32, #tpu.memory_space<vmem>>)
        %add3A_172 = arith.constant 2 : i32
        %add3A_173 = arith.addi %add3A_97, %add3A_172 : i32
        %mul3A_174 = arith.constant 128 : i32
        %mul3A_175 = arith.muli %add3A_173, %mul3A_174 : i32
        %dma_start3A_176 = tpu.memref_slice %arg8[%mul3A_175] : memref<5120xi32, #tpu.memory_space<vmem>> -> memref<128xi32, #tpu.memory_space<vmem>>
        %dma_start3A_177 = arith.constant 0 : i32
        %dma_start3A_178 = arith.constant 0 : i32
        %dma_start3A_179 = tpu.memref_slice %arg2[%dma_start3A_177, %dma_start3A_178] : memref<10000x128xf32, #tpu.memory_space<hbm>> -> memref<10000x128xf32, #tpu.memory_space<hbm>>
        tpu.enqueue_indirect_dma source(%dma_start3A_179 : memref<10000x128xf32, #tpu.memory_space<hbm>>) target(%arg10 : memref<128x128xf32, #tpu.memory_space<vmem>>) offsets(%dma_start3A_176 : memref<128xi32, #tpu.memory_space<vmem>>) semaphore(%arg14 : memref<!tpu.dma_semaphore, #tpu.memory_space<semaphore_mem>>)
        %add3A_180 = arith.constant 2 : i32
        %add3A_181 = arith.addi %add3A_97, %add3A_180 : i32
        %mul3A_182 = arith.constant 128 : i32
        %mul3A_183 = arith.muli %add3A_181, %mul3A_182 : i32
        %dma_start3A_184 = tpu.memref_slice %arg9[%mul3A_183] : memref<5120xi32, #tpu.memory_space<vmem>> -> memref<128xi32, #tpu.memory_space<vmem>>
        %dma_start3A_185 = arith.constant 0 : i32
        %dma_start3A_186 = arith.constant 0 : i32
        %dma_start3A_187 = tpu.memref_slice %arg3[%dma_start3A_185, %dma_start3A_186] : memref<10000x128xf32, #tpu.memory_space<hbm>> -> memref<10000x128xf32, #tpu.memory_space<hbm>>
        tpu.enqueue_indirect_dma source(%dma_start3A_187 : memref<10000x128xf32, #tpu.memory_space<hbm>>) target(%arg11 : memref<128x128xf32, #tpu.memory_space<vmem>>) offsets(%dma_start3A_184 : memref<128xi32, #tpu.memory_space<vmem>>) semaphore(%arg14 : memref<!tpu.dma_semaphore, #tpu.memory_space<semaphore_mem>>)
      } else {
      }
      %mul3A_127 = arith.constant 2 : i32
      %mul3A_128 = arith.muli %mul3A_127, %while3A_93 : i32
      %add3A_129 = arith.constant 1 : i32
      %add3A_130 = arith.addi %mul3A_128, %add3A_129 : i32
      %add3A_131 = arith.addi %select_n3A, %add3A_130 : i32
      %mul3A_132 = arith.constant 128 : i32
      %mul3A_133 = arith.muli %add3A_131, %mul3A_132 : i32
      %dma_wait3A_134 = arith.constant 0 : i32
      %dma_wait3A_135 = arith.constant 0 : i32
      %dma_wait3A_136 = tpu.memref_slice %arg6[%dma_wait3A_134, %dma_wait3A_135] : memref<160000x128xf32, #tpu.memory_space<hbm>> -> memref<128x128xf32, #tpu.memory_space<hbm>>
      %dma_wait3A_137 = arith.constant 0 : i32
      %dma_wait3A_138 = arith.constant 0 : i32
      %dma_wait3A_139 = tpu.memref_slice %arg6[%dma_wait3A_137, %dma_wait3A_138] : memref<160000x128xf32, #tpu.memory_space<hbm>> -> memref<128x128xf32, #tpu.memory_space<hbm>>
      tpu.wait_dma2 semaphore(%arg15 : memref<!tpu.dma_semaphore, #tpu.memory_space<semaphore_mem>>) src(%dma_wait3A_139 : memref<128x128xf32, #tpu.memory_space<hbm>>) dst(%arg12 : memref<128x128xf32, #tpu.memory_space<vmem>>)
      %dma_wait3A_140 = arith.constant 0 : i32
      %dma_wait3A_141 = arith.constant 0 : i32
      %dma_wait3A_142 = tpu.memref_slice %arg6[%dma_wait3A_140, %dma_wait3A_141] : memref<160000x128xf32, #tpu.memory_space<hbm>> -> memref<128x128xf32, #tpu.memory_space<hbm>>
      %dma_wait3A_143 = arith.constant 0 : i32
      %dma_wait3A_144 = arith.constant 0 : i32
      %dma_wait3A_145 = tpu.memref_slice %arg6[%dma_wait3A_143, %dma_wait3A_144] : memref<160000x128xf32, #tpu.memory_space<hbm>> -> memref<128x128xf32, #tpu.memory_space<hbm>>
      tpu.wait_dma2 semaphore(%arg15 : memref<!tpu.dma_semaphore, #tpu.memory_space<semaphore_mem>>) src(%dma_wait3A_145 : memref<128x128xf32, #tpu.memory_space<hbm>>) dst(%arg13 : memref<128x128xf32, #tpu.memory_space<vmem>>)
      %dma_start3A_146 = arith.constant 0 : i32
      %dma_start3A_147 = tpu.memref_slice %arg6[%mul3A_133, %dma_start3A_146] : memref<160000x128xf32, #tpu.memory_space<hbm>> -> memref<128x128xf32, #tpu.memory_space<hbm>>
      %dma_start3A_148 = arith.constant 0 : i32
      %dma_start3A_149 = tpu.memref_slice %arg6[%mul3A_133, %dma_start3A_148] : memref<160000x128xf32, #tpu.memory_space<hbm>> -> memref<128x128xf32, #tpu.memory_space<hbm>>
      tpu.enqueue_dma source(%arg12 : memref<128x128xf32, #tpu.memory_space<vmem>>) target(%dma_start3A_149 : memref<128x128xf32, #tpu.memory_space<hbm>>) target_semaphore(%arg17 : memref<!tpu.dma_semaphore, #tpu.memory_space<semaphore_mem>>)
      %dma_start3A_150 = arith.constant 0 : i32
      %dma_start3A_151 = tpu.memref_slice %arg7[%mul3A_133, %dma_start3A_150] : memref<160000x128xf32, #tpu.memory_space<hbm>> -> memref<128x128xf32, #tpu.memory_space<hbm>>
      %dma_start3A_152 = arith.constant 0 : i32
      %dma_start3A_153 = tpu.memref_slice %arg7[%mul3A_133, %dma_start3A_152] : memref<160000x128xf32, #tpu.memory_space<hbm>> -> memref<128x128xf32, #tpu.memory_space<hbm>>
      tpu.enqueue_dma source(%arg13 : memref<128x128xf32, #tpu.memory_space<vmem>>) target(%dma_start3A_153 : memref<128x128xf32, #tpu.memory_space<hbm>>) target_semaphore(%arg17 : memref<!tpu.dma_semaphore, #tpu.memory_space<semaphore_mem>>)
      %add3A_154 = arith.constant 2 : i32
      %add3A_155 = arith.addi %add3A_130, %add3A_154 : i32
      %lt3A_156 = arith.cmpi slt, %add3A_155, %select_n3A_12 : i32
      %convert_element_type3A_157 = arith.extui %lt3A_156 : i1 to i32
      %cond3A_158 = arith.constant 0 : i32
      %cond3A_159 = arith.cmpi ne, %convert_element_type3A_157, %cond3A_158 : i32
      scf.if %cond3A_159 {
        %dma_wait3A_160 = arith.constant 0 : i32
        %dma_wait3A_161 = arith.constant 0 : i32
        %dma_wait3A_162 = tpu.memref_slice %arg6[%dma_wait3A_160, %dma_wait3A_161] : memref<160000x128xf32, #tpu.memory_space<hbm>> -> memref<128x128xf32, #tpu.memory_space<hbm>>
        %dma_wait3A_163 = arith.constant 0 : i32
        %dma_wait3A_164 = arith.constant 0 : i32
        %dma_wait3A_165 = tpu.memref_slice %arg6[%dma_wait3A_163, %dma_wait3A_164] : memref<160000x128xf32, #tpu.memory_space<hbm>> -> memref<128x128xf32, #tpu.memory_space<hbm>>
        tpu.wait_dma2 semaphore(%arg17 : memref<!tpu.dma_semaphore, #tpu.memory_space<semaphore_mem>>) src(%dma_wait3A_165 : memref<128x128xf32, #tpu.memory_space<hbm>>) dst(%arg12 : memref<128x128xf32, #tpu.memory_space<vmem>>)
        %dma_wait3A_166 = arith.constant 0 : i32
        %dma_wait3A_167 = arith.constant 0 : i32
        %dma_wait3A_168 = tpu.memref_slice %arg6[%dma_wait3A_166, %dma_wait3A_167] : memref<160000x128xf32, #tpu.memory_space<hbm>> -> memref<128x128xf32, #tpu.memory_space<hbm>>
        %dma_wait3A_169 = arith.constant 0 : i32
        %dma_wait3A_170 = arith.constant 0 : i32
        %dma_wait3A_171 = tpu.memref_slice %arg6[%dma_wait3A_169, %dma_wait3A_170] : memref<160000x128xf32, #tpu.memory_space<hbm>> -> memref<128x128xf32, #tpu.memory_space<hbm>>
        tpu.wait_dma2 semaphore(%arg17 : memref<!tpu.dma_semaphore, #tpu.memory_space<semaphore_mem>>) src(%dma_wait3A_171 : memref<128x128xf32, #tpu.memory_space<hbm>>) dst(%arg13 : memref<128x128xf32, #tpu.memory_space<vmem>>)
        %add3A_172 = arith.constant 2 : i32
        %add3A_173 = arith.addi %add3A_130, %add3A_172 : i32
        %mul3A_174 = arith.constant 128 : i32
        %mul3A_175 = arith.muli %add3A_173, %mul3A_174 : i32
        %dma_start3A_176 = tpu.memref_slice %arg8[%mul3A_175] : memref<5120xi32, #tpu.memory_space<vmem>> -> memref<128xi32, #tpu.memory_space<vmem>>
        %dma_start3A_177 = arith.constant 0 : i32
        %dma_start3A_178 = arith.constant 0 : i32
        %dma_start3A_179 = tpu.memref_slice %arg2[%dma_start3A_177, %dma_start3A_178] : memref<10000x128xf32, #tpu.memory_space<hbm>> -> memref<10000x128xf32, #tpu.memory_space<hbm>>
        tpu.enqueue_indirect_dma source(%dma_start3A_179 : memref<10000x128xf32, #tpu.memory_space<hbm>>) target(%arg12 : memref<128x128xf32, #tpu.memory_space<vmem>>) offsets(%dma_start3A_176 : memref<128xi32, #tpu.memory_space<vmem>>) semaphore(%arg15 : memref<!tpu.dma_semaphore, #tpu.memory_space<semaphore_mem>>)
        %add3A_180 = arith.constant 2 : i32
        %add3A_181 = arith.addi %add3A_130, %add3A_180 : i32
        %mul3A_182 = arith.constant 128 : i32
        %mul3A_183 = arith.muli %add3A_181, %mul3A_182 : i32
        %dma_start3A_184 = tpu.memref_slice %arg9[%mul3A_183] : memref<5120xi32, #tpu.memory_space<vmem>> -> memref<128xi32, #tpu.memory_space<vmem>>
        %dma_start3A_185 = arith.constant 0 : i32
        %dma_start3A_186 = arith.constant 0 : i32
        %dma_start3A_187 = tpu.memref_slice %arg3[%dma_start3A_185, %dma_start3A_186] : memref<10000x128xf32, #tpu.memory_space<hbm>> -> memref<10000x128xf32, #tpu.memory_space<hbm>>
        tpu.enqueue_indirect_dma source(%dma_start3A_187 : memref<10000x128xf32, #tpu.memory_space<hbm>>) target(%arg13 : memref<128x128xf32, #tpu.memory_space<vmem>>) offsets(%dma_start3A_184 : memref<128xi32, #tpu.memory_space<vmem>>) semaphore(%arg15 : memref<!tpu.dma_semaphore, #tpu.memory_space<semaphore_mem>>)
      } else {
      }
    }
    %dma_wait3A = arith.constant 0 : i32
    %dma_wait3A_70 = arith.constant 0 : i32
    %dma_wait3A_71 = tpu.memref_slice %arg6[%dma_wait3A, %dma_wait3A_70] : memref<160000x128xf32, #tpu.memory_space<hbm>> -> memref<128x128xf32, #tpu.memory_space<hbm>>
    %dma_wait3A_72 = arith.constant 0 : i32
    %dma_wait3A_73 = arith.constant 0 : i32
    %dma_wait3A_74 = tpu.memref_slice %arg6[%dma_wait3A_72, %dma_wait3A_73] : memref<160000x128xf32, #tpu.memory_space<hbm>> -> memref<128x128xf32, #tpu.memory_space<hbm>>
    tpu.wait_dma2 semaphore(%arg16 : memref<!tpu.dma_semaphore, #tpu.memory_space<semaphore_mem>>) src(%dma_wait3A_74 : memref<128x128xf32, #tpu.memory_space<hbm>>) dst(%arg10 : memref<128x128xf32, #tpu.memory_space<vmem>>)
    %dma_wait3A_75 = arith.constant 0 : i32
    %dma_wait3A_76 = arith.constant 0 : i32
    %dma_wait3A_77 = tpu.memref_slice %arg6[%dma_wait3A_75, %dma_wait3A_76] : memref<160000x128xf32, #tpu.memory_space<hbm>> -> memref<128x128xf32, #tpu.memory_space<hbm>>
    %dma_wait3A_78 = arith.constant 0 : i32
    %dma_wait3A_79 = arith.constant 0 : i32
    %dma_wait3A_80 = tpu.memref_slice %arg6[%dma_wait3A_78, %dma_wait3A_79] : memref<160000x128xf32, #tpu.memory_space<hbm>> -> memref<128x128xf32, #tpu.memory_space<hbm>>
    tpu.wait_dma2 semaphore(%arg16 : memref<!tpu.dma_semaphore, #tpu.memory_space<semaphore_mem>>) src(%dma_wait3A_80 : memref<128x128xf32, #tpu.memory_space<hbm>>) dst(%arg11 : memref<128x128xf32, #tpu.memory_space<vmem>>)
    %dma_wait3A_81 = arith.constant 0 : i32
    %dma_wait3A_82 = arith.constant 0 : i32
    %dma_wait3A_83 = tpu.memref_slice %arg6[%dma_wait3A_81, %dma_wait3A_82] : memref<160000x128xf32, #tpu.memory_space<hbm>> -> memref<128x128xf32, #tpu.memory_space<hbm>>
    %dma_wait3A_84 = arith.constant 0 : i32
    %dma_wait3A_85 = arith.constant 0 : i32
    %dma_wait3A_86 = tpu.memref_slice %arg6[%dma_wait3A_84, %dma_wait3A_85] : memref<160000x128xf32, #tpu.memory_space<hbm>> -> memref<128x128xf32, #tpu.memory_space<hbm>>
    tpu.wait_dma2 semaphore(%arg17 : memref<!tpu.dma_semaphore, #tpu.memory_space<semaphore_mem>>) src(%dma_wait3A_86 : memref<128x128xf32, #tpu.memory_space<hbm>>) dst(%arg12 : memref<128x128xf32, #tpu.memory_space<vmem>>)
    %dma_wait3A_87 = arith.constant 0 : i32
    %dma_wait3A_88 = arith.constant 0 : i32
    %dma_wait3A_89 = tpu.memref_slice %arg6[%dma_wait3A_87, %dma_wait3A_88] : memref<160000x128xf32, #tpu.memory_space<hbm>> -> memref<128x128xf32, #tpu.memory_space<hbm>>
    %dma_wait3A_90 = arith.constant 0 : i32
    %dma_wait3A_91 = arith.constant 0 : i32
    %dma_wait3A_92 = tpu.memref_slice %arg6[%dma_wait3A_90, %dma_wait3A_91] : memref<160000x128xf32, #tpu.memory_space<hbm>> -> memref<128x128xf32, #tpu.memory_space<hbm>>
    tpu.wait_dma2 semaphore(%arg17 : memref<!tpu.dma_semaphore, #tpu.memory_space<semaphore_mem>>) src(%dma_wait3A_92 : memref<128x128xf32, #tpu.memory_space<hbm>>) dst(%arg13 : memref<128x128xf32, #tpu.memory_space<vmem>>)
    return
  }
}

#map = affine_map<(d0, d1) -> (0, 0)>
#map1 = affine_map<(d0, d1) -> (0)>
#map2 = affine_map<(d0, d1) -> (0, 0, 0)>
module attributes {stable_mosaic.version = 14 : i64} {
  func.func @scatter(%arg0: i32, %arg1: i32, %arg2: memref<160000x128xf32, #tpu.memory_space<hbm>>, %arg3: memref<320000xi32, #tpu.memory_space<hbm>>, %arg4: memref<632x128xf32, #tpu.memory_space<hbm>>, %arg5: memref<2x10112x128xf32, #tpu.memory_space<hbm>>, %arg6: memref<128xi32, #tpu.memory_space<vmem>>, %arg7: memref<128xi32, #tpu.memory_space<vmem>>, %arg8: memref<128x128xf32, #tpu.memory_space<vmem>>, %arg9: memref<128x128xf32, #tpu.memory_space<vmem>>, %arg10: memref<10112x128xf32, #tpu.memory_space<vmem_shared>>, %arg11: memref<!tpu.dma_semaphore, #tpu.memory_space<semaphore_mem>>, %arg12: memref<!tpu.dma_semaphore, #tpu.memory_space<semaphore_mem>>) attributes {dimension_semantics = [#tpu.dimension_semantics<core_parallel>, #tpu.dimension_semantics<subcore_parallel>], iteration_bounds = array<i64: 2, 16>, scalar_prefetch = 0 : i64, scratch_operands = 7 : i64, tpu.core_type = #tpu.core_type<sc_vector_subcore>, window_params = [{transform_indices = #map}, {transform_indices = #map1}, {transform_indices = #map}, {transform_indices = #map2}]} {
    %mul3A = arith.constant 2 : i32
    %mul3A_0 = arith.muli %arg1, %mul3A : i32
    %add3A = arith.addi %mul3A_0, %arg0 : i32
    %lt3A = arith.constant 17 : i32
    %lt3A_1 = arith.cmpi slt, %add3A, %lt3A : i32
    %mul3A_2 = arith.constant 40 : i32
    %mul3A_3 = arith.muli %add3A, %mul3A_2 : i32
    %sub3A = arith.constant 17 : i32
    %sub3A_4 = arith.subi %add3A, %sub3A : i32
    %mul3A_5 = arith.constant 38 : i32
    %mul3A_6 = arith.muli %sub3A_4, %mul3A_5 : i32
    %add3A_7 = arith.constant 680 : i32
    %add3A_8 = arith.addi %add3A_7, %mul3A_6 : i32
    %select_n3A = arith.select %lt3A_1, %mul3A_3, %add3A_8 : i32
    %lt3A_9 = arith.constant 17 : i32
    %lt3A_10 = arith.cmpi slt, %add3A, %lt3A_9 : i32
    %jit3A = arith.constant 40 : i32
    %jit3A_11 = arith.constant 38 : i32
    %select_n3A_12 = arith.select %lt3A_10, %jit3A, %jit3A_11 : i32
    %mul3A_13 = arith.constant 632 : i32
    %mul3A_14 = arith.muli %arg1, %mul3A_13 : i32
    "tpu.region"() ({
      %run_scoped3A = tpu.sem_alloc : memref<!tpu.dma_semaphore, #tpu.memory_space<semaphore_mem>>
      %dma_start3A_71 = arith.constant 0 : i32
      %dma_start3A_72 = tpu.memref_slice %arg10[%mul3A_14, %dma_start3A_71] : memref<10112x128xf32, #tpu.memory_space<vmem_shared>> -> memref<632x128xf32, #tpu.memory_space<vmem_shared>>
      tpu.enqueue_dma source(%arg4 : memref<632x128xf32, #tpu.memory_space<hbm>>) target(%dma_start3A_72 : memref<632x128xf32, #tpu.memory_space<vmem_shared>>) target_semaphore(%run_scoped3A : memref<!tpu.dma_semaphore, #tpu.memory_space<semaphore_mem>>)
      %dma_wait3A = arith.constant 0 : i32
      %dma_wait3A_73 = tpu.memref_slice %arg10[%mul3A_14, %dma_wait3A] : memref<10112x128xf32, #tpu.memory_space<vmem_shared>> -> memref<632x128xf32, #tpu.memory_space<vmem_shared>>
      tpu.wait_dma2 semaphore(%run_scoped3A : memref<!tpu.dma_semaphore, #tpu.memory_space<semaphore_mem>>) src(%arg4 : memref<632x128xf32, #tpu.memory_space<hbm>>) dst(%dma_wait3A_73 : memref<632x128xf32, #tpu.memory_space<vmem_shared>>)
      tpu.yield
    }) : () -> ()
    %barrier3A = arith.constant 0 : index
    tpu.barrier barrier_id(%barrier3A)
    %add3A_15 = arith.constant 0 : i32
    %add3A_16 = arith.addi %select_n3A, %add3A_15 : i32
    %mul3A_17 = arith.constant 128 : i32
    %mul3A_18 = arith.muli %add3A_16, %mul3A_17 : i32
    %add3A_19 = arith.constant 0 : i32
    %add3A_20 = arith.addi %add3A_19, %mul3A_18 : i32
    %dma_start3A = tpu.memref_slice %arg3[%add3A_20] : memref<320000xi32, #tpu.memory_space<hbm>> -> memref<128xi32, #tpu.memory_space<hbm>>
    %dma_start3A_21 = tpu.memref_slice %arg3[%add3A_20] : memref<320000xi32, #tpu.memory_space<hbm>> -> memref<128xi32, #tpu.memory_space<hbm>>
    tpu.enqueue_dma source(%dma_start3A_21 : memref<128xi32, #tpu.memory_space<hbm>>) target(%arg6 : memref<128xi32, #tpu.memory_space<vmem>>) target_semaphore(%arg11 : memref<!tpu.dma_semaphore, #tpu.memory_space<semaphore_mem>>)
    %dma_start3A_22 = arith.constant 0 : i32
    %dma_start3A_23 = tpu.memref_slice %arg2[%mul3A_18, %dma_start3A_22] : memref<160000x128xf32, #tpu.memory_space<hbm>> -> memref<128x128xf32, #tpu.memory_space<hbm>>
    %dma_start3A_24 = arith.constant 0 : i32
    %dma_start3A_25 = tpu.memref_slice %arg2[%mul3A_18, %dma_start3A_24] : memref<160000x128xf32, #tpu.memory_space<hbm>> -> memref<128x128xf32, #tpu.memory_space<hbm>>
    tpu.enqueue_dma source(%dma_start3A_25 : memref<128x128xf32, #tpu.memory_space<hbm>>) target(%arg8 : memref<128x128xf32, #tpu.memory_space<vmem>>) target_semaphore(%arg11 : memref<!tpu.dma_semaphore, #tpu.memory_space<semaphore_mem>>)
    %add3A_26 = arith.constant 1 : i32
    %add3A_27 = arith.addi %select_n3A, %add3A_26 : i32
    %mul3A_28 = arith.constant 128 : i32
    %mul3A_29 = arith.muli %add3A_27, %mul3A_28 : i32
    %add3A_30 = arith.constant 0 : i32
    %add3A_31 = arith.addi %add3A_30, %mul3A_29 : i32
    %dma_start3A_32 = tpu.memref_slice %arg3[%add3A_31] : memref<320000xi32, #tpu.memory_space<hbm>> -> memref<128xi32, #tpu.memory_space<hbm>>
    %dma_start3A_33 = tpu.memref_slice %arg3[%add3A_31] : memref<320000xi32, #tpu.memory_space<hbm>> -> memref<128xi32, #tpu.memory_space<hbm>>
    tpu.enqueue_dma source(%dma_start3A_33 : memref<128xi32, #tpu.memory_space<hbm>>) target(%arg7 : memref<128xi32, #tpu.memory_space<vmem>>) target_semaphore(%arg12 : memref<!tpu.dma_semaphore, #tpu.memory_space<semaphore_mem>>)
    %dma_start3A_34 = arith.constant 0 : i32
    %dma_start3A_35 = tpu.memref_slice %arg2[%mul3A_29, %dma_start3A_34] : memref<160000x128xf32, #tpu.memory_space<hbm>> -> memref<128x128xf32, #tpu.memory_space<hbm>>
    %dma_start3A_36 = arith.constant 0 : i32
    %dma_start3A_37 = tpu.memref_slice %arg2[%mul3A_29, %dma_start3A_36] : memref<160000x128xf32, #tpu.memory_space<hbm>> -> memref<128x128xf32, #tpu.memory_space<hbm>>
    tpu.enqueue_dma source(%dma_start3A_37 : memref<128x128xf32, #tpu.memory_space<hbm>>) target(%arg9 : memref<128x128xf32, #tpu.memory_space<vmem>>) target_semaphore(%arg12 : memref<!tpu.dma_semaphore, #tpu.memory_space<semaphore_mem>>)
    %jit3A_38 = arith.constant 2 : i32
    %div3A = arith.divsi %select_n3A_12, %jit3A_38 : i32
    %sign3A = arith.constant 0 : i32
    %sign3A_39 = arith.cmpi sgt, %select_n3A_12, %sign3A : i32
    %sign3A_40 = arith.extui %sign3A_39 : i1 to i32
    %sign3A_41 = arith.constant 0 : i32
    %sign3A_42 = arith.cmpi slt, %select_n3A_12, %sign3A_41 : i32
    %sign3A_43 = arith.extui %sign3A_42 : i1 to i32
    %sign3A_44 = arith.subi %sign3A_40, %sign3A_43 : i32
    %sign3A_45 = arith.constant 0 : i32
    %sign3A_46 = arith.cmpi sgt, %jit3A_38, %sign3A_45 : i32
    %sign3A_47 = arith.extui %sign3A_46 : i1 to i32
    %sign3A_48 = arith.constant 0 : i32
    %sign3A_49 = arith.cmpi slt, %jit3A_38, %sign3A_48 : i32
    %sign3A_50 = arith.extui %sign3A_49 : i1 to i32
    %sign3A_51 = arith.subi %sign3A_47, %sign3A_50 : i32
    %ne3A = arith.cmpi ne, %sign3A_44, %sign3A_51 : i32
    %rem3A = arith.remsi %select_n3A_12, %jit3A_38 : i32
    %ne3A_52 = arith.constant 0 : i32
    %ne3A_53 = arith.cmpi ne, %rem3A, %ne3A_52 : i32
    %and3A = arith.andi %ne3A, %ne3A_53 : i1
    %sub3A_54 = arith.constant 1 : i32
    %sub3A_55 = arith.subi %div3A, %sub3A_54 : i32
    %select_n3A_56 = arith.select %and3A, %sub3A_55, %div3A : i32
    %while3A = arith.constant 0 : i32
    %while3A_57 = arith.constant 0 : i32
    %while3A_58 = arith.subi %select_n3A_56, %while3A_57 : i32
    %while3A_59 = arith.addi %while3A_57, %while3A_58 : i32
    %while3A_60 = arith.constant 1 : i32
    %while3A_61 = arith.divsi %while3A_58, %while3A_60 : i32
    %while3A_62 = arith.muli %while3A_61, %while3A_60 : i32
    %while3A_63 = arith.addi %while3A_57, %while3A_62 : i32
    %while3A_64 = arith.constant 1 : i32
    scf.for %while3A_71 = %while3A_57 to %while3A_63 step %while3A_64  : i32 {
      %mul3A_72 = arith.constant 2 : i32
      %mul3A_73 = arith.muli %mul3A_72, %while3A_71 : i32
      %add3A_74 = arith.constant 0 : i32
      %add3A_75 = arith.addi %mul3A_73, %add3A_74 : i32
      %dma_wait3A = arith.constant 0 : i32
      %dma_wait3A_76 = tpu.memref_slice %arg3[%dma_wait3A] : memref<320000xi32, #tpu.memory_space<hbm>> -> memref<128xi32, #tpu.memory_space<hbm>>
      %dma_wait3A_77 = arith.constant 0 : i32
      %dma_wait3A_78 = tpu.memref_slice %arg3[%dma_wait3A_77] : memref<320000xi32, #tpu.memory_space<hbm>> -> memref<128xi32, #tpu.memory_space<hbm>>
      tpu.wait_dma2 semaphore(%arg11 : memref<!tpu.dma_semaphore, #tpu.memory_space<semaphore_mem>>) src(%dma_wait3A_78 : memref<128xi32, #tpu.memory_space<hbm>>) dst(%arg6 : memref<128xi32, #tpu.memory_space<vmem>>)
      %dma_wait3A_79 = arith.constant 0 : i32
      %dma_wait3A_80 = arith.constant 0 : i32
      %dma_wait3A_81 = tpu.memref_slice %arg2[%dma_wait3A_79, %dma_wait3A_80] : memref<160000x128xf32, #tpu.memory_space<hbm>> -> memref<128x128xf32, #tpu.memory_space<hbm>>
      %dma_wait3A_82 = arith.constant 0 : i32
      %dma_wait3A_83 = arith.constant 0 : i32
      %dma_wait3A_84 = tpu.memref_slice %arg2[%dma_wait3A_82, %dma_wait3A_83] : memref<160000x128xf32, #tpu.memory_space<hbm>> -> memref<128x128xf32, #tpu.memory_space<hbm>>
      tpu.wait_dma2 semaphore(%arg11 : memref<!tpu.dma_semaphore, #tpu.memory_space<semaphore_mem>>) src(%dma_wait3A_84 : memref<128x128xf32, #tpu.memory_space<hbm>>) dst(%arg8 : memref<128x128xf32, #tpu.memory_space<vmem>>)
      "tpu.region"() ({
        %run_scoped3A = tpu.sem_alloc : memref<!tpu.dma_semaphore, #tpu.memory_space<semaphore_mem>>
        %dma_start3A_109 = arith.constant 0 : i32
        %dma_start3A_110 = arith.constant 0 : i32
        %dma_start3A_111 = tpu.memref_slice %arg10[%dma_start3A_109, %dma_start3A_110] : memref<10112x128xf32, #tpu.memory_space<vmem_shared>> -> memref<10112x128xf32, #tpu.memory_space<vmem_shared>>
        tpu.enqueue_indirect_dma source(%arg8 : memref<128x128xf32, #tpu.memory_space<vmem>>) target(%dma_start3A_111 : memref<10112x128xf32, #tpu.memory_space<vmem_shared>>) offsets(%arg6 : memref<128xi32, #tpu.memory_space<vmem>>) semaphore(%run_scoped3A : memref<!tpu.dma_semaphore, #tpu.memory_space<semaphore_mem>>) {add = true}
        %dma_wait3A_112 = arith.constant 0 : i32
        %dma_wait3A_113 = arith.constant 0 : i32
        %dma_wait3A_114 = tpu.memref_slice %arg10[%dma_wait3A_112, %dma_wait3A_113] : memref<10112x128xf32, #tpu.memory_space<vmem_shared>> -> memref<10112x128xf32, #tpu.memory_space<vmem_shared>>
        tpu.wait_indirect_dma semaphore(%run_scoped3A : memref<!tpu.dma_semaphore, #tpu.memory_space<semaphore_mem>>) src(%arg8 : memref<128x128xf32, #tpu.memory_space<vmem>>) dst(%dma_wait3A_114 : memref<10112x128xf32, #tpu.memory_space<vmem_shared>>)
        tpu.yield
      }) : () -> ()
      %add3A_85 = arith.constant 2 : i32
      %add3A_86 = arith.addi %add3A_75, %add3A_85 : i32
      %lt3A_87 = arith.cmpi slt, %add3A_86, %select_n3A_12 : i32
      %convert_element_type3A = arith.extui %lt3A_87 : i1 to i32
      %cond3A = arith.constant 0 : i32
      %cond3A_88 = arith.cmpi ne, %convert_element_type3A, %cond3A : i32
      scf.if %cond3A_88 {
        %add3A_109 = arith.addi %select_n3A, %add3A_75 : i32
        %add3A_110 = arith.constant 2 : i32
        %add3A_111 = arith.addi %add3A_109, %add3A_110 : i32
        %mul3A_112 = arith.constant 128 : i32
        %mul3A_113 = arith.muli %add3A_111, %mul3A_112 : i32
        %add3A_114 = arith.constant 0 : i32
        %add3A_115 = arith.addi %add3A_114, %mul3A_113 : i32
        %dma_start3A_116 = tpu.memref_slice %arg3[%add3A_115] : memref<320000xi32, #tpu.memory_space<hbm>> -> memref<128xi32, #tpu.memory_space<hbm>>
        %dma_start3A_117 = tpu.memref_slice %arg3[%add3A_115] : memref<320000xi32, #tpu.memory_space<hbm>> -> memref<128xi32, #tpu.memory_space<hbm>>
        tpu.enqueue_dma source(%dma_start3A_117 : memref<128xi32, #tpu.memory_space<hbm>>) target(%arg6 : memref<128xi32, #tpu.memory_space<vmem>>) target_semaphore(%arg11 : memref<!tpu.dma_semaphore, #tpu.memory_space<semaphore_mem>>)
        %dma_start3A_118 = arith.constant 0 : i32
        %dma_start3A_119 = tpu.memref_slice %arg2[%mul3A_113, %dma_start3A_118] : memref<160000x128xf32, #tpu.memory_space<hbm>> -> memref<128x128xf32, #tpu.memory_space<hbm>>
        %dma_start3A_120 = arith.constant 0 : i32
        %dma_start3A_121 = tpu.memref_slice %arg2[%mul3A_113, %dma_start3A_120] : memref<160000x128xf32, #tpu.memory_space<hbm>> -> memref<128x128xf32, #tpu.memory_space<hbm>>
        tpu.enqueue_dma source(%dma_start3A_121 : memref<128x128xf32, #tpu.memory_space<hbm>>) target(%arg8 : memref<128x128xf32, #tpu.memory_space<vmem>>) target_semaphore(%arg11 : memref<!tpu.dma_semaphore, #tpu.memory_space<semaphore_mem>>)
      } else {
      }
      %mul3A_89 = arith.constant 2 : i32
      %mul3A_90 = arith.muli %mul3A_89, %while3A_71 : i32
      %add3A_91 = arith.constant 1 : i32
      %add3A_92 = arith.addi %mul3A_90, %add3A_91 : i32
      %dma_wait3A_93 = arith.constant 0 : i32
      %dma_wait3A_94 = tpu.memref_slice %arg3[%dma_wait3A_93] : memref<320000xi32, #tpu.memory_space<hbm>> -> memref<128xi32, #tpu.memory_space<hbm>>
      %dma_wait3A_95 = arith.constant 0 : i32
      %dma_wait3A_96 = tpu.memref_slice %arg3[%dma_wait3A_95] : memref<320000xi32, #tpu.memory_space<hbm>> -> memref<128xi32, #tpu.memory_space<hbm>>
      tpu.wait_dma2 semaphore(%arg12 : memref<!tpu.dma_semaphore, #tpu.memory_space<semaphore_mem>>) src(%dma_wait3A_96 : memref<128xi32, #tpu.memory_space<hbm>>) dst(%arg7 : memref<128xi32, #tpu.memory_space<vmem>>)
      %dma_wait3A_97 = arith.constant 0 : i32
      %dma_wait3A_98 = arith.constant 0 : i32
      %dma_wait3A_99 = tpu.memref_slice %arg2[%dma_wait3A_97, %dma_wait3A_98] : memref<160000x128xf32, #tpu.memory_space<hbm>> -> memref<128x128xf32, #tpu.memory_space<hbm>>
      %dma_wait3A_100 = arith.constant 0 : i32
      %dma_wait3A_101 = arith.constant 0 : i32
      %dma_wait3A_102 = tpu.memref_slice %arg2[%dma_wait3A_100, %dma_wait3A_101] : memref<160000x128xf32, #tpu.memory_space<hbm>> -> memref<128x128xf32, #tpu.memory_space<hbm>>
      tpu.wait_dma2 semaphore(%arg12 : memref<!tpu.dma_semaphore, #tpu.memory_space<semaphore_mem>>) src(%dma_wait3A_102 : memref<128x128xf32, #tpu.memory_space<hbm>>) dst(%arg9 : memref<128x128xf32, #tpu.memory_space<vmem>>)
      "tpu.region"() ({
        %run_scoped3A = tpu.sem_alloc : memref<!tpu.dma_semaphore, #tpu.memory_space<semaphore_mem>>
        %dma_start3A_109 = arith.constant 0 : i32
        %dma_start3A_110 = arith.constant 0 : i32
        %dma_start3A_111 = tpu.memref_slice %arg10[%dma_start3A_109, %dma_start3A_110] : memref<10112x128xf32, #tpu.memory_space<vmem_shared>> -> memref<10112x128xf32, #tpu.memory_space<vmem_shared>>
        tpu.enqueue_indirect_dma source(%arg9 : memref<128x128xf32, #tpu.memory_space<vmem>>) target(%dma_start3A_111 : memref<10112x128xf32, #tpu.memory_space<vmem_shared>>) offsets(%arg7 : memref<128xi32, #tpu.memory_space<vmem>>) semaphore(%run_scoped3A : memref<!tpu.dma_semaphore, #tpu.memory_space<semaphore_mem>>) {add = true}
        %dma_wait3A_112 = arith.constant 0 : i32
        %dma_wait3A_113 = arith.constant 0 : i32
        %dma_wait3A_114 = tpu.memref_slice %arg10[%dma_wait3A_112, %dma_wait3A_113] : memref<10112x128xf32, #tpu.memory_space<vmem_shared>> -> memref<10112x128xf32, #tpu.memory_space<vmem_shared>>
        tpu.wait_indirect_dma semaphore(%run_scoped3A : memref<!tpu.dma_semaphore, #tpu.memory_space<semaphore_mem>>) src(%arg9 : memref<128x128xf32, #tpu.memory_space<vmem>>) dst(%dma_wait3A_114 : memref<10112x128xf32, #tpu.memory_space<vmem_shared>>)
        tpu.yield
      }) : () -> ()
      %add3A_103 = arith.constant 2 : i32
      %add3A_104 = arith.addi %add3A_92, %add3A_103 : i32
      %lt3A_105 = arith.cmpi slt, %add3A_104, %select_n3A_12 : i32
      %convert_element_type3A_106 = arith.extui %lt3A_105 : i1 to i32
      %cond3A_107 = arith.constant 0 : i32
      %cond3A_108 = arith.cmpi ne, %convert_element_type3A_106, %cond3A_107 : i32
      scf.if %cond3A_108 {
        %add3A_109 = arith.addi %select_n3A, %add3A_92 : i32
        %add3A_110 = arith.constant 2 : i32
        %add3A_111 = arith.addi %add3A_109, %add3A_110 : i32
        %mul3A_112 = arith.constant 128 : i32
        %mul3A_113 = arith.muli %add3A_111, %mul3A_112 : i32
        %add3A_114 = arith.constant 0 : i32
        %add3A_115 = arith.addi %add3A_114, %mul3A_113 : i32
        %dma_start3A_116 = tpu.memref_slice %arg3[%add3A_115] : memref<320000xi32, #tpu.memory_space<hbm>> -> memref<128xi32, #tpu.memory_space<hbm>>
        %dma_start3A_117 = tpu.memref_slice %arg3[%add3A_115] : memref<320000xi32, #tpu.memory_space<hbm>> -> memref<128xi32, #tpu.memory_space<hbm>>
        tpu.enqueue_dma source(%dma_start3A_117 : memref<128xi32, #tpu.memory_space<hbm>>) target(%arg7 : memref<128xi32, #tpu.memory_space<vmem>>) target_semaphore(%arg12 : memref<!tpu.dma_semaphore, #tpu.memory_space<semaphore_mem>>)
        %dma_start3A_118 = arith.constant 0 : i32
        %dma_start3A_119 = tpu.memref_slice %arg2[%mul3A_113, %dma_start3A_118] : memref<160000x128xf32, #tpu.memory_space<hbm>> -> memref<128x128xf32, #tpu.memory_space<hbm>>
        %dma_start3A_120 = arith.constant 0 : i32
        %dma_start3A_121 = tpu.memref_slice %arg2[%mul3A_113, %dma_start3A_120] : memref<160000x128xf32, #tpu.memory_space<hbm>> -> memref<128x128xf32, #tpu.memory_space<hbm>>
        tpu.enqueue_dma source(%dma_start3A_121 : memref<128x128xf32, #tpu.memory_space<hbm>>) target(%arg9 : memref<128x128xf32, #tpu.memory_space<vmem>>) target_semaphore(%arg12 : memref<!tpu.dma_semaphore, #tpu.memory_space<semaphore_mem>>)
      } else {
      }
    }
    %while3A_65 = arith.constant 1 : i32
    scf.for %while3A_71 = %while3A_63 to %while3A_59 step %while3A_65  : i32 {
      %mul3A_72 = arith.constant 2 : i32
      %mul3A_73 = arith.muli %mul3A_72, %while3A_71 : i32
      %add3A_74 = arith.constant 0 : i32
      %add3A_75 = arith.addi %mul3A_73, %add3A_74 : i32
      %dma_wait3A = arith.constant 0 : i32
      %dma_wait3A_76 = tpu.memref_slice %arg3[%dma_wait3A] : memref<320000xi32, #tpu.memory_space<hbm>> -> memref<128xi32, #tpu.memory_space<hbm>>
      %dma_wait3A_77 = arith.constant 0 : i32
      %dma_wait3A_78 = tpu.memref_slice %arg3[%dma_wait3A_77] : memref<320000xi32, #tpu.memory_space<hbm>> -> memref<128xi32, #tpu.memory_space<hbm>>
      tpu.wait_dma2 semaphore(%arg11 : memref<!tpu.dma_semaphore, #tpu.memory_space<semaphore_mem>>) src(%dma_wait3A_78 : memref<128xi32, #tpu.memory_space<hbm>>) dst(%arg6 : memref<128xi32, #tpu.memory_space<vmem>>)
      %dma_wait3A_79 = arith.constant 0 : i32
      %dma_wait3A_80 = arith.constant 0 : i32
      %dma_wait3A_81 = tpu.memref_slice %arg2[%dma_wait3A_79, %dma_wait3A_80] : memref<160000x128xf32, #tpu.memory_space<hbm>> -> memref<128x128xf32, #tpu.memory_space<hbm>>
      %dma_wait3A_82 = arith.constant 0 : i32
      %dma_wait3A_83 = arith.constant 0 : i32
      %dma_wait3A_84 = tpu.memref_slice %arg2[%dma_wait3A_82, %dma_wait3A_83] : memref<160000x128xf32, #tpu.memory_space<hbm>> -> memref<128x128xf32, #tpu.memory_space<hbm>>
      tpu.wait_dma2 semaphore(%arg11 : memref<!tpu.dma_semaphore, #tpu.memory_space<semaphore_mem>>) src(%dma_wait3A_84 : memref<128x128xf32, #tpu.memory_space<hbm>>) dst(%arg8 : memref<128x128xf32, #tpu.memory_space<vmem>>)
      "tpu.region"() ({
        %run_scoped3A = tpu.sem_alloc : memref<!tpu.dma_semaphore, #tpu.memory_space<semaphore_mem>>
        %dma_start3A_109 = arith.constant 0 : i32
        %dma_start3A_110 = arith.constant 0 : i32
        %dma_start3A_111 = tpu.memref_slice %arg10[%dma_start3A_109, %dma_start3A_110] : memref<10112x128xf32, #tpu.memory_space<vmem_shared>> -> memref<10112x128xf32, #tpu.memory_space<vmem_shared>>
        tpu.enqueue_indirect_dma source(%arg8 : memref<128x128xf32, #tpu.memory_space<vmem>>) target(%dma_start3A_111 : memref<10112x128xf32, #tpu.memory_space<vmem_shared>>) offsets(%arg6 : memref<128xi32, #tpu.memory_space<vmem>>) semaphore(%run_scoped3A : memref<!tpu.dma_semaphore, #tpu.memory_space<semaphore_mem>>) {add = true}
        %dma_wait3A_112 = arith.constant 0 : i32
        %dma_wait3A_113 = arith.constant 0 : i32
        %dma_wait3A_114 = tpu.memref_slice %arg10[%dma_wait3A_112, %dma_wait3A_113] : memref<10112x128xf32, #tpu.memory_space<vmem_shared>> -> memref<10112x128xf32, #tpu.memory_space<vmem_shared>>
        tpu.wait_indirect_dma semaphore(%run_scoped3A : memref<!tpu.dma_semaphore, #tpu.memory_space<semaphore_mem>>) src(%arg8 : memref<128x128xf32, #tpu.memory_space<vmem>>) dst(%dma_wait3A_114 : memref<10112x128xf32, #tpu.memory_space<vmem_shared>>)
        tpu.yield
      }) : () -> ()
      %add3A_85 = arith.constant 2 : i32
      %add3A_86 = arith.addi %add3A_75, %add3A_85 : i32
      %lt3A_87 = arith.cmpi slt, %add3A_86, %select_n3A_12 : i32
      %convert_element_type3A = arith.extui %lt3A_87 : i1 to i32
      %cond3A = arith.constant 0 : i32
      %cond3A_88 = arith.cmpi ne, %convert_element_type3A, %cond3A : i32
      scf.if %cond3A_88 {
        %add3A_109 = arith.addi %select_n3A, %add3A_75 : i32
        %add3A_110 = arith.constant 2 : i32
        %add3A_111 = arith.addi %add3A_109, %add3A_110 : i32
        %mul3A_112 = arith.constant 128 : i32
        %mul3A_113 = arith.muli %add3A_111, %mul3A_112 : i32
        %add3A_114 = arith.constant 0 : i32
        %add3A_115 = arith.addi %add3A_114, %mul3A_113 : i32
        %dma_start3A_116 = tpu.memref_slice %arg3[%add3A_115] : memref<320000xi32, #tpu.memory_space<hbm>> -> memref<128xi32, #tpu.memory_space<hbm>>
        %dma_start3A_117 = tpu.memref_slice %arg3[%add3A_115] : memref<320000xi32, #tpu.memory_space<hbm>> -> memref<128xi32, #tpu.memory_space<hbm>>
        tpu.enqueue_dma source(%dma_start3A_117 : memref<128xi32, #tpu.memory_space<hbm>>) target(%arg6 : memref<128xi32, #tpu.memory_space<vmem>>) target_semaphore(%arg11 : memref<!tpu.dma_semaphore, #tpu.memory_space<semaphore_mem>>)
        %dma_start3A_118 = arith.constant 0 : i32
        %dma_start3A_119 = tpu.memref_slice %arg2[%mul3A_113, %dma_start3A_118] : memref<160000x128xf32, #tpu.memory_space<hbm>> -> memref<128x128xf32, #tpu.memory_space<hbm>>
        %dma_start3A_120 = arith.constant 0 : i32
        %dma_start3A_121 = tpu.memref_slice %arg2[%mul3A_113, %dma_start3A_120] : memref<160000x128xf32, #tpu.memory_space<hbm>> -> memref<128x128xf32, #tpu.memory_space<hbm>>
        tpu.enqueue_dma source(%dma_start3A_121 : memref<128x128xf32, #tpu.memory_space<hbm>>) target(%arg8 : memref<128x128xf32, #tpu.memory_space<vmem>>) target_semaphore(%arg11 : memref<!tpu.dma_semaphore, #tpu.memory_space<semaphore_mem>>)
      } else {
      }
      %mul3A_89 = arith.constant 2 : i32
      %mul3A_90 = arith.muli %mul3A_89, %while3A_71 : i32
      %add3A_91 = arith.constant 1 : i32
      %add3A_92 = arith.addi %mul3A_90, %add3A_91 : i32
      %dma_wait3A_93 = arith.constant 0 : i32
      %dma_wait3A_94 = tpu.memref_slice %arg3[%dma_wait3A_93] : memref<320000xi32, #tpu.memory_space<hbm>> -> memref<128xi32, #tpu.memory_space<hbm>>
      %dma_wait3A_95 = arith.constant 0 : i32
      %dma_wait3A_96 = tpu.memref_slice %arg3[%dma_wait3A_95] : memref<320000xi32, #tpu.memory_space<hbm>> -> memref<128xi32, #tpu.memory_space<hbm>>
      tpu.wait_dma2 semaphore(%arg12 : memref<!tpu.dma_semaphore, #tpu.memory_space<semaphore_mem>>) src(%dma_wait3A_96 : memref<128xi32, #tpu.memory_space<hbm>>) dst(%arg7 : memref<128xi32, #tpu.memory_space<vmem>>)
      %dma_wait3A_97 = arith.constant 0 : i32
      %dma_wait3A_98 = arith.constant 0 : i32
      %dma_wait3A_99 = tpu.memref_slice %arg2[%dma_wait3A_97, %dma_wait3A_98] : memref<160000x128xf32, #tpu.memory_space<hbm>> -> memref<128x128xf32, #tpu.memory_space<hbm>>
      %dma_wait3A_100 = arith.constant 0 : i32
      %dma_wait3A_101 = arith.constant 0 : i32
      %dma_wait3A_102 = tpu.memref_slice %arg2[%dma_wait3A_100, %dma_wait3A_101] : memref<160000x128xf32, #tpu.memory_space<hbm>> -> memref<128x128xf32, #tpu.memory_space<hbm>>
      tpu.wait_dma2 semaphore(%arg12 : memref<!tpu.dma_semaphore, #tpu.memory_space<semaphore_mem>>) src(%dma_wait3A_102 : memref<128x128xf32, #tpu.memory_space<hbm>>) dst(%arg9 : memref<128x128xf32, #tpu.memory_space<vmem>>)
      "tpu.region"() ({
        %run_scoped3A = tpu.sem_alloc : memref<!tpu.dma_semaphore, #tpu.memory_space<semaphore_mem>>
        %dma_start3A_109 = arith.constant 0 : i32
        %dma_start3A_110 = arith.constant 0 : i32
        %dma_start3A_111 = tpu.memref_slice %arg10[%dma_start3A_109, %dma_start3A_110] : memref<10112x128xf32, #tpu.memory_space<vmem_shared>> -> memref<10112x128xf32, #tpu.memory_space<vmem_shared>>
        tpu.enqueue_indirect_dma source(%arg9 : memref<128x128xf32, #tpu.memory_space<vmem>>) target(%dma_start3A_111 : memref<10112x128xf32, #tpu.memory_space<vmem_shared>>) offsets(%arg7 : memref<128xi32, #tpu.memory_space<vmem>>) semaphore(%run_scoped3A : memref<!tpu.dma_semaphore, #tpu.memory_space<semaphore_mem>>) {add = true}
        %dma_wait3A_112 = arith.constant 0 : i32
        %dma_wait3A_113 = arith.constant 0 : i32
        %dma_wait3A_114 = tpu.memref_slice %arg10[%dma_wait3A_112, %dma_wait3A_113] : memref<10112x128xf32, #tpu.memory_space<vmem_shared>> -> memref<10112x128xf32, #tpu.memory_space<vmem_shared>>
        tpu.wait_indirect_dma semaphore(%run_scoped3A : memref<!tpu.dma_semaphore, #tpu.memory_space<semaphore_mem>>) src(%arg9 : memref<128x128xf32, #tpu.memory_space<vmem>>) dst(%dma_wait3A_114 : memref<10112x128xf32, #tpu.memory_space<vmem_shared>>)
        tpu.yield
      }) : () -> ()
      %add3A_103 = arith.constant 2 : i32
      %add3A_104 = arith.addi %add3A_92, %add3A_103 : i32
      %lt3A_105 = arith.cmpi slt, %add3A_104, %select_n3A_12 : i32
      %convert_element_type3A_106 = arith.extui %lt3A_105 : i1 to i32
      %cond3A_107 = arith.constant 0 : i32
      %cond3A_108 = arith.cmpi ne, %convert_element_type3A_106, %cond3A_107 : i32
      scf.if %cond3A_108 {
        %add3A_109 = arith.addi %select_n3A, %add3A_92 : i32
        %add3A_110 = arith.constant 2 : i32
        %add3A_111 = arith.addi %add3A_109, %add3A_110 : i32
        %mul3A_112 = arith.constant 128 : i32
        %mul3A_113 = arith.muli %add3A_111, %mul3A_112 : i32
        %add3A_114 = arith.constant 0 : i32
        %add3A_115 = arith.addi %add3A_114, %mul3A_113 : i32
        %dma_start3A_116 = tpu.memref_slice %arg3[%add3A_115] : memref<320000xi32, #tpu.memory_space<hbm>> -> memref<128xi32, #tpu.memory_space<hbm>>
        %dma_start3A_117 = tpu.memref_slice %arg3[%add3A_115] : memref<320000xi32, #tpu.memory_space<hbm>> -> memref<128xi32, #tpu.memory_space<hbm>>
        tpu.enqueue_dma source(%dma_start3A_117 : memref<128xi32, #tpu.memory_space<hbm>>) target(%arg7 : memref<128xi32, #tpu.memory_space<vmem>>) target_semaphore(%arg12 : memref<!tpu.dma_semaphore, #tpu.memory_space<semaphore_mem>>)
        %dma_start3A_118 = arith.constant 0 : i32
        %dma_start3A_119 = tpu.memref_slice %arg2[%mul3A_113, %dma_start3A_118] : memref<160000x128xf32, #tpu.memory_space<hbm>> -> memref<128x128xf32, #tpu.memory_space<hbm>>
        %dma_start3A_120 = arith.constant 0 : i32
        %dma_start3A_121 = tpu.memref_slice %arg2[%mul3A_113, %dma_start3A_120] : memref<160000x128xf32, #tpu.memory_space<hbm>> -> memref<128x128xf32, #tpu.memory_space<hbm>>
        tpu.enqueue_dma source(%dma_start3A_121 : memref<128x128xf32, #tpu.memory_space<hbm>>) target(%arg9 : memref<128x128xf32, #tpu.memory_space<vmem>>) target_semaphore(%arg12 : memref<!tpu.dma_semaphore, #tpu.memory_space<semaphore_mem>>)
      } else {
      }
    }
    %barrier3A_66 = arith.constant 0 : index
    tpu.barrier barrier_id(%barrier3A_66)
    %mul3A_67 = arith.constant 632 : i32
    %mul3A_68 = arith.muli %arg1, %mul3A_67 : i32
    %mul3A_69 = arith.constant 632 : i32
    %mul3A_70 = arith.muli %arg1, %mul3A_69 : i32
    "tpu.region"() ({
      %run_scoped3A = tpu.sem_alloc : memref<!tpu.dma_semaphore, #tpu.memory_space<semaphore_mem>>
      %dma_start3A_71 = arith.constant 0 : i32
      %dma_start3A_72 = tpu.memref_slice %arg5[%arg0, %mul3A_70, %dma_start3A_71] : memref<2x10112x128xf32, #tpu.memory_space<hbm>> -> memref<1x632x128xf32, #tpu.memory_space<hbm>>
      %dma_start3A_73 = tpu.memref_squeeze %dma_start3A_72 : memref<1x632x128xf32, #tpu.memory_space<hbm>> -> memref<632x128xf32, #tpu.memory_space<hbm>>
      %dma_start3A_74 = arith.constant 0 : i32
      %dma_start3A_75 = tpu.memref_slice %arg10[%mul3A_68, %dma_start3A_74] : memref<10112x128xf32, #tpu.memory_space<vmem_shared>> -> memref<632x128xf32, #tpu.memory_space<vmem_shared>>
      tpu.enqueue_dma source(%dma_start3A_75 : memref<632x128xf32, #tpu.memory_space<vmem_shared>>) target(%dma_start3A_73 : memref<632x128xf32, #tpu.memory_space<hbm>>) target_semaphore(%run_scoped3A : memref<!tpu.dma_semaphore, #tpu.memory_space<semaphore_mem>>)
      %dma_wait3A = arith.constant 0 : i32
      %dma_wait3A_76 = tpu.memref_slice %arg5[%arg0, %mul3A_70, %dma_wait3A] : memref<2x10112x128xf32, #tpu.memory_space<hbm>> -> memref<1x632x128xf32, #tpu.memory_space<hbm>>
      %dma_wait3A_77 = tpu.memref_squeeze %dma_wait3A_76 : memref<1x632x128xf32, #tpu.memory_space<hbm>> -> memref<632x128xf32, #tpu.memory_space<hbm>>
      %dma_wait3A_78 = arith.constant 0 : i32
      %dma_wait3A_79 = tpu.memref_slice %arg10[%mul3A_68, %dma_wait3A_78] : memref<10112x128xf32, #tpu.memory_space<vmem_shared>> -> memref<632x128xf32, #tpu.memory_space<vmem_shared>>
      tpu.wait_dma2 semaphore(%run_scoped3A : memref<!tpu.dma_semaphore, #tpu.memory_space<semaphore_mem>>) src(%dma_wait3A_79 : memref<632x128xf32, #tpu.memory_space<vmem_shared>>) dst(%dma_wait3A_77 : memref<632x128xf32, #tpu.memory_space<hbm>>)
      tpu.yield
    }) : () -> ()
    return
  }
}

module attributes {stable_mosaic.version = 14 : i64} {
  func.func @_edge_body(%arg0: i32, %arg1: memref<2000x128xf32, #tpu.memory_space<vmem>>, %arg2: memref<2000x128xf32, #tpu.memory_space<vmem>>, %arg3: memref<2000x16xf32, #tpu.memory_space<vmem>>, %arg4: memref<272x128xf32, #tpu.memory_space<vmem>>, %arg5: memref<1x128xf32, #tpu.memory_space<vmem>>, %arg6: memref<128x128xf32, #tpu.memory_space<vmem>>, %arg7: memref<1x128xf32, #tpu.memory_space<vmem>>, %arg8: memref<2000x128xf32, #tpu.memory_space<vmem>>) attributes {dimension_semantics = [#tpu.dimension_semantics<arbitrary>], iteration_bounds = array<i64: 80>, scalar_prefetch = 0 : i64, scratch_operands = 0 : i64, tpu.core_type = #tpu.core_type<tc>, window_params = [{transform_indices = @transform_0, window_bounds = array<i64: 2000, 128>}, {transform_indices = @transform_1, window_bounds = array<i64: 2000, 128>}, {transform_indices = @transform_2, window_bounds = array<i64: 2000, 16>}, {pipeline_mode = #tpu.pipeline_mode<synchronous>, transform_indices = @transform_3, window_bounds = array<i64: 272, 128>}, {pipeline_mode = #tpu.pipeline_mode<synchronous>, transform_indices = @transform_4, window_bounds = array<i64: 1, 128>}, {pipeline_mode = #tpu.pipeline_mode<synchronous>, transform_indices = @transform_5, window_bounds = array<i64: 128, 128>}, {pipeline_mode = #tpu.pipeline_mode<synchronous>, transform_indices = @transform_6, window_bounds = array<i64: 1, 128>}, {transform_indices = @transform_7, window_bounds = array<i64: 2000, 128>}]} {
    %get3A = arith.constant 256 : index
    %get3A_0 = arith.constant 0 : index
    %get3A_1 = vector.load %arg4[%get3A, %get3A_0] : memref<272x128xf32, #tpu.memory_space<vmem>>, vector<16x128xf32>
    %get3A_2 = arith.constant 0 : index
    %get3A_3 = arith.constant 0 : index
    %get3A_4 = vector.load %arg1[%get3A_2, %get3A_3] : memref<2000x128xf32, #tpu.memory_space<vmem>>, vector<2000x128xf32>
    %get3A_5 = arith.constant 0 : index
    %get3A_6 = arith.constant 0 : index
    %get3A_7 = vector.load %arg2[%get3A_5, %get3A_6] : memref<2000x128xf32, #tpu.memory_space<vmem>>, vector<2000x128xf32>
    %add3A = arith.addf %get3A_4, %get3A_7 : vector<2000x128xf32>
    %get3A_8 = arith.constant 0 : index
    %get3A_9 = arith.constant 0 : index
    %get3A_10 = vector.load %arg3[%get3A_8, %get3A_9] : memref<2000x16xf32, #tpu.memory_space<vmem>>, vector<2000x16xf32>
    %dot_general3A = arith.constant dense<0.000000e+00> : vector<2000x128xf32>
    %dot_general3A_11 = tpu.matmul %get3A_10, %get3A_1, %dot_general3A {dimension_numbers = #tpu.dot_dimension_numbers<[1], [0], [0], [1], [0, 0, 1, 1], [], []>, transpose_lhs_hint = false} : vector<2000x16xf32>, vector<16x128xf32>, vector<2000x128xf32> -> vector<2000x128xf32>
    %add3A_12 = arith.addf %add3A, %dot_general3A_11 : vector<2000x128xf32>
    %get3A_13 = arith.constant 0 : index
    %get3A_14 = arith.constant 0 : index
    %get3A_15 = vector.load %arg5[%get3A_13, %get3A_14] : memref<1x128xf32, #tpu.memory_space<vmem>>, vector<1x128xf32>
    %add3A_16 = vector.broadcast %get3A_15 : vector<1x128xf32> to vector<2000x128xf32>
    %add3A_17 = arith.addf %add3A_12, %add3A_16 : vector<2000x128xf32>
    %convert_element_type3A = arith.truncf %add3A_17 : vector<2000x128xf32> to vector<2000x128xbf16>
    %logistic3A = arith.negf %convert_element_type3A : vector<2000x128xbf16>
    %logistic3A_18 = math.exp %logistic3A : vector<2000x128xbf16>
    %logistic3A_19 = arith.constant 1.000000e+00 : bf16
    %logistic3A_20 = vector.broadcast %logistic3A_19 : bf16 to vector<2000x128xbf16>
    %logistic3A_21 = arith.addf %logistic3A_20, %logistic3A_18 : vector<2000x128xbf16>
    %logistic3A_22 = arith.divf %logistic3A_20, %logistic3A_21 : vector<2000x128xbf16>
    %mul3A = arith.mulf %convert_element_type3A, %logistic3A_22 : vector<2000x128xbf16>
    %get3A_23 = arith.constant 0 : index
    %get3A_24 = arith.constant 0 : index
    %get3A_25 = vector.load %arg6[%get3A_23, %get3A_24] : memref<128x128xf32, #tpu.memory_space<vmem>>, vector<128x128xf32>
    %convert_element_type3A_26 = arith.truncf %get3A_25 : vector<128x128xf32> to vector<128x128xbf16>
    %dot_general3A_27 = arith.constant dense<0.000000e+00> : vector<2000x128xf32>
    %dot_general3A_28 = tpu.matmul %mul3A, %convert_element_type3A_26, %dot_general3A_27 {dimension_numbers = #tpu.dot_dimension_numbers<[1], [0], [0], [1], [0, 0, 1, 1], [], []>, transpose_lhs_hint = false} : vector<2000x128xbf16>, vector<128x128xbf16>, vector<2000x128xf32> -> vector<2000x128xf32>
    %get3A_29 = arith.constant 0 : index
    %get3A_30 = arith.constant 0 : index
    %get3A_31 = vector.load %arg7[%get3A_29, %get3A_30] : memref<1x128xf32, #tpu.memory_space<vmem>>, vector<1x128xf32>
    %add3A_32 = vector.broadcast %get3A_31 : vector<1x128xf32> to vector<2000x128xf32>
    %add3A_33 = arith.addf %dot_general3A_28, %add3A_32 : vector<2000x128xf32>
    %logistic3A_34 = arith.negf %add3A_33 : vector<2000x128xf32>
    %logistic3A_35 = math.exp %logistic3A_34 : vector<2000x128xf32>
    %logistic3A_36 = arith.constant 1.000000e+00 : f32
    %logistic3A_37 = vector.broadcast %logistic3A_36 : f32 to vector<2000x128xf32>
    %logistic3A_38 = arith.addf %logistic3A_37, %logistic3A_35 : vector<2000x128xf32>
    %logistic3A_39 = arith.divf %logistic3A_37, %logistic3A_38 : vector<2000x128xf32>
    %mul3A_40 = arith.mulf %add3A_33, %logistic3A_39 : vector<2000x128xf32>
    %swap3A = arith.constant 0 : index
    %swap3A_41 = arith.constant 0 : index
    %swap3A_42 = vector.load %arg8[%swap3A, %swap3A_41] : memref<2000x128xf32, #tpu.memory_space<vmem>>, vector<2000x128xf32>
    tpu.vector_store %arg8[%swap3A, %swap3A_41], %mul3A_40 {strides = array<i32>} : memref<2000x128xf32, #tpu.memory_space<vmem>>, vector<2000x128xf32>,
    return
  }
  func.func @transform_0(%arg0: i32) -> (i32, i32) {
    %c0_i32 = arith.constant 0 : i32
    %c0_i32_0 = arith.constant 0 : i32
    return %arg0, %c0_i32 : i32, i32
  }
  func.func @transform_1(%arg0: i32) -> (i32, i32) {
    %c0_i32 = arith.constant 0 : i32
    %c0_i32_0 = arith.constant 0 : i32
    return %arg0, %c0_i32 : i32, i32
  }
  func.func @transform_2(%arg0: i32) -> (i32, i32) {
    %add3A = arith.constant 80 : i32
    %add3A_0 = arith.addi %arg0, %add3A : i32
    %c0_i32 = arith.constant 0 : i32
    %c0_i32_1 = arith.constant 0 : i32
    return %add3A_0, %c0_i32 : i32, i32
  }
  func.func @transform_3(%arg0: i32) -> (i32, i32) {
    %c0_i32 = arith.constant 0 : i32
    %c0_i32_0 = arith.constant 0 : i32
    %c0_i32_1 = arith.constant 0 : i32
    return %c0_i32, %c0_i32_0 : i32, i32
  }
  func.func @transform_4(%arg0: i32) -> (i32, i32) {
    %c0_i32 = arith.constant 0 : i32
    %c0_i32_0 = arith.constant 0 : i32
    %c0_i32_1 = arith.constant 0 : i32
    return %c0_i32, %c0_i32_0 : i32, i32
  }
  func.func @transform_5(%arg0: i32) -> (i32, i32) {
    %c0_i32 = arith.constant 0 : i32
    %c0_i32_0 = arith.constant 0 : i32
    %c0_i32_1 = arith.constant 0 : i32
    return %c0_i32, %c0_i32_0 : i32, i32
  }
  func.func @transform_6(%arg0: i32) -> (i32, i32) {
    %c0_i32 = arith.constant 0 : i32
    %c0_i32_0 = arith.constant 0 : i32
    %c0_i32_1 = arith.constant 0 : i32
    return %c0_i32, %c0_i32_0 : i32, i32
  }
  func.func @transform_7(%arg0: i32) -> (i32, i32) {
    %c0_i32 = arith.constant 0 : i32
    %c0_i32_0 = arith.constant 0 : i32
    return %arg0, %c0_i32 : i32, i32
  }
}

module attributes {stable_mosaic.version = 14 : i64} {
  func.func @_precompute_body(%arg0: i32, %arg1: memref<2000x128xf32, #tpu.memory_space<vmem>>, %arg2: memref<272x128xf32, #tpu.memory_space<vmem>>, %arg3: memref<2000x128xf32, #tpu.memory_space<vmem>>, %arg4: memref<2000x128xf32, #tpu.memory_space<vmem>>) attributes {dimension_semantics = [#tpu.dimension_semantics<arbitrary>], iteration_bounds = array<i64: 5>, scalar_prefetch = 0 : i64, scratch_operands = 0 : i64, tpu.core_type = #tpu.core_type<tc>, window_params = [{transform_indices = @transform_0, window_bounds = array<i64: 2000, 128>}, {pipeline_mode = #tpu.pipeline_mode<synchronous>, transform_indices = @transform_1, window_bounds = array<i64: 272, 128>}, {transform_indices = @transform_2, window_bounds = array<i64: 2000, 128>}, {transform_indices = @transform_3, window_bounds = array<i64: 2000, 128>}]} {
    %get3A = arith.constant 0 : index
    %get3A_0 = arith.constant 0 : index
    %get3A_1 = vector.load %arg1[%get3A, %get3A_0] : memref<2000x128xf32, #tpu.memory_space<vmem>>, vector<2000x128xf32>
    %get3A_2 = arith.constant 0 : index
    %get3A_3 = arith.constant 0 : index
    %get3A_4 = vector.load %arg2[%get3A_2, %get3A_3] : memref<272x128xf32, #tpu.memory_space<vmem>>, vector<272x128xf32>
    %slice3A = vector.extract_strided_slice %get3A_4 {offsets = [0, 0], sizes = [128, 128], strides = [1, 1]} : vector<272x128xf32> to vector<128x128xf32>
    %dot_general3A = arith.constant dense<0.000000e+00> : vector<2000x128xf32>
    %dot_general3A_5 = tpu.matmul %get3A_1, %slice3A, %dot_general3A {dimension_numbers = #tpu.dot_dimension_numbers<[1], [0], [0], [1], [0, 0, 1, 1], [], []>, transpose_lhs_hint = false} : vector<2000x128xf32>, vector<128x128xf32>, vector<2000x128xf32> -> vector<2000x128xf32>
    %swap3A = arith.constant 0 : index
    %swap3A_6 = arith.constant 0 : index
    %swap3A_7 = vector.load %arg3[%swap3A, %swap3A_6] : memref<2000x128xf32, #tpu.memory_space<vmem>>, vector<2000x128xf32>
    tpu.vector_store %arg3[%swap3A, %swap3A_6], %dot_general3A_5 {strides = array<i32>} : memref<2000x128xf32, #tpu.memory_space<vmem>>, vector<2000x128xf32>,
    %slice3A_8 = vector.extract_strided_slice %get3A_4 {offsets = [128, 0], sizes = [128, 128], strides = [1, 1]} : vector<272x128xf32> to vector<128x128xf32>
    %dot_general3A_9 = arith.constant dense<0.000000e+00> : vector<2000x128xf32>
    %dot_general3A_10 = tpu.matmul %get3A_1, %slice3A_8, %dot_general3A_9 {dimension_numbers = #tpu.dot_dimension_numbers<[1], [0], [0], [1], [0, 0, 1, 1], [], []>, transpose_lhs_hint = false} : vector<2000x128xf32>, vector<128x128xf32>, vector<2000x128xf32> -> vector<2000x128xf32>
    %swap3A_11 = arith.constant 0 : index
    %swap3A_12 = arith.constant 0 : index
    %swap3A_13 = vector.load %arg4[%swap3A_11, %swap3A_12] : memref<2000x128xf32, #tpu.memory_space<vmem>>, vector<2000x128xf32>
    tpu.vector_store %arg4[%swap3A_11, %swap3A_12], %dot_general3A_10 {strides = array<i32>} : memref<2000x128xf32, #tpu.memory_space<vmem>>, vector<2000x128xf32>,
    return
  }
  func.func @transform_0(%arg0: i32) -> (i32, i32) {
    %c0_i32 = arith.constant 0 : i32
    %c0_i32_0 = arith.constant 0 : i32
    return %arg0, %c0_i32 : i32, i32
  }
  func.func @transform_1(%arg0: i32) -> (i32, i32) {
    %c0_i32 = arith.constant 0 : i32
    %c0_i32_0 = arith.constant 0 : i32
    %c0_i32_1 = arith.constant 0 : i32
    return %c0_i32, %c0_i32_0 : i32, i32
  }
  func.func @transform_2(%arg0: i32) -> (i32, i32) {
    %c0_i32 = arith.constant 0 : i32
    %c0_i32_0 = arith.constant 0 : i32
    return %arg0, %c0_i32 : i32, i32
  }
  func.func @transform_3(%arg0: i32) -> (i32, i32) {
    %c0_i32 = arith.constant 0 : i32
    %c0_i32_0 = arith.constant 0 : i32
    return %arg0, %c0_i32 : i32, i32
  }
}

module attributes {stable_mosaic.version = 14 : i64} {
  func.func @_edge_body(%arg0: i32, %arg1: memref<2000x128xf32, #tpu.memory_space<vmem>>, %arg2: memref<2000x128xf32, #tpu.memory_space<vmem>>, %arg3: memref<2000x16xf32, #tpu.memory_space<vmem>>, %arg4: memref<272x128xf32, #tpu.memory_space<vmem>>, %arg5: memref<1x128xf32, #tpu.memory_space<vmem>>, %arg6: memref<128x128xf32, #tpu.memory_space<vmem>>, %arg7: memref<1x128xf32, #tpu.memory_space<vmem>>, %arg8: memref<2000x128xf32, #tpu.memory_space<vmem>>) attributes {dimension_semantics = [#tpu.dimension_semantics<arbitrary>], iteration_bounds = array<i64: 80>, scalar_prefetch = 0 : i64, scratch_operands = 0 : i64, tpu.core_type = #tpu.core_type<tc>, window_params = [{transform_indices = @transform_0, window_bounds = array<i64: 2000, 128>}, {transform_indices = @transform_1, window_bounds = array<i64: 2000, 128>}, {transform_indices = @transform_2, window_bounds = array<i64: 2000, 16>}, {pipeline_mode = #tpu.pipeline_mode<synchronous>, transform_indices = @transform_3, window_bounds = array<i64: 272, 128>}, {pipeline_mode = #tpu.pipeline_mode<synchronous>, transform_indices = @transform_4, window_bounds = array<i64: 1, 128>}, {pipeline_mode = #tpu.pipeline_mode<synchronous>, transform_indices = @transform_5, window_bounds = array<i64: 128, 128>}, {pipeline_mode = #tpu.pipeline_mode<synchronous>, transform_indices = @transform_6, window_bounds = array<i64: 1, 128>}, {transform_indices = @transform_7, window_bounds = array<i64: 2000, 128>}]} {
    %get3A = arith.constant 256 : index
    %get3A_0 = arith.constant 0 : index
    %get3A_1 = vector.load %arg4[%get3A, %get3A_0] : memref<272x128xf32, #tpu.memory_space<vmem>>, vector<16x128xf32>
    %get3A_2 = arith.constant 0 : index
    %get3A_3 = arith.constant 0 : index
    %get3A_4 = vector.load %arg1[%get3A_2, %get3A_3] : memref<2000x128xf32, #tpu.memory_space<vmem>>, vector<2000x128xf32>
    %get3A_5 = arith.constant 0 : index
    %get3A_6 = arith.constant 0 : index
    %get3A_7 = vector.load %arg2[%get3A_5, %get3A_6] : memref<2000x128xf32, #tpu.memory_space<vmem>>, vector<2000x128xf32>
    %add3A = arith.addf %get3A_4, %get3A_7 : vector<2000x128xf32>
    %get3A_8 = arith.constant 0 : index
    %get3A_9 = arith.constant 0 : index
    %get3A_10 = vector.load %arg3[%get3A_8, %get3A_9] : memref<2000x16xf32, #tpu.memory_space<vmem>>, vector<2000x16xf32>
    %dot_general3A = arith.constant dense<0.000000e+00> : vector<2000x128xf32>
    %dot_general3A_11 = tpu.matmul %get3A_10, %get3A_1, %dot_general3A {dimension_numbers = #tpu.dot_dimension_numbers<[1], [0], [0], [1], [0, 0, 1, 1], [], []>, transpose_lhs_hint = false} : vector<2000x16xf32>, vector<16x128xf32>, vector<2000x128xf32> -> vector<2000x128xf32>
    %add3A_12 = arith.addf %add3A, %dot_general3A_11 : vector<2000x128xf32>
    %get3A_13 = arith.constant 0 : index
    %get3A_14 = arith.constant 0 : index
    %get3A_15 = vector.load %arg5[%get3A_13, %get3A_14] : memref<1x128xf32, #tpu.memory_space<vmem>>, vector<1x128xf32>
    %add3A_16 = vector.broadcast %get3A_15 : vector<1x128xf32> to vector<2000x128xf32>
    %add3A_17 = arith.addf %add3A_12, %add3A_16 : vector<2000x128xf32>
    %convert_element_type3A = arith.truncf %add3A_17 : vector<2000x128xf32> to vector<2000x128xbf16>
    %logistic3A = arith.negf %convert_element_type3A : vector<2000x128xbf16>
    %logistic3A_18 = math.exp %logistic3A : vector<2000x128xbf16>
    %logistic3A_19 = arith.constant 1.000000e+00 : bf16
    %logistic3A_20 = vector.broadcast %logistic3A_19 : bf16 to vector<2000x128xbf16>
    %logistic3A_21 = arith.addf %logistic3A_20, %logistic3A_18 : vector<2000x128xbf16>
    %logistic3A_22 = arith.divf %logistic3A_20, %logistic3A_21 : vector<2000x128xbf16>
    %mul3A = arith.mulf %convert_element_type3A, %logistic3A_22 : vector<2000x128xbf16>
    %get3A_23 = arith.constant 0 : index
    %get3A_24 = arith.constant 0 : index
    %get3A_25 = vector.load %arg6[%get3A_23, %get3A_24] : memref<128x128xf32, #tpu.memory_space<vmem>>, vector<128x128xf32>
    %convert_element_type3A_26 = arith.truncf %get3A_25 : vector<128x128xf32> to vector<128x128xbf16>
    %dot_general3A_27 = arith.constant dense<0.000000e+00> : vector<2000x128xf32>
    %dot_general3A_28 = tpu.matmul %mul3A, %convert_element_type3A_26, %dot_general3A_27 {dimension_numbers = #tpu.dot_dimension_numbers<[1], [0], [0], [1], [0, 0, 1, 1], [], []>, transpose_lhs_hint = false} : vector<2000x128xbf16>, vector<128x128xbf16>, vector<2000x128xf32> -> vector<2000x128xf32>
    %get3A_29 = arith.constant 0 : index
    %get3A_30 = arith.constant 0 : index
    %get3A_31 = vector.load %arg7[%get3A_29, %get3A_30] : memref<1x128xf32, #tpu.memory_space<vmem>>, vector<1x128xf32>
    %add3A_32 = vector.broadcast %get3A_31 : vector<1x128xf32> to vector<2000x128xf32>
    %add3A_33 = arith.addf %dot_general3A_28, %add3A_32 : vector<2000x128xf32>
    %logistic3A_34 = arith.negf %add3A_33 : vector<2000x128xf32>
    %logistic3A_35 = math.exp %logistic3A_34 : vector<2000x128xf32>
    %logistic3A_36 = arith.constant 1.000000e+00 : f32
    %logistic3A_37 = vector.broadcast %logistic3A_36 : f32 to vector<2000x128xf32>
    %logistic3A_38 = arith.addf %logistic3A_37, %logistic3A_35 : vector<2000x128xf32>
    %logistic3A_39 = arith.divf %logistic3A_37, %logistic3A_38 : vector<2000x128xf32>
    %mul3A_40 = arith.mulf %add3A_33, %logistic3A_39 : vector<2000x128xf32>
    %swap3A = arith.constant 0 : index
    %swap3A_41 = arith.constant 0 : index
    %swap3A_42 = vector.load %arg8[%swap3A, %swap3A_41] : memref<2000x128xf32, #tpu.memory_space<vmem>>, vector<2000x128xf32>
    tpu.vector_store %arg8[%swap3A, %swap3A_41], %mul3A_40 {strides = array<i32>} : memref<2000x128xf32, #tpu.memory_space<vmem>>, vector<2000x128xf32>,
    return
  }
  func.func @transform_0(%arg0: i32) -> (i32, i32) {
    %c0_i32 = arith.constant 0 : i32
    %c0_i32_0 = arith.constant 0 : i32
    return %arg0, %c0_i32 : i32, i32
  }
  func.func @transform_1(%arg0: i32) -> (i32, i32) {
    %c0_i32 = arith.constant 0 : i32
    %c0_i32_0 = arith.constant 0 : i32
    return %arg0, %c0_i32 : i32, i32
  }
  func.func @transform_2(%arg0: i32) -> (i32, i32) {
    %add3A = arith.constant 0 : i32
    %add3A_0 = arith.addi %arg0, %add3A : i32
    %c0_i32 = arith.constant 0 : i32
    %c0_i32_1 = arith.constant 0 : i32
    return %add3A_0, %c0_i32 : i32, i32
  }
  func.func @transform_3(%arg0: i32) -> (i32, i32) {
    %c0_i32 = arith.constant 0 : i32
    %c0_i32_0 = arith.constant 0 : i32
    %c0_i32_1 = arith.constant 0 : i32
    return %c0_i32, %c0_i32_0 : i32, i32
  }
  func.func @transform_4(%arg0: i32) -> (i32, i32) {
    %c0_i32 = arith.constant 0 : i32
    %c0_i32_0 = arith.constant 0 : i32
    %c0_i32_1 = arith.constant 0 : i32
    return %c0_i32, %c0_i32_0 : i32, i32
  }
  func.func @transform_5(%arg0: i32) -> (i32, i32) {
    %c0_i32 = arith.constant 0 : i32
    %c0_i32_0 = arith.constant 0 : i32
    %c0_i32_1 = arith.constant 0 : i32
    return %c0_i32, %c0_i32_0 : i32, i32
  }
  func.func @transform_6(%arg0: i32) -> (i32, i32) {
    %c0_i32 = arith.constant 0 : i32
    %c0_i32_0 = arith.constant 0 : i32
    %c0_i32_1 = arith.constant 0 : i32
    return %c0_i32, %c0_i32_0 : i32, i32
  }
  func.func @transform_7(%arg0: i32) -> (i32, i32) {
    %c0_i32 = arith.constant 0 : i32
    %c0_i32_0 = arith.constant 0 : i32
    return %arg0, %c0_i32 : i32, i32
  }
}

module attributes {stable_mosaic.version = 14 : i64} {
  func.func @_node_body(%arg0: i32, %arg1: memref<1000x128xf32, #tpu.memory_space<vmem>>, %arg2: memref<2x1000x128xf32, #tpu.memory_space<vmem>>, %arg3: memref<2x1000x128xf32, #tpu.memory_space<vmem>>, %arg4: memref<256x128xf32, #tpu.memory_space<vmem>>, %arg5: memref<1x128xf32, #tpu.memory_space<vmem>>, %arg6: memref<128x128xf32, #tpu.memory_space<vmem>>, %arg7: memref<1x128xf32, #tpu.memory_space<vmem>>, %arg8: memref<1000x128xf32, #tpu.memory_space<vmem>>) attributes {dimension_semantics = [#tpu.dimension_semantics<arbitrary>], iteration_bounds = array<i64: 10>, scalar_prefetch = 0 : i64, scratch_operands = 0 : i64, tpu.core_type = #tpu.core_type<tc>, window_params = [{transform_indices = @transform_0, window_bounds = array<i64: 1000, 128>}, {transform_indices = @transform_1, window_bounds = array<i64: 2, 1000, 128>}, {transform_indices = @transform_2, window_bounds = array<i64: 2, 1000, 128>}, {pipeline_mode = #tpu.pipeline_mode<synchronous>, transform_indices = @transform_3, window_bounds = array<i64: 256, 128>}, {pipeline_mode = #tpu.pipeline_mode<synchronous>, transform_indices = @transform_4, window_bounds = array<i64: 1, 128>}, {pipeline_mode = #tpu.pipeline_mode<synchronous>, transform_indices = @transform_5, window_bounds = array<i64: 128, 128>}, {pipeline_mode = #tpu.pipeline_mode<synchronous>, transform_indices = @transform_6, window_bounds = array<i64: 1, 128>}, {transform_indices = @transform_7, window_bounds = array<i64: 1000, 128>}]} {
    %get3A = arith.constant 0 : index
    %get3A_0 = arith.constant 0 : index
    %get3A_1 = arith.constant 0 : index
    %get3A_2 = vector.load %arg2[%get3A, %get3A_0, %get3A_1] : memref<2x1000x128xf32, #tpu.memory_space<vmem>>, vector<2x1000x128xf32>
    %get3A_3 = arith.constant 0 : index
    %get3A_4 = arith.constant 0 : index
    %get3A_5 = arith.constant 0 : index
    %get3A_6 = vector.load %arg3[%get3A_3, %get3A_4, %get3A_5] : memref<2x1000x128xf32, #tpu.memory_space<vmem>>, vector<2x1000x128xf32>
    %slice3A = vector.extract_strided_slice %get3A_2 {offsets = [0, 0, 0], sizes = [1, 1000, 128], strides = [1, 1, 1]} : vector<2x1000x128xf32> to vector<1x1000x128xf32>
    %squeeze3A = vector.shape_cast %slice3A : vector<1x1000x128xf32> to vector<1000x128xf32>
    %slice3A_7 = vector.extract_strided_slice %get3A_2 {offsets = [1, 0, 0], sizes = [1, 1000, 128], strides = [1, 1, 1]} : vector<2x1000x128xf32> to vector<1x1000x128xf32>
    %squeeze3A_8 = vector.shape_cast %slice3A_7 : vector<1x1000x128xf32> to vector<1000x128xf32>
    %add3A = arith.addf %squeeze3A, %squeeze3A_8 : vector<1000x128xf32>
    %slice3A_9 = vector.extract_strided_slice %get3A_6 {offsets = [0, 0, 0], sizes = [1, 1000, 128], strides = [1, 1, 1]} : vector<2x1000x128xf32> to vector<1x1000x128xf32>
    %squeeze3A_10 = vector.shape_cast %slice3A_9 : vector<1x1000x128xf32> to vector<1000x128xf32>
    %add3A_11 = arith.addf %add3A, %squeeze3A_10 : vector<1000x128xf32>
    %slice3A_12 = vector.extract_strided_slice %get3A_6 {offsets = [1, 0, 0], sizes = [1, 1000, 128], strides = [1, 1, 1]} : vector<2x1000x128xf32> to vector<1x1000x128xf32>
    %squeeze3A_13 = vector.shape_cast %slice3A_12 : vector<1x1000x128xf32> to vector<1000x128xf32>
    %add3A_14 = arith.addf %add3A_11, %squeeze3A_13 : vector<1000x128xf32>
    %mul3A = arith.constant 0.00999999977 : f32
    %mul3A_15 = vector.broadcast %mul3A : f32 to vector<1000x128xf32>
    %mul3A_16 = arith.mulf %add3A_14, %mul3A_15 : vector<1000x128xf32>
    %get3A_17 = arith.constant 0 : index
    %get3A_18 = arith.constant 0 : index
    %get3A_19 = vector.load %arg1[%get3A_17, %get3A_18] : memref<1000x128xf32, #tpu.memory_space<vmem>>, vector<1000x128xf32>
    %get3A_20 = arith.constant 0 : index
    %get3A_21 = arith.constant 0 : index
    %get3A_22 = vector.load %arg4[%get3A_20, %get3A_21] : memref<256x128xf32, #tpu.memory_space<vmem>>, vector<128x128xf32>
    %dot_general3A = arith.constant dense<0.000000e+00> : vector<1000x128xf32>
    %dot_general3A_23 = tpu.matmul %get3A_19, %get3A_22, %dot_general3A {dimension_numbers = #tpu.dot_dimension_numbers<[1], [0], [0], [1], [0, 0, 1, 1], [], []>, transpose_lhs_hint = false} : vector<1000x128xf32>, vector<128x128xf32>, vector<1000x128xf32> -> vector<1000x128xf32>
    %get3A_24 = arith.constant 128 : index
    %get3A_25 = arith.constant 0 : index
    %get3A_26 = vector.load %arg4[%get3A_24, %get3A_25] : memref<256x128xf32, #tpu.memory_space<vmem>>, vector<128x128xf32>
    %dot_general3A_27 = arith.constant dense<0.000000e+00> : vector<1000x128xf32>
    %dot_general3A_28 = tpu.matmul %mul3A_16, %get3A_26, %dot_general3A_27 {dimension_numbers = #tpu.dot_dimension_numbers<[1], [0], [0], [1], [0, 0, 1, 1], [], []>, transpose_lhs_hint = false} : vector<1000x128xf32>, vector<128x128xf32>, vector<1000x128xf32> -> vector<1000x128xf32>
    %add3A_29 = arith.addf %dot_general3A_23, %dot_general3A_28 : vector<1000x128xf32>
    %get3A_30 = arith.constant 0 : index
    %get3A_31 = arith.constant 0 : index
    %get3A_32 = vector.load %arg5[%get3A_30, %get3A_31] : memref<1x128xf32, #tpu.memory_space<vmem>>, vector<1x128xf32>
    %add3A_33 = vector.broadcast %get3A_32 : vector<1x128xf32> to vector<1000x128xf32>
    %add3A_34 = arith.addf %add3A_29, %add3A_33 : vector<1000x128xf32>
    %logistic3A = arith.negf %add3A_34 : vector<1000x128xf32>
    %logistic3A_35 = math.exp %logistic3A : vector<1000x128xf32>
    %logistic3A_36 = arith.constant 1.000000e+00 : f32
    %logistic3A_37 = vector.broadcast %logistic3A_36 : f32 to vector<1000x128xf32>
    %logistic3A_38 = arith.addf %logistic3A_37, %logistic3A_35 : vector<1000x128xf32>
    %logistic3A_39 = arith.divf %logistic3A_37, %logistic3A_38 : vector<1000x128xf32>
    %mul3A_40 = arith.mulf %add3A_34, %logistic3A_39 : vector<1000x128xf32>
    %get3A_41 = arith.constant 0 : index
    %get3A_42 = arith.constant 0 : index
    %get3A_43 = vector.load %arg6[%get3A_41, %get3A_42] : memref<128x128xf32, #tpu.memory_space<vmem>>, vector<128x128xf32>
    %dot_general3A_44 = arith.constant dense<0.000000e+00> : vector<1000x128xf32>
    %dot_general3A_45 = tpu.matmul %mul3A_40, %get3A_43, %dot_general3A_44 {dimension_numbers = #tpu.dot_dimension_numbers<[1], [0], [0], [1], [0, 0, 1, 1], [], []>, transpose_lhs_hint = false} : vector<1000x128xf32>, vector<128x128xf32>, vector<1000x128xf32> -> vector<1000x128xf32>
    %add3A_46 = arith.addf %get3A_19, %dot_general3A_45 : vector<1000x128xf32>
    %get3A_47 = arith.constant 0 : index
    %get3A_48 = arith.constant 0 : index
    %get3A_49 = vector.load %arg7[%get3A_47, %get3A_48] : memref<1x128xf32, #tpu.memory_space<vmem>>, vector<1x128xf32>
    %add3A_50 = vector.broadcast %get3A_49 : vector<1x128xf32> to vector<1000x128xf32>
    %add3A_51 = arith.addf %add3A_46, %add3A_50 : vector<1000x128xf32>
    %swap3A = arith.constant 0 : index
    %swap3A_52 = arith.constant 0 : index
    %swap3A_53 = vector.load %arg8[%swap3A, %swap3A_52] : memref<1000x128xf32, #tpu.memory_space<vmem>>, vector<1000x128xf32>
    tpu.vector_store %arg8[%swap3A, %swap3A_52], %add3A_51 {strides = array<i32>} : memref<1000x128xf32, #tpu.memory_space<vmem>>, vector<1000x128xf32>,
    return
  }
  func.func @transform_0(%arg0: i32) -> (i32, i32) {
    %c0_i32 = arith.constant 0 : i32
    %c0_i32_0 = arith.constant 0 : i32
    return %arg0, %c0_i32 : i32, i32
  }
  func.func @transform_1(%arg0: i32) -> (i32, i32, i32) {
    %c0_i32 = arith.constant 0 : i32
    %c0_i32_0 = arith.constant 0 : i32
    %c0_i32_1 = arith.constant 0 : i32
    return %c0_i32, %arg0, %c0_i32_0 : i32, i32, i32
  }
  func.func @transform_2(%arg0: i32) -> (i32, i32, i32) {
    %c0_i32 = arith.constant 0 : i32
    %c0_i32_0 = arith.constant 0 : i32
    %c0_i32_1 = arith.constant 0 : i32
    return %c0_i32, %arg0, %c0_i32_0 : i32, i32, i32
  }
  func.func @transform_3(%arg0: i32) -> (i32, i32) {
    %c0_i32 = arith.constant 0 : i32
    %c0_i32_0 = arith.constant 0 : i32
    %c0_i32_1 = arith.constant 0 : i32
    return %c0_i32, %c0_i32_0 : i32, i32
  }
  func.func @transform_4(%arg0: i32) -> (i32, i32) {
    %c0_i32 = arith.constant 0 : i32
    %c0_i32_0 = arith.constant 0 : i32
    %c0_i32_1 = arith.constant 0 : i32
    return %c0_i32, %c0_i32_0 : i32, i32
  }
  func.func @transform_5(%arg0: i32) -> (i32, i32) {
    %c0_i32 = arith.constant 0 : i32
    %c0_i32_0 = arith.constant 0 : i32
    %c0_i32_1 = arith.constant 0 : i32
    return %c0_i32, %c0_i32_0 : i32, i32
  }
  func.func @transform_6(%arg0: i32) -> (i32, i32) {
    %c0_i32 = arith.constant 0 : i32
    %c0_i32_0 = arith.constant 0 : i32
    %c0_i32_1 = arith.constant 0 : i32
    return %c0_i32, %c0_i32_0 : i32, i32
  }
  func.func @transform_7(%arg0: i32) -> (i32, i32) {
    %c0_i32 = arith.constant 0 : i32
    %c0_i32_0 = arith.constant 0 : i32
    return %arg0, %c0_i32 : i32, i32
  }
}

</mosaic_0001>

<sc_bundles>
// kernel: kernel.10.cloned.1.call-start
scs
__scs_entry_jumppad:
0x0: {  	(pc) =	sbr.rel $0x88, $3  }
0x1: {  	(tag) =	ssettag $0x0;
	lr =	simm.s32 $0x1  }
0x2: {  	[smem:$0x3F96] =	sst lr;
	_ =	strace $0xD0000000  }
0x3: {  	_ = 	snop  }
0x4: {  	_ = 	snop  }
0x5: {  	_ = 	snop  }
0x6: {  	_ = 	snop  }
0x7: {  	_ = 	snop  }
__scs_overlays_trampoline_lowered:
0x8: {  	[smem:$0x3FA5] =	sst s0  }
0x9: {  	[smem:$0x3FA6] =	sst s1  }
0xa: {  	[smem:$0x3FA7] =	sst s2  }
0xb: {  	[smem:$0x3FA8] =	sst s3  }
0xc: {  	[smem:$0x3FA9] =	sst s4  }
0xd: {  	[smem:$0x3FAA] =	sst s5  }
0xe: {  	[smem:$0x3FAB] =	sst s6  }
0xf: {  	[smem:$0x3FAC] =	sst s7  }
0x10: {  	[smem:$0x3FAD] =	sst s8  }
0x11: {  	[smem:$0x3FAE] =	sst s9;
	s0 =	simm.s32 @!p0 $0x0  }
0x12: {  	s1 =	sld [smem:$0x3F94];
	s0 =	simm.s32 @p0 $0x1  }
0x13: {  	[smem:$0x3FAF] =	sst s0;
	s0 =	simm.s32 @!p1 $0x0  }
0x14: {  	s2 =	sld [smem:$0x3F93];
	s0 =	simm.s32 @p1 $0x1  }
0x15: {  	[smem:$0x3FB0] =	sst s0;
	s0 =	simm.s32 @!p2 $0x0  }
0x16: {  	s3 =	sld [smem:$0x3FDB];
	s0 =	simm.s32 @p2 $0x1  }
0x17: {  	s4 =	simm.s32 $0x1BF5;
	[smem:$0x3FB2] =	sst s0  }
0x18: {  	s0 =	sld [smem:$0x3F95];
	_ =	swait.ge [sflag:s4], $0x0  }
0x19: {  	s7 =	sld [smem:$0x3F96]  }
0x1a: {  	s8 =	sadd.s32 $0xFFFFE003, lr  }
0x1b: {  	s9 =	sadd.s32 $0xFFFFFEF7, lr;
	s5 =	simm.s32 $0xFFFFFFFF;
	p2 =	slt.u32 s8, $0xFFFFF086  }
0x1c: {  	p1 =	slt.u32 s9, $0xF7A;
	s5 =	simm.s32 @!p2 $0x0  }
0x1d: {  	s5 =	simm.s32 @p1 $0x1;
	p0 =	seq.s32 s7, s2  }
0x1e: {  	s7 =	smul.u32 @!p0 $0xF7A, s2;
	p2 =	seq.s32 @!p0 s5, $0x0  }
0x1f: {  	s9 =	smul.u32 $0xF7A, s1;
	s8 =	simm.s32 @!p0 $0x1BF5;
	p2 =	por !p2, p0  }
0x20: {  	[sflag:s8] =	ssyncset.s32 @!p0 $0xFFFFF086;
	s6 =	sadd.s32 @!p0 s3, s7;
	s7 =	simm.s32 @!p0 $0x108  }
0x21: {  	s3 =	sadd.s32 s3, s9;
	s6 =	sadd.s32 @!p0 $0x88, s6;
	s7 =	simm.s32 @p2 $0x1082  }
0x22: {  	[simem:s7], [sflag:s8] =	dma.local @!p0 [hbm:s6], $0xF7A  }
0x23: {  	s9 =	sor.u32 $0xD0000000, s2;
	s6 =	simm.s32 $0x108;
	_ =	swait.ge @!p0 [sflag:s8], $0x0  }
0x24: {  	s3 =	sadd.s32 $0x88, s3;
	s6 =	simm.s32 @!p1 $0x1082;
	[sflag:s4] =	ssyncset.s32 $0xFFFFF086  }
0x25: {  	[simem:s6], [sflag:s4] =	dma.local [hbm:s3], $0xF7A  }
0x26: {  	[smem:$0x3F96] =	sst s1;
	(tag) =	ssettag s2;
	_ =	strace s9  }
0x27: {  	s1 =	sld [smem:$0x3FA6]  }
0x28: {  	s2 =	sld [smem:$0x3FA7]  }
0x29: {  	s4 =	sld [smem:$0x3FA9]  }
0x2a: {  	p0 =	seq.s32 s5, $0x0;
	s5 =	sld [smem:$0x3FAA]  }
0x2b: {  	s6 =	sld [smem:$0x3FAB]  }
0x2c: {  	s7 =	sld [smem:$0x3FAC]  }
0x2d: {  	s3 =	simm.s32 $0x108;
	s8 =	sld [smem:$0x3FAD]  }
0x2e: {  	s3 =	simm.s32 @!p0 $0x1082;
	s9 =	sld [smem:$0x3FAE]  }
0x2f: {  	lr =	sadd.s32 s0, s3;
	s0 =	sld [smem:$0x3FA5]  }
0x30: {  	s3 =	sld [smem:$0x3FA8]  }
0x31: {  	[smem:$0x3FB1] =	sst s10  }
0x32: {  	s10 =	sld [smem:$0x3FAF];
	_ =	sdelay $0x3  }
0x33: {  	p0 =	seq.s32 s10, $0x1;
	s10 =	sld [smem:$0x3FB1];
	_ =	sdelay $0x3  }
0x34: {  	[smem:$0x3FB1] =	sst s10  }
0x35: {  	s10 =	sld [smem:$0x3FB0];
	_ =	sdelay $0x3  }
0x36: {  	p1 =	seq.s32 s10, $0x1;
	s10 =	sld [smem:$0x3FB1];
	_ =	sdelay $0x3  }
0x37: {  	[smem:$0x3FB1] =	sst s10  }
0x38: {  	s10 =	sld [smem:$0x3FB2]  }
0x39: {  	_ = 	snop;
	(pc) =	sbr.ind lr, $3  }
0x3a: {  	_ = 	snop  }
0x3b: {  	_ = 	snop  }
0x3c: {  	p2 =	seq.s32 s10, $0x1;
	s10 =	sld [smem:$0x3FB1]  }
0x3d: {  	_ =	shalt  }
0x3e: {  	_ =	shalt  }
0x3f: {  	_ =	shalt  }
0x40: {  	_ =	shalt  }
0x41: {  	_ =	shalt  }
0x42: {  	_ =	shalt  }
0x43: {  	_ =	shalt  }
0x44: {  	_ =	shalt  }
0x45: {  	_ =	shalt  }
0x46: {  	_ =	shalt  }
0x47: {  	_ =	shalt  }
0x48: {  	_ =	shalt  }
0x49: {  	_ =	shalt  }
0x4a: {  	_ =	shalt  }
0x4b: {  	_ =	shalt  }
0x4c: {  	_ =	shalt  }
0x4d: {  	_ =	shalt  }
0x4e: {  	_ =	shalt  }
0x4f: {  	_ =	shalt  }
0x50: {  	_ =	shalt  }
0x51: {  	_ =	shalt  }
0x52: {  	_ =	shalt  }
0x53: {  	_ =	shalt  }
0x54: {  	_ =	shalt  }
0x55: {  	_ =	shalt  }
0x56: {  	_ =	shalt  }
0x57: {  	_ =	shalt  }
0x58: {  	_ =	shalt  }
0x59: {  	_ =	shalt  }
0x5a: {  	_ =	shalt  }
0x5b: {  	_ =	shalt  }
0x5c: {  	_ =	shalt  }
0x5d: {  	_ =	shalt  }
0x5e: {  	_ =	shalt  }
0x5f: {  	_ =	shalt  }
0x60: {  	_ =	shalt  }
0x61: {  	_ =	shalt  }
0x62: {  	_ =	shalt  }
0x63: {  	_ =	shalt  }
0x64: {  	_ =	shalt  }
0x65: {  	_ =	shalt  }
0x66: {  	_ =	shalt  }
0x67: {  	_ =	shalt  }
0x68: {  	_ =	shalt  }
0x69: {  	_ =	shalt  }
0x6a: {  	_ =	shalt  }
0x6b: {  	_ =	shalt  }
0x6c: {  	_ =	shalt  }
0x6d: {  	_ =	shalt  }
0x6e: {  	_ =	shalt  }
0x6f: {  	_ =	shalt  }
0x70: {  	_ =	shalt  }
0x71: {  	_ =	shalt  }
0x72: {  	_ =	shalt  }
0x73: {  	_ =	shalt  }
0x74: {  	_ =	shalt  }
0x75: {  	_ =	shalt  }
0x76: {  	_ =	shalt  }
0x77: {  	_ =	shalt  }
0x78: {  	_ =	shalt  }
0x79: {  	_ =	shalt  }
0x7a: {  	_ =	shalt  }
0x7b: {  	_ =	shalt  }
0x7c: {  	_ =	shalt  }
0x7d: {  	_ =	shalt  }
0x7e: {  	_ =	shalt  }
0x7f: {  	_ =	shalt  }
0x80: {  	_ =	shalt  }
0x81: {  	_ =	shalt  }
0x82: {  	_ =	shalt  }
0x83: {  	_ =	shalt  }
0x84: {  	_ =	shalt  }
0x85: {  	_ =	shalt  }
0x86: {  	_ =	shalt  }
0x87: {  	_ =	shalt  }
.Lfunc_end0:
.L_simem_size_0:
called_computation_lowered:
.L_overlay_start_0:
0x88: {  	s2 =	sld [smem:$0x3FD9]  }
0x89: {  	s3 =	sld [smem:$0x3FFE];
	_ =	sdelay $0x1  }
0x8a: {  	s1 =	srdreg.scid  }
0x8b: {  	s0 =	sand.u32 $0x1, s1  }
0x8c: {  	s15 =	sshll.u32 s0, $0xA;
	s2 =	sadd.s32 s3, s2  }
0x8d: {  	s2 =	sadd.s32 s2, s15  }
0x8e: {  	[smem:$0x3FBD] =	sst s2  }
0x8f: {  	_ = 	snop  }
0x90: {  	s2 =	sld [smem:$0x3FD0];
	_ =	sdelay $0x2  }
0x91: {  	s16 =	simm.s32 $0xB;
	s4 =	simm.s32 $0x10  }
0x92: {  	[smem:s4], [sflag:s16] =	dma.local [hbm:s2], $0x1  }
0x93: {  	_ =	swait.eq [sflag:s16], $0x1  }
0x94: {  	[sflag:s16] =	ssyncset.done $0x0  }
0x95: {  	[sflag:s16] =	ssyncadd.s32 $0xFFFFFFFF  }
0x96: {  	s17 =	sld [smem:$0x10];
	(tm) =	ssettm $0x1  }
0x97: {  	s18 =	sld [smem:$0x3FFB];
	_ =	sdelay $0x3  }
0x98: {  	_ =	strace s18  }
0x99: {  	s2 =	sld [smem:$0x3FFC];
	_ =	sdelay $0x3  }
0x9a: {  	_ =	strace s2  }
0x9b: {  	s2 =	sld [smem:$0x3FFD];
	_ =	sdelay $0x3  }
0x9c: {  	_ =	strace s2  }
0x9d: {  	_ =	strace $0x8FFFFFFF  }
0x9e: {  	s19 =	sld [smem:$0x3FDB];
	_ =	sdelay $0x1  }
0x9f: {  	s20 =	simm.s32 $_scs_section_size  }
0xa0: {  	s5 =	simm.s32 $_size__tile_overlayer_lowered;
	s6 =	simm.s32 $_tile_overlayer_lowered  }
0xa1: {  	s7 =	simm.s32 $0x1BFF;
	s21 =	sshll.u32 s6, $0x1;
	s4 =	sadd.s32 s20, s19  }
0xa2: {  	s22 =	simm.s32 $0x0;
	s5 =	sshll.u32 s5, $0x1;
	s6 =	sadd.s32 s21, s4  }
0xa3: {  	[timem:s22], [sflag:s7] =	dma.local [hbm:s6], s5  }
0xa4: {  	_ =	swait.ge [sflag:s7], s5  }
0xa5: {  	s5 =	ssub.s32 $0x0, s5;
	[sflag:s7] =	ssyncset.done $0x0  }
0xa6: {  	[sflag:s7] =	ssyncadd.s32 s5;
	_ =	sdelay $0x1  }
0xa7: {  	s23 =	simm.s32 $0x1B8B  }
0xa8: {  	_ =	swait.ge [sflag:s23], $0x1  }
0xa9: {  	[sflag:s23] =	ssyncset.done $0x0  }
0xaa: {  	[sflag:s23] =	ssyncadd.s32 $0xFFFFFFFF  }
0xab: {  	s5 =	sld [smem:$0x0]  }
0xac: {  	s6 =	sand.u32 $0xFFFFFFFE, s1  }
0xad: {  	p0 =	sne.s32 s1, s6  }
0xae: {  	s6 =	sshll.u32 @p0 s6, $0xE  }
0xaf: {  	s6 =	sadd.s32 @p0 $0x11B8D, s6;
	s7 =	sshll.u32 @p0 s5, $0x11  }
0xb0: {  	s6 =	sor.u32 @p0 s7, s6  }
0xb1: {  	[sflag:s6] =	ssyncadd.remote.s32 @p0 $0x1;
	_ =	sdelay $0x1  }
0xb2: {  	s6 =	simm.s32 @p0 $0x1B8D  }
0xb3: {  	_ =	swait.eq @p0 [sflag:s6], $0x1  }
0xb4: {  	[sflag:s6] =	ssyncadd.s32 @p0 $0xFFFFFFFF  }
0xb5: {  	s7 =	sshll.u32 @!p0 s1, $0xE  }
0xb6: {  	s7 =	sor.u32 @!p0 $0x4000, s7;
	s6 =	simm.s32 @!p0 $0x1B8D  }
0xb7: {  	s5 =	sshll.u32 @!p0 s5, $0x11;
	s7 =	sadd.s32 @!p0 $0x11B8D, s7;
	_ =	swait.eq @!p0 [sflag:s6], $0x1  }
0xb8: {  	s5 =	sor.u32 @!p0 s5, s7;
	[sflag:s6] =	ssyncadd.s32 @!p0 $0xFFFFFFFF  }
0xb9: {  	s25 =	simm.s32 $0x1B8E;
	s24 =	sld [smem:$0x3FFE];
	[sflag:s5] =	ssyncadd.remote.s32 @!p0 $0x1  }
0xba: {  	s26 =	simm.s32 $execute0_lowered;
	[smem:$0x3FD2] =	sst s25  }
0xbb: {  	s6 =	sshll.u32 s26, $0x1;
	_ =	strace $0x80000049;
	[dreg:$0x1] =	wrdreg $0xFFFFFFFF  }
0xbc: {  	s28 =	simm.s32 $_size_execute0_lowered;
	s4 =	sadd.s32 s4, s6;
	[dreg:$0x0] =	wrdreg $0x0  }
0xbd: {  	s6 =	sshll.u32 s28, $0x1;
	[dreg:$0x2] =	wrdreg s4  }
0xbe: {  	[dreg:$0x3] =	wrdreg s6  }
0xbf: {  	[dreg:$0x4] =	wrdreg $0xC0  }
0xc0: {  	_ =	task [dreg:s22], $0x5FFFF  }
0xc1: {  	[dreg:$0x1] =	wrdreg $0xFFFFFFFF  }
0xc2: {  	[dreg:$0x0] =	wrdreg $0x60  }
0xc3: {  	[dreg:$0x2] =	wrdreg s17  }
0xc4: {  	[dreg:$0x3] =	wrdreg s24  }
0xc5: {  	[dreg:$0x4] =	wrdreg $0x9  }
0xc6: {  	_ =	task.clear_ibuf [dreg:s22], $0x5FFFF;
	_ =	strace $0x90000049  }
0xc7: {  	s29 =	simm.s32 $0x9;
	_ =	strace $0x8000004B  }
0xc8: {  	_ =	swait.ge [sflag:s29], $0x1  }
0xc9: {  	[sflag:s29] =	ssyncadd.s32 $0xFFFFFFFF  }
0xca: {  	_ =	strace $0x9000004B  }
0xcb: {  	_ =	sfence  }
0xcc: {  	s30 =	sld [smem:$0x0];
	_ =	sdelay $0x2  }
0xcd: {  	s31 =	sshll.u32 s1, $0xD;
	s1 =	sshrl.u32 s1, $0x2  }
0xce: {  	s4 =	sand.u32 $0x4000, s31;
	s1 =	sadd.s32 s1, s30  }
0xcf: {  	s0 =	sor.u32 s4, s0;
	s1 =	sshll.u32 s1, $0x11  }
0xd0: {  	s0 =	sor.u32 s1, s0  }
0xd1: {  	s0 =	sadd.s32 $0x8F2B, s0  }
0xd2: {  	[sflag:s0] =	ssyncadd.remote.s32 $0x1  }
0xd3: {  	_ =	sfence.sel $0xFFFF  }
0xd4: {  	[dreg:$0x0] =	wrdreg $0xFFFFFFFF;
	(pc) =	sbr.abs _section_cstart, $3  }
0xd5: {  	[dreg:$0x1] =	wrdreg $0xFFFFFFFF  }
0xd6: {  	_ =	task.clear_ibuf [dreg:s22], $0x2FFFF;
	_ =	strace $0x9FFFFFFF  }
0xd7: {  	(tm) =	ssettm $0x7FFFFFFF  }
tec
execute0_lowered:
.L_overlay_start_1:
0x0: {  	(tag) =	ssettag $0x1  }
0x1: {  	s2 =	rddreg [dreg:$0x0];
	s1 =	srdreg.scid  }
0x2: {  	s0 =	stileid.u32;
	s5 =	rddreg [dreg:$0x1];
	s3 =	simm.s32 $0x0  }
0x3: {  	s16 =	simm.s32 $0x80;
	s17 =	simm.s32 $0x2800;
	s18 =	simm.s32 $0x6800  }
0x4: {  	s19 =	simm.s32 $0xA800;
	s21 =	simm.s32 $0xE800;
	s22 =	simm.s32 $0x1  }
0x5: {  	s23 =	simm.s32 $0x2;
	s6 =	sand.u32 $0x1, s1;
	s4 =	sshll.u32 s0, $0x1  }
0x6: {  	s24 =	simm.s32 $0x3;
	s25 =	simm.s32 $0x4;
	s14 =	sor.u32 s6, s4  }
0x7: {  	[smem:$0x7FF] =	sst s3;
	s9 =	sadd.s32 $0xDE00, s5;
	s7 =	smul.u32 $0x26, s14  }
0x8: {  	s10 =	sadd.s32 $0x4000, s5;
	_ =	strace $0x8000004A;
	s8 =	smul.u32 $0x28, s14  }
0x9: {  	s4 =	sadd.s32 $0x17C00, s5;
	s6 =	ssub.s32 $0x2, s6;
	s12 =	smul.u32 $0x1400, s14  }
0xa: {  	p0 =	slt.u32 s14, $0x11;
	s11 =	sshrl.u32 s6, $0x1;
	s7 =	sadd.s32 $0x22, s7  }
0xb: {  	s11 =	ssub.s32 s6, s11;
	s28 =	sshrl.u32 s12, $0x3;
	s7 =	smov.u32 @p0 s8  }
0xc: {  	s12 =	sadd.s32 $0x260, s28;
	s8 =	sshll.u32 s7, $0xB;
	s26 =	sshll.u32 s7, $0x4  }
0xd: {  	s13 =	sadd.s32 s8, s5;
	s5 =	simm.s32 $0x28;
	s7 =	sand.u32 $0x1FFFFFE0, s26  }
0xe: {  	s8 =	sadd.s32 s9, s12;
	s26 =	simm.s32 $0x0;
	s5 =	simm.s32 @!p0 $0x26  }
0xf: {  	s29 =	sadd.s32 s9, s7;
	s30 =	sadd.s32 s10, s7;
	s9 =	sadd.s32 s10, s12  }
0x10: {  	s10 =	smax.u32 s11, $0x1;
	s12 =	sadd.s32 $0x791E00, s13;
	s13 =	sadd.s32 $0x520E00, s13  }
0x11: {  	p0 =	sgt.u32 s14, $0x10;
	[dreg:$0x4] =	wrdreg s29;
	s15 =	sshll.u32 s5, $0xB  }
0x12: {  	s14 =	simm.s32 $0x5;
	[dreg:$0x5] =	wrdreg s30;
	s31 =	sadd.s32 $0xFFFFF000, s15  }
0x13: {  	s11 =	sadd.s32 $0xFFFFFFFD, s5;
	s15 =	simm.s32 $0x1400;
	[dreg:$0x3] =	wrdreg s31  }
.LBB2_1:
0x14: {  	s0 =	rddreg [dreg:$0x4]  }
0x15: {  	[tilespmem:s3], [sflag:$0x5] =	stream.linear.gather [hbm4b:s0+s3], $0x1300, $0x38;
	[tilespmem:$0x12800] =	vst v63  }
0x16: {  	_ =	swait.ge [sflag:s14], $0x1300  }
0x17: {  	[sflag:s14] =	ssyncset.done $0x0  }
0x18: {  	s20 =	rddreg [dreg:$0x5];
	[sflag:s14] =	ssyncadd.s32 $0xFFFFED00  }
0x19: {  	[tilespmem:s15], [sflag:$0x5] =	stream.linear.gather [hbm4b:s20+s3], $0x1300, $0x38;
	[tilespmem:$0x12800] =	vst v63  }
0x1a: {  	_ =	swait.ge [sflag:s14], $0x1300  }
0x1b: {  	[sflag:s14] =	ssyncset.done $0x0  }
0x1c: {  	s28 =	simm.s32 @!p0 $0x0;
	s29 =	simm.s32 @!p0 $0x1300;
	[sflag:s14] =	ssyncadd.s32 $0xFFFFED00  }
0x1d: {  	[tilespmem:s29], [sflag:$0x5] =	stream.linear.gather @!p0 [hbm4b:s8+s28], $0x100, $0x38;
	[tilespmem:$0x12800] =	vst v63  }
0x1e: {  	s29 =	simm.s32 @!p0 $0x5  }
0x1f: {  	_ =	swait.ge @!p0 [sflag:s29], $0x100  }
0x20: {  	[sflag:s29] =	ssyncset.done @!p0 $0x0  }
0x21: {  	s30 =	simm.s32 @!p0 $0x2700;
	[sflag:s29] =	ssyncadd.s32 @!p0 $0xFFFFFF00  }
0x22: {  	[tilespmem:s30], [sflag:$0x5] =	stream.linear.gather @!p0 [hbm4b:s9+s28], $0x100, $0x38;
	[tilespmem:$0x12800] =	vst v63  }
0x23: {  	_ =	swait.ge @!p0 [sflag:s29], $0x100  }
0x24: {  	[sflag:s29] =	ssyncset.done @!p0 $0x0  }
0x25: {  	[sflag:s29] =	ssyncadd.s32 @!p0 $0xFFFFFF00  }
0x26: {  	[tilespmem:s17], [sflag:$0x1] =	stream.indirect.gather [hbm4b:s2+s16], $0x80, s3, s16, $0xb8;
	[tilespmem:$0x12800] =	vst v63  }
0x27: {  	_ = 	snop  }
0x28: {  	[tilespmem:s18], [sflag:$0x1] =	stream.indirect.gather [hbm4b:s4+s16], $0x80, s15, s16, $0xb8;
	[tilespmem:$0x12800] =	vst v63  }
0x29: {  	s31 =	simm.s32 $0x0;
	s20 =	simm.s32 $0x0  }
0x2a: {  	[tilespmem:s19], [sflag:$0x2] =	stream.indirect.gather [hbm4b:s2+s16], $0x80, s16, s16, $0xb8;
	[tilespmem:$0x12800] =	vst v63  }
0x2b: {  	s28 =	simm.s32 $0x1480;
	s30 =	simm.s32 $0x100;
	s29 =	simm.s32 $0x1500  }
0x2c: {  	[tilespmem:s21], [sflag:$0x2] =	stream.indirect.gather [hbm4b:s4+s16], $0x80, s28, s16, $0xb8;
	[tilespmem:$0x12800] =	vst v63  }
.LBB2_2:
0x2d: {  	_ =	swait.ge [sflag:s22], $0x4000  }
0x2e: {  	[sflag:s22] =	ssyncset.done $0x0  }
0x2f: {  	[sflag:s22] =	ssyncadd.s32 $0xFFFFC000  }
0x30: {  	_ =	swait.ge [sflag:s22], $0x4000  }
0x31: {  	s28 =	smov.u32 s20;
	s20 =	sadd.s32 $0x2, s20;
	[sflag:s22] =	ssyncset.done $0x0  }
0x32: {  	s1 =	sadd.s32 s31, s13;
	p1 =	sge.u32 s20, s5;
	[sflag:s22] =	ssyncadd.s32 $0xFFFFC000  }
0x33: {  	[hbm4b:s1+s3] =	stream.linear.scatter [tilespmem:s17], [sflag:$0x3], $0x4000, $0x38;
	[tilespmem:$0x12800] =	vst v63  }
0x34: {  	s0 =	sadd.s32 s31, s12;
	s6 =	simm.s32 @!p1 $0x3  }
0x35: {  	[hbm4b:s0+s3] =	stream.linear.scatter [tilespmem:s18], [sflag:$0x3], $0x4000, $0x38;
	[tilespmem:$0x12800] =	vst v63  }
0x36: {  	_ =	swait.ge @!p1 [sflag:s6], $0x4000  }
0x37: {  	[sflag:s6] =	ssyncset.done @!p1 $0x0  }
0x38: {  	[sflag:s6] =	ssyncadd.s32 @!p1 $0xFFFFC000  }
0x39: {  	_ =	swait.ge @!p1 [sflag:s6], $0x4000  }
0x3a: {  	[sflag:s6] =	ssyncset.done @!p1 $0x0  }
0x3b: {  	s7 =	simm.s32 @!p1 $0x2800;
	[sflag:s6] =	ssyncadd.s32 @!p1 $0xFFFFC000;
	s6 =	simm.s32 @!p1 $0x80  }
0x3c: {  	[tilespmem:s7], [sflag:$0x1] =	stream.indirect.gather @!p1 [hbm4b:s2+s6], $0x80, s30, s6, $0xb8;
	[tilespmem:$0x12800] =	vst v63  }
0x3d: {  	s7 =	simm.s32 @!p1 $0x6800  }
0x3e: {  	[tilespmem:s7], [sflag:$0x1] =	stream.indirect.gather @!p1 [hbm4b:s4+s6], $0x80, s29, s6, $0xb8;
	[tilespmem:$0x12800] =	vst v63  }
0x3f: {  	_ =	swait.ge [sflag:s23], $0x4000  }
0x40: {  	[sflag:s23] =	ssyncset.done $0x0  }
0x41: {  	[sflag:s23] =	ssyncadd.s32 $0xFFFFC000  }
0x42: {  	_ =	swait.ge [sflag:s23], $0x4000  }
0x43: {  	[sflag:s23] =	ssyncset.done $0x0  }
0x44: {  	s1 =	sadd.s32 $0x800, s1;
	s7 =	sadd.s32 $0x3, s28;
	[sflag:s23] =	ssyncadd.s32 $0xFFFFC000  }
0x45: {  	[hbm4b:s1+s3] =	stream.linear.scatter [tilespmem:s19], [sflag:$0x4], $0x4000, $0x38;
	[tilespmem:$0x12800] =	vst v63  }
0x46: {  	s0 =	sadd.s32 $0x800, s0;
	p1 =	sge.u32 s7, s5  }
0x47: {  	[hbm4b:s0+s3] =	stream.linear.scatter [tilespmem:s21], [sflag:$0x4], $0x4000, $0x38;
	[tilespmem:$0x12800] =	vst v63  }
0x48: {  	s0 =	simm.s32 @!p1 $0x4  }
0x49: {  	_ =	swait.ge @!p1 [sflag:s0], $0x4000  }
0x4a: {  	[sflag:s0] =	ssyncset.done @!p1 $0x0  }
0x4b: {  	[sflag:s0] =	ssyncadd.s32 @!p1 $0xFFFFC000  }
0x4c: {  	_ =	swait.ge @!p1 [sflag:s0], $0x4000  }
0x4d: {  	s31 =	sadd.s32 $0x1000, s31;
	s6 =	simm.s32 @!p1 $0xA800;
	[sflag:s0] =	ssyncset.done @!p1 $0x0  }
0x4e: {  	s1 =	simm.s32 @!p1 $0x80;
	[sflag:s0] =	ssyncadd.s32 @!p1 $0xFFFFC000;
	s0 =	sadd.s32 @!p1 $0x80, s30  }
0x4f: {  	[tilespmem:s6], [sflag:$0x2] =	stream.indirect.gather @!p1 [hbm4b:s2+s1], $0x80, s0, s1, $0xb8;
	[tilespmem:$0x12800] =	vst v63  }
0x50: {  	s28 =	rddreg [dreg:$0x3];
	s0 =	sadd.s32 @!p1 $0x80, s29;
	s6 =	simm.s32 @!p1 $0xE800  }
0x51: {  	[tilespmem:s6], [sflag:$0x2] =	stream.indirect.gather @!p1 [hbm4b:s4+s1], $0x80, s0, s1, $0xb8;
	[tilespmem:$0x12800] =	vst v63  }
0x52: {  	p1 =	sne.s32 s28, s31  }
.Ltmp0:
0x53: {  	_ = 	snop;
	(pc) =	sbr.rel @p1 .LBB2_2-.Ltmp0, $2  }
0x54: {  	_ =	sdelay $0x2  }
0x55: {  	s30 =	sadd.s32 $0x100, s30;
	s29 =	sadd.s32 $0x100, s29  }
0x56: {  	_ =	swait.ge [sflag:s22], $0x4000  }
0x57: {  	[sflag:s22] =	ssyncset.done $0x0  }
0x58: {  	[sflag:s22] =	ssyncadd.s32 $0xFFFFC000  }
0x59: {  	_ =	swait.ge [sflag:s22], $0x4000  }
0x5a: {  	s6 =	sadd.s32 $0x2, s20;
	[sflag:s22] =	ssyncset.done $0x0  }
0x5b: {  	s0 =	sadd.s32 s31, s13;
	p1 =	sge.u32 s6, s5;
	[sflag:s22] =	ssyncadd.s32 $0xFFFFC000  }
0x5c: {  	[hbm4b:s0+s3] =	stream.linear.scatter [tilespmem:s17], [sflag:$0x3], $0x4000, $0x38;
	[tilespmem:$0x12800] =	vst v63  }
0x5d: {  	s1 =	sadd.s32 s31, s12;
	s6 =	simm.s32 @!p1 $0x3  }
0x5e: {  	[hbm4b:s1+s3] =	stream.linear.scatter [tilespmem:s18], [sflag:$0x3], $0x4000, $0x38;
	[tilespmem:$0x12800] =	vst v63  }
0x5f: {  	_ =	swait.ge @!p1 [sflag:s6], $0x4000  }
0x60: {  	[sflag:s6] =	ssyncset.done @!p1 $0x0  }
0x61: {  	[sflag:s6] =	ssyncadd.s32 @!p1 $0xFFFFC000  }
0x62: {  	_ =	swait.ge @!p1 [sflag:s6], $0x4000  }
0x63: {  	[sflag:s6] =	ssyncset.done @!p1 $0x0  }
0x64: {  	s7 =	simm.s32 @!p1 $0x2800;
	[sflag:s6] =	ssyncadd.s32 @!p1 $0xFFFFC000;
	s6 =	simm.s32 @!p1 $0x80  }
0x65: {  	[tilespmem:s7], [sflag:$0x1] =	stream.indirect.gather @!p1 [hbm4b:s2+s6], $0x80, s30, s6, $0xb8;
	[tilespmem:$0x12800] =	vst v63  }
0x66: {  	s7 =	simm.s32 @!p1 $0x6800  }
0x67: {  	[tilespmem:s7], [sflag:$0x1] =	stream.indirect.gather @!p1 [hbm4b:s4+s6], $0x80, s29, s6, $0xb8;
	[tilespmem:$0x12800] =	vst v63  }
0x68: {  	_ =	swait.ge [sflag:s23], $0x4000  }
0x69: {  	[sflag:s23] =	ssyncset.done $0x0  }
0x6a: {  	[sflag:s23] =	ssyncadd.s32 $0xFFFFC000  }
0x6b: {  	_ =	swait.ge [sflag:s23], $0x4000  }
0x6c: {  	[sflag:s23] =	ssyncset.done $0x0  }
0x6d: {  	s0 =	sadd.s32 $0x800, s0;
	p1 =	sge.u32 s20, s11;
	[sflag:s23] =	ssyncadd.s32 $0xFFFFC000  }
0x6e: {  	[hbm4b:s0+s3] =	stream.linear.scatter [tilespmem:s19], [sflag:$0x4], $0x4000, $0x38;
	[tilespmem:$0x12800] =	vst v63  }
0x6f: {  	s31 =	sadd.s32 $0x800, s1;
	s0 =	simm.s32 @!p1 $0x4  }
0x70: {  	[hbm4b:s31+s3] =	stream.linear.scatter [tilespmem:s21], [sflag:$0x4], $0x4000, $0x38;
	[tilespmem:$0x12800] =	vst v63  }
0x71: {  	_ =	swait.ge @!p1 [sflag:s0], $0x4000  }
0x72: {  	[sflag:s0] =	ssyncset.done @!p1 $0x0  }
0x73: {  	[sflag:s0] =	ssyncadd.s32 @!p1 $0xFFFFC000  }
0x74: {  	_ =	swait.ge @!p1 [sflag:s0], $0x4000  }
0x75: {  	s1 =	simm.s32 @!p1 $0x1380;
	[sflag:s0] =	ssyncset.done @!p1 $0x0  }
0x76: {  	s6 =	simm.s32 @!p1 $0xA800;
	[sflag:s0] =	ssyncadd.s32 @!p1 $0xFFFFC000;
	s0 =	simm.s32 @!p1 $0x80  }
0x77: {  	[tilespmem:s6], [sflag:$0x2] =	stream.indirect.gather @!p1 [hbm4b:s2+s0], $0x80, s1, s0, $0xb8;
	[tilespmem:$0x12800] =	vst v63  }
0x78: {  	s1 =	simm.s32 @!p1 $0x2780;
	s6 =	simm.s32 @!p1 $0xE800  }
0x79: {  	[tilespmem:s6], [sflag:$0x2] =	stream.indirect.gather @!p1 [hbm4b:s4+s0], $0x80, s1, s0, $0xb8;
	[tilespmem:$0x12800] =	vst v63  }
0x7a: {  	_ =	swait.ge [sflag:s24], $0x4000  }
0x7b: {  	[sflag:s24] =	ssyncset.done $0x0  }
0x7c: {  	[sflag:s24] =	ssyncadd.s32 $0xFFFFC000  }
0x7d: {  	_ =	swait.ge [sflag:s24], $0x4000  }
0x7e: {  	[sflag:s24] =	ssyncset.done $0x0  }
0x7f: {  	s26 =	sadd.s32 $0x1, s26;
	[sflag:s24] =	ssyncadd.s32 $0xFFFFC000  }
0x80: {  	p1 =	sne.s32 s26, s10;
	_ =	swait.ge [sflag:s25], $0x4000  }
.Ltmp1:
0x81: {  	[sflag:s25] =	ssyncset.done $0x0;
	(pc) =	sbr.rel @p1 .LBB2_1-.Ltmp1, $4  }
0x82: {  	[sflag:s25] =	ssyncadd.s32 $0xFFFFC000  }
0x83: {  	_ =	swait.ge [sflag:s25], $0x4000  }
0x84: {  	[sflag:s25] =	ssyncset.done $0x0  }
0x85: {  	[sflag:s25] =	ssyncadd.s32 $0xFFFFC000  }
0x86: {  	_ =	sfence.sel $0x180000  }
0x87: {  	[bflag:$0x0] =	sbarrier.arrive $0xFFFF  }
0x88: {  	_ =	strace $0x9000004A  }
0x89: {  	s0 =	stileid.u32;
	[bflag:$0x2] =	sbarrier.arrive $0xFFFF  }
0x8a: {  	p0 =	sne.s32 s0, $0x0;
	s0 =	rddreg [dreg:$0x2]  }
0x8b: {  	s0 =	sadd.s32 @!p0 $0x100000, s0  }
0x8c: {  	[sflag:s0] =	ssyncadd.tile.s32 @!p0 $0x1;
	_ =	shalt  }
.Lfunc_end2:
_tile_overlayer_lowered:
.L_overlay_start_2:
0x8d: {  	(tag) =	ssettag $0x2  }
0x8e: {  	s0 =	rddreg [dreg:$0x0];
	s2 =	stileid.u32  }
0x8f: {  	s1 =	rddreg [dreg:$0x1];
	p0 =	sne.s32 s2, $0x0  }
0x90: {  	s3 =	rddreg [dreg:$0x2];
	[bflag:$0x3] =	sbarrier.arrive $0xFFFF;
	s2 =	simm.s32 @!p0 $0x1C05  }
0x91: {  	[timem:s3], [sflag:s2] =	dma.local @!p0 [hbm:s0], s1  }
0x92: {  	s0 =	simm.s32 @!p0 $0x5  }
0x93: {  	_ =	swait.ge @!p0 [sflag:s0], s1  }
0x94: {  	s1 =	ssub.s32 @!p0 $0x0, s1;
	[sflag:s0] =	ssyncset.done @!p0 $0x0  }
0x95: {  	[sflag:s0] =	ssyncadd.s32 @!p0 s1  }
0x96: {  	[bflag:$0x3] =	sbarrier.arrive $0xFFFF  }
0x97: {  	_ =	shalt  }

// kernel: kernel.13.cloned.1.call-start
scs
__scs_entry_jumppad:
0x0: {  	(pc) =	sbr.rel $0x88, $3  }
0x1: {  	(tag) =	ssettag $0x0;
	lr =	simm.s32 $0x1  }
0x2: {  	[smem:$0x3F96] =	sst lr;
	_ =	strace $0xD0000000  }
0x3: {  	_ = 	snop  }
0x4: {  	_ = 	snop  }
0x5: {  	_ = 	snop  }
0x6: {  	_ = 	snop  }
0x7: {  	_ = 	snop  }
__scs_overlays_trampoline_lowered:
0x8: {  	[smem:$0x3FA5] =	sst s0  }
0x9: {  	[smem:$0x3FA6] =	sst s1  }
0xa: {  	[smem:$0x3FA7] =	sst s2  }
0xb: {  	[smem:$0x3FA8] =	sst s3  }
0xc: {  	[smem:$0x3FA9] =	sst s4  }
0xd: {  	[smem:$0x3FAA] =	sst s5  }
0xe: {  	[smem:$0x3FAB] =	sst s6  }
0xf: {  	[smem:$0x3FAC] =	sst s7  }
0x10: {  	[smem:$0x3FAD] =	sst s8  }
0x11: {  	[smem:$0x3FAE] =	sst s9;
	s0 =	simm.s32 @!p0 $0x0  }
0x12: {  	s1 =	sld [smem:$0x3F94];
	s0 =	simm.s32 @p0 $0x1  }
0x13: {  	[smem:$0x3FAF] =	sst s0;
	s0 =	simm.s32 @!p1 $0x0  }
0x14: {  	s2 =	sld [smem:$0x3F93];
	s0 =	simm.s32 @p1 $0x1  }
0x15: {  	[smem:$0x3FB0] =	sst s0;
	s0 =	simm.s32 @!p2 $0x0  }
0x16: {  	s3 =	sld [smem:$0x3FDB];
	s0 =	simm.s32 @p2 $0x1  }
0x17: {  	s4 =	simm.s32 $0x1BF5;
	[smem:$0x3FB2] =	sst s0  }
0x18: {  	s0 =	sld [smem:$0x3F95];
	_ =	swait.ge [sflag:s4], $0x0  }
0x19: {  	s7 =	sld [smem:$0x3F96]  }
0x1a: {  	s8 =	sadd.s32 $0xFFFFE003, lr  }
0x1b: {  	s9 =	sadd.s32 $0xFFFFFEF7, lr;
	s5 =	simm.s32 $0xFFFFFFFF;
	p2 =	slt.u32 s8, $0xFFFFF086  }
0x1c: {  	p1 =	slt.u32 s9, $0xF7A;
	s5 =	simm.s32 @!p2 $0x0  }
0x1d: {  	s5 =	simm.s32 @p1 $0x1;
	p0 =	seq.s32 s7, s2  }
0x1e: {  	s7 =	smul.u32 @!p0 $0xF7A, s2;
	p2 =	seq.s32 @!p0 s5, $0x0  }
0x1f: {  	s9 =	smul.u32 $0xF7A, s1;
	s8 =	simm.s32 @!p0 $0x1BF5;
	p2 =	por !p2, p0  }
0x20: {  	[sflag:s8] =	ssyncset.s32 @!p0 $0xFFFFF086;
	s6 =	sadd.s32 @!p0 s3, s7;
	s7 =	simm.s32 @!p0 $0x108  }
0x21: {  	s3 =	sadd.s32 s3, s9;
	s6 =	sadd.s32 @!p0 $0x88, s6;
	s7 =	simm.s32 @p2 $0x1082  }
0x22: {  	[simem:s7], [sflag:s8] =	dma.local @!p0 [hbm:s6], $0xF7A  }
0x23: {  	s9 =	sor.u32 $0xD0000000, s2;
	s6 =	simm.s32 $0x108;
	_ =	swait.ge @!p0 [sflag:s8], $0x0  }
0x24: {  	s3 =	sadd.s32 $0x88, s3;
	s6 =	simm.s32 @!p1 $0x1082;
	[sflag:s4] =	ssyncset.s32 $0xFFFFF086  }
0x25: {  	[simem:s6], [sflag:s4] =	dma.local [hbm:s3], $0xF7A  }
0x26: {  	[smem:$0x3F96] =	sst s1;
	(tag) =	ssettag s2;
	_ =	strace s9  }
0x27: {  	s1 =	sld [smem:$0x3FA6]  }
0x28: {  	s2 =	sld [smem:$0x3FA7]  }
0x29: {  	s4 =	sld [smem:$0x3FA9]  }
0x2a: {  	p0 =	seq.s32 s5, $0x0;
	s5 =	sld [smem:$0x3FAA]  }
0x2b: {  	s6 =	sld [smem:$0x3FAB]  }
0x2c: {  	s7 =	sld [smem:$0x3FAC]  }
0x2d: {  	s3 =	simm.s32 $0x108;
	s8 =	sld [smem:$0x3FAD]  }
0x2e: {  	s3 =	simm.s32 @!p0 $0x1082;
	s9 =	sld [smem:$0x3FAE]  }
0x2f: {  	lr =	sadd.s32 s0, s3;
	s0 =	sld [smem:$0x3FA5]  }
0x30: {  	s3 =	sld [smem:$0x3FA8]  }
0x31: {  	[smem:$0x3FB1] =	sst s10  }
0x32: {  	s10 =	sld [smem:$0x3FAF];
	_ =	sdelay $0x3  }
0x33: {  	p0 =	seq.s32 s10, $0x1;
	s10 =	sld [smem:$0x3FB1];
	_ =	sdelay $0x3  }
0x34: {  	[smem:$0x3FB1] =	sst s10  }
0x35: {  	s10 =	sld [smem:$0x3FB0];
	_ =	sdelay $0x3  }
0x36: {  	p1 =	seq.s32 s10, $0x1;
	s10 =	sld [smem:$0x3FB1];
	_ =	sdelay $0x3  }
0x37: {  	[smem:$0x3FB1] =	sst s10  }
0x38: {  	s10 =	sld [smem:$0x3FB2]  }
0x39: {  	_ = 	snop;
	(pc) =	sbr.ind lr, $3  }
0x3a: {  	_ = 	snop  }
0x3b: {  	_ = 	snop  }
0x3c: {  	p2 =	seq.s32 s10, $0x1;
	s10 =	sld [smem:$0x3FB1]  }
0x3d: {  	_ =	shalt  }
0x3e: {  	_ =	shalt  }
0x3f: {  	_ =	shalt  }
0x40: {  	_ =	shalt  }
0x41: {  	_ =	shalt  }
0x42: {  	_ =	shalt  }
0x43: {  	_ =	shalt  }
0x44: {  	_ =	shalt  }
0x45: {  	_ =	shalt  }
0x46: {  	_ =	shalt  }
0x47: {  	_ =	shalt  }
0x48: {  	_ =	shalt  }
0x49: {  	_ =	shalt  }
0x4a: {  	_ =	shalt  }
0x4b: {  	_ =	shalt  }
0x4c: {  	_ =	shalt  }
0x4d: {  	_ =	shalt  }
0x4e: {  	_ =	shalt  }
0x4f: {  	_ =	shalt  }
0x50: {  	_ =	shalt  }
0x51: {  	_ =	shalt  }
0x52: {  	_ =	shalt  }
0x53: {  	_ =	shalt  }
0x54: {  	_ =	shalt  }
0x55: {  	_ =	shalt  }
0x56: {  	_ =	shalt  }
0x57: {  	_ =	shalt  }
0x58: {  	_ =	shalt  }
0x59: {  	_ =	shalt  }
0x5a: {  	_ =	shalt  }
0x5b: {  	_ =	shalt  }
0x5c: {  	_ =	shalt  }
0x5d: {  	_ =	shalt  }
0x5e: {  	_ =	shalt  }
0x5f: {  	_ =	shalt  }
0x60: {  	_ =	shalt  }
0x61: {  	_ =	shalt  }
0x62: {  	_ =	shalt  }
0x63: {  	_ =	shalt  }
0x64: {  	_ =	shalt  }
0x65: {  	_ =	shalt  }
0x66: {  	_ =	shalt  }
0x67: {  	_ =	shalt  }
0x68: {  	_ =	shalt  }
0x69: {  	_ =	shalt  }
0x6a: {  	_ =	shalt  }
0x6b: {  	_ =	shalt  }
0x6c: {  	_ =	shalt  }
0x6d: {  	_ =	shalt  }
0x6e: {  	_ =	shalt  }
0x6f: {  	_ =	shalt  }
0x70: {  	_ =	shalt  }
0x71: {  	_ =	shalt  }
0x72: {  	_ =	shalt  }
0x73: {  	_ =	shalt  }
0x74: {  	_ =	shalt  }
0x75: {  	_ =	shalt  }
0x76: {  	_ =	shalt  }
0x77: {  	_ =	shalt  }
0x78: {  	_ =	shalt  }
0x79: {  	_ =	shalt  }
0x7a: {  	_ =	shalt  }
0x7b: {  	_ =	shalt  }
0x7c: {  	_ =	shalt  }
0x7d: {  	_ =	shalt  }
0x7e: {  	_ =	shalt  }
0x7f: {  	_ =	shalt  }
0x80: {  	_ =	shalt  }
0x81: {  	_ =	shalt  }
0x82: {  	_ =	shalt  }
0x83: {  	_ =	shalt  }
0x84: {  	_ =	shalt  }
0x85: {  	_ =	shalt  }
0x86: {  	_ =	shalt  }
0x87: {  	_ =	shalt  }
.Lfunc_end0:
.L_simem_size_0:
called_computation.1_lowered:
.L_overlay_start_0:
0x88: {  	s2 =	sld [smem:$0x3FD9]  }
0x89: {  	s3 =	sld [smem:$0x3FFE];
	_ =	sdelay $0x1  }
0x8a: {  	s1 =	srdreg.scid  }
0x8b: {  	s0 =	sand.u32 $0x1, s1  }
0x8c: {  	s14 =	sshll.u32 s0, $0xA;
	s2 =	sadd.s32 s3, s2  }
0x8d: {  	s2 =	sadd.s32 s2, s14  }
0x8e: {  	[smem:$0x3FBD] =	sst s2  }
0x8f: {  	_ = 	snop  }
0x90: {  	s2 =	sld [smem:$0x3FD0];
	_ =	sdelay $0x2  }
0x91: {  	s15 =	simm.s32 $0xB;
	s4 =	simm.s32 $0x10  }
0x92: {  	[smem:s4], [sflag:s15] =	dma.local [hbm:s2], $0x1  }
0x93: {  	_ =	swait.eq [sflag:s15], $0x1  }
0x94: {  	[sflag:s15] =	ssyncset.done $0x0  }
0x95: {  	[sflag:s15] =	ssyncadd.s32 $0xFFFFFFFF  }
0x96: {  	s16 =	sld [smem:$0x10];
	(tm) =	ssettm $0x1  }
0x97: {  	s17 =	sld [smem:$0x3FFB];
	_ =	sdelay $0x3  }
0x98: {  	_ =	strace s17  }
0x99: {  	s3 =	sld [smem:$0x3FFC];
	_ =	sdelay $0x3  }
0x9a: {  	_ =	strace s3  }
0x9b: {  	s3 =	sld [smem:$0x3FFD];
	_ =	sdelay $0x3  }
0x9c: {  	_ =	strace s3  }
0x9d: {  	_ =	strace $0x8FFFFFFF  }
0x9e: {  	s18 =	sld [smem:$0x3FDB];
	_ =	sdelay $0x1  }
0x9f: {  	s19 =	simm.s32 $_scs_section_size  }
0xa0: {  	s5 =	simm.s32 $_size__tile_overlayer_lowered;
	s6 =	simm.s32 $_tile_overlayer_lowered  }
0xa1: {  	s22 =	simm.s32 $0x1BFF;
	s21 =	sshll.u32 s6, $0x1;
	s3 =	sadd.s32 s19, s18  }
0xa2: {  	s7 =	simm.s32 $0x0;
	s20 =	sshll.u32 s5, $0x1;
	s5 =	sadd.s32 s21, s3  }
0xa3: {  	[timem:s7], [sflag:s22] =	dma.local [hbm:s5], s20  }
0xa4: {  	_ =	swait.ge [sflag:s22], s20  }
0xa5: {  	s4 =	ssub.s32 $0x0, s20;
	[sflag:s22] =	ssyncset.done $0x0  }
0xa6: {  	[sflag:s22] =	ssyncadd.s32 s4;
	_ =	sdelay $0x1  }
0xa7: {  	s23 =	simm.s32 $0x1B8B  }
0xa8: {  	_ =	swait.ge [sflag:s23], $0x1  }
0xa9: {  	[sflag:s23] =	ssyncset.done $0x0  }
0xaa: {  	s25 =	simm.s32 $0x1B8E;
	s24 =	sld [smem:$0x3FFE];
	[sflag:s23] =	ssyncadd.s32 $0xFFFFFFFF  }
0xab: {  	s26 =	simm.s32 $execute0_lowered;
	[smem:$0x3FD2] =	sst s25  }
0xac: {  	s5 =	sshll.u32 s26, $0x1;
	_ =	strace $0x80000046;
	[dreg:$0x1] =	wrdreg $0xFFFFFFFF  }
0xad: {  	s28 =	simm.s32 $_size_execute0_lowered;
	s3 =	sadd.s32 s3, s5;
	[dreg:$0x0] =	wrdreg $0x0  }
0xae: {  	s5 =	sshll.u32 s28, $0x1;
	[dreg:$0x2] =	wrdreg s3  }
0xaf: {  	[dreg:$0x3] =	wrdreg s5  }
0xb0: {  	[dreg:$0x4] =	wrdreg $0xC0  }
0xb1: {  	_ =	task [dreg:s7], $0x5FFFF  }
0xb2: {  	[dreg:$0x1] =	wrdreg $0xFFFFFFFF  }
0xb3: {  	[dreg:$0x0] =	wrdreg $0x60  }
0xb4: {  	[dreg:$0x2] =	wrdreg s16  }
0xb5: {  	[dreg:$0x3] =	wrdreg s24  }
0xb6: {  	[dreg:$0x4] =	wrdreg $0xA  }
0xb7: {  	_ =	task.clear_ibuf [dreg:s7], $0x5FFFF;
	_ =	strace $0x90000046  }
0xb8: {  	s29 =	simm.s32 $0xA;
	_ =	strace $0x80000048  }
0xb9: {  	_ =	swait.ge [sflag:s29], $0x1  }
0xba: {  	[sflag:s29] =	ssyncadd.s32 $0xFFFFFFFF  }
0xbb: {  	_ =	strace $0x90000048  }
0xbc: {  	_ =	sfence  }
0xbd: {  	s30 =	sld [smem:$0x0];
	_ =	sdelay $0x2  }
0xbe: {  	s31 =	sshll.u32 s1, $0xD;
	s1 =	sshrl.u32 s1, $0x2  }
0xbf: {  	s3 =	sand.u32 $0x4000, s31;
	s1 =	sadd.s32 s1, s30  }
0xc0: {  	s0 =	sor.u32 s3, s0;
	s1 =	sshll.u32 s1, $0x11  }
0xc1: {  	s0 =	sor.u32 s1, s0  }
0xc2: {  	s0 =	sadd.s32 $0x8F2B, s0  }
0xc3: {  	[sflag:s0] =	ssyncadd.remote.s32 $0x1  }
0xc4: {  	_ =	sfence.sel $0xFFFF  }
0xc5: {  	[dreg:$0x0] =	wrdreg $0xFFFFFFFF;
	(pc) =	sbr.abs _section_cstart, $3  }
0xc6: {  	[dreg:$0x1] =	wrdreg $0xFFFFFFFF  }
0xc7: {  	_ =	task.clear_ibuf [dreg:s7], $0x2FFFF;
	_ =	strace $0x9FFFFFFF  }
0xc8: {  	(tm) =	ssettm $0x7FFFFFFF  }
0xc9: {  	_ =	shalt  }
tec
execute0_lowered:
.L_overlay_start_1:
0x0: {  	(tag) =	ssettag $0x1  }
0x1: {  	s2 =	rddreg [dreg:$0x0];
	s1 =	srdreg.scid  }
0x2: {  	s0 =	stileid.u32;
	s5 =	rddreg [dreg:$0x1]  }
0x3: {  	s3 =	simm.s32 $0x0;
	s16 =	simm.s32 $0x80;
	s17 =	simm.s32 $0x2800  }
0x4: {  	s18 =	simm.s32 $0x6800;
	s19 =	simm.s32 $0xA800;
	s21 =	simm.s32 $0xE800  }
0x5: {  	s22 =	simm.s32 $0x1;
	s6 =	sand.u32 $0x1, s1;
	s4 =	sshll.u32 s0, $0x1  }
0x6: {  	s23 =	simm.s32 $0x2;
	s24 =	simm.s32 $0x3;
	s14 =	sor.u32 s6, s4  }
0x7: {  	s25 =	simm.s32 $0x4;
	[smem:$0x7FF] =	sst s3;
	s7 =	smul.u32 $0x26, s14  }
0x8: {  	s9 =	sadd.s32 $0xDE00, s5;
	s10 =	sadd.s32 $0x4000, s5;
	s8 =	smul.u32 $0x28, s14  }
0x9: {  	_ =	strace $0x80000047;
	p0 =	slt.u32 s14, $0x11;
	s7 =	sadd.s32 $0x22, s7  }
0xa: {  	s4 =	sadd.s32 $0x17C00, s5;
	s6 =	ssub.s32 $0x2, s6;
	s7 =	smov.u32 @p0 s8  }
0xb: {  	s26 =	sshrl.u32 s6, $0x1;
	s8 =	sshll.u32 s7, $0xB;
	s7 =	sshll.u32 s7, $0x4  }
0xc: {  	s11 =	ssub.s32 s6, s26;
	s26 =	simm.s32 $0x0;
	s7 =	sand.u32 $0x1FFFFFE0, s7  }
0xd: {  	s13 =	sadd.s32 s8, s5;
	s5 =	simm.s32 $0x28;
	s28 =	sadd.s32 $0x4E20, s7  }
0xe: {  	s5 =	simm.s32 @!p0 $0x26;
	s12 =	sadd.s32 $0x5080, s7;
	p0 =	sgt.u32 s14, $0x10  }
0xf: {  	s14 =	simm.s32 $0x5;
	s29 =	sadd.s32 s9, s28;
	s30 =	sadd.s32 s10, s28  }
0x10: {  	s8 =	sadd.s32 s9, s12;
	s15 =	sshll.u32 s5, $0xB;
	s9 =	sadd.s32 s10, s12  }
0x11: {  	s10 =	smax.u32 s11, $0x1;
	s11 =	sadd.s32 $0xFFFFFFFD, s5;
	[dreg:$0x4] =	wrdreg s29  }
0x12: {  	s12 =	sadd.s32 $0x2AFE00, s13;
	[dreg:$0x5] =	wrdreg s30;
	s31 =	sadd.s32 $0xFFFFF000, s15  }
0x13: {  	s13 =	sadd.s32 $0x3EE00, s13;
	s15 =	simm.s32 $0x1400;
	[dreg:$0x3] =	wrdreg s31  }
.LBB2_1:
0x14: {  	s0 =	rddreg [dreg:$0x4]  }
0x15: {  	[tilespmem:s3], [sflag:$0x5] =	stream.linear.gather [hbm4b:s0+s3], $0x1300, $0x38;
	[tilespmem:$0x12800] =	vst v63  }
0x16: {  	_ =	swait.ge [sflag:s14], $0x1300  }
0x17: {  	[sflag:s14] =	ssyncset.done $0x0  }
0x18: {  	s20 =	rddreg [dreg:$0x5];
	[sflag:s14] =	ssyncadd.s32 $0xFFFFED00  }
0x19: {  	[tilespmem:s15], [sflag:$0x5] =	stream.linear.gather [hbm4b:s20+s3], $0x1300, $0x38;
	[tilespmem:$0x12800] =	vst v63  }
0x1a: {  	_ =	swait.ge [sflag:s14], $0x1300  }
0x1b: {  	[sflag:s14] =	ssyncset.done $0x0  }
0x1c: {  	s28 =	simm.s32 @!p0 $0x0;
	s29 =	simm.s32 @!p0 $0x1300;
	[sflag:s14] =	ssyncadd.s32 $0xFFFFED00  }
0x1d: {  	[tilespmem:s29], [sflag:$0x5] =	stream.linear.gather @!p0 [hbm4b:s8+s28], $0x100, $0x38;
	[tilespmem:$0x12800] =	vst v63  }
0x1e: {  	s29 =	simm.s32 @!p0 $0x5  }
0x1f: {  	_ =	swait.ge @!p0 [sflag:s29], $0x100  }
0x20: {  	[sflag:s29] =	ssyncset.done @!p0 $0x0  }
0x21: {  	s30 =	simm.s32 @!p0 $0x2700;
	[sflag:s29] =	ssyncadd.s32 @!p0 $0xFFFFFF00  }
0x22: {  	[tilespmem:s30], [sflag:$0x5] =	stream.linear.gather @!p0 [hbm4b:s9+s28], $0x100, $0x38;
	[tilespmem:$0x12800] =	vst v63  }
0x23: {  	_ =	swait.ge @!p0 [sflag:s29], $0x100  }
0x24: {  	[sflag:s29] =	ssyncset.done @!p0 $0x0  }
0x25: {  	[sflag:s29] =	ssyncadd.s32 @!p0 $0xFFFFFF00  }
0x26: {  	[tilespmem:s17], [sflag:$0x1] =	stream.indirect.gather [hbm4b:s2+s16], $0x80, s3, s16, $0xb8;
	[tilespmem:$0x12800] =	vst v63  }
0x27: {  	_ = 	snop  }
0x28: {  	[tilespmem:s18], [sflag:$0x1] =	stream.indirect.gather [hbm4b:s4+s16], $0x80, s15, s16, $0xb8;
	[tilespmem:$0x12800] =	vst v63  }
0x29: {  	s31 =	simm.s32 $0x0;
	s20 =	simm.s32 $0x0  }
0x2a: {  	[tilespmem:s19], [sflag:$0x2] =	stream.indirect.gather [hbm4b:s2+s16], $0x80, s16, s16, $0xb8;
	[tilespmem:$0x12800] =	vst v63  }
0x2b: {  	s28 =	simm.s32 $0x1480;
	s30 =	simm.s32 $0x100;
	s29 =	simm.s32 $0x1500  }
0x2c: {  	[tilespmem:s21], [sflag:$0x2] =	stream.indirect.gather [hbm4b:s4+s16], $0x80, s28, s16, $0xb8;
	[tilespmem:$0x12800] =	vst v63  }
.LBB2_2:
0x2d: {  	_ =	swait.ge [sflag:s22], $0x4000  }
0x2e: {  	[sflag:s22] =	ssyncset.done $0x0  }
0x2f: {  	[sflag:s22] =	ssyncadd.s32 $0xFFFFC000  }
0x30: {  	_ =	swait.ge [sflag:s22], $0x4000  }
0x31: {  	s28 =	smov.u32 s20;
	s20 =	sadd.s32 $0x2, s20;
	[sflag:s22] =	ssyncset.done $0x0  }
0x32: {  	s1 =	sadd.s32 s31, s13;
	p1 =	sge.u32 s20, s5;
	[sflag:s22] =	ssyncadd.s32 $0xFFFFC000  }
0x33: {  	[hbm4b:s1+s3] =	stream.linear.scatter [tilespmem:s17], [sflag:$0x3], $0x4000, $0x38;
	[tilespmem:$0x12800] =	vst v63  }
0x34: {  	s0 =	sadd.s32 s31, s12;
	s6 =	simm.s32 @!p1 $0x3  }
0x35: {  	[hbm4b:s0+s3] =	stream.linear.scatter [tilespmem:s18], [sflag:$0x3], $0x4000, $0x38;
	[tilespmem:$0x12800] =	vst v63  }
0x36: {  	_ =	swait.ge @!p1 [sflag:s6], $0x4000  }
0x37: {  	[sflag:s6] =	ssyncset.done @!p1 $0x0  }
0x38: {  	[sflag:s6] =	ssyncadd.s32 @!p1 $0xFFFFC000  }
0x39: {  	_ =	swait.ge @!p1 [sflag:s6], $0x4000  }
0x3a: {  	[sflag:s6] =	ssyncset.done @!p1 $0x0  }
0x3b: {  	s7 =	simm.s32 @!p1 $0x2800;
	[sflag:s6] =	ssyncadd.s32 @!p1 $0xFFFFC000;
	s6 =	simm.s32 @!p1 $0x80  }
0x3c: {  	[tilespmem:s7], [sflag:$0x1] =	stream.indirect.gather @!p1 [hbm4b:s2+s6], $0x80, s30, s6, $0xb8;
	[tilespmem:$0x12800] =	vst v63  }
0x3d: {  	s7 =	simm.s32 @!p1 $0x6800  }
0x3e: {  	[tilespmem:s7], [sflag:$0x1] =	stream.indirect.gather @!p1 [hbm4b:s4+s6], $0x80, s29, s6, $0xb8;
	[tilespmem:$0x12800] =	vst v63  }
0x3f: {  	_ =	swait.ge [sflag:s23], $0x4000  }
0x40: {  	[sflag:s23] =	ssyncset.done $0x0  }
0x41: {  	[sflag:s23] =	ssyncadd.s32 $0xFFFFC000  }
0x42: {  	_ =	swait.ge [sflag:s23], $0x4000  }
0x43: {  	[sflag:s23] =	ssyncset.done $0x0  }
0x44: {  	s1 =	sadd.s32 $0x800, s1;
	s7 =	sadd.s32 $0x3, s28;
	[sflag:s23] =	ssyncadd.s32 $0xFFFFC000  }
0x45: {  	[hbm4b:s1+s3] =	stream.linear.scatter [tilespmem:s19], [sflag:$0x4], $0x4000, $0x38;
	[tilespmem:$0x12800] =	vst v63  }
0x46: {  	s0 =	sadd.s32 $0x800, s0;
	p1 =	sge.u32 s7, s5  }
0x47: {  	[hbm4b:s0+s3] =	stream.linear.scatter [tilespmem:s21], [sflag:$0x4], $0x4000, $0x38;
	[tilespmem:$0x12800] =	vst v63  }
0x48: {  	s0 =	simm.s32 @!p1 $0x4  }
0x49: {  	_ =	swait.ge @!p1 [sflag:s0], $0x4000  }
0x4a: {  	[sflag:s0] =	ssyncset.done @!p1 $0x0  }
0x4b: {  	[sflag:s0] =	ssyncadd.s32 @!p1 $0xFFFFC000  }
0x4c: {  	_ =	swait.ge @!p1 [sflag:s0], $0x4000  }
0x4d: {  	s31 =	sadd.s32 $0x1000, s31;
	s6 =	simm.s32 @!p1 $0xA800;
	[sflag:s0] =	ssyncset.done @!p1 $0x0  }
0x4e: {  	s1 =	simm.s32 @!p1 $0x80;
	[sflag:s0] =	ssyncadd.s32 @!p1 $0xFFFFC000;
	s0 =	sadd.s32 @!p1 $0x80, s30  }
0x4f: {  	[tilespmem:s6], [sflag:$0x2] =	stream.indirect.gather @!p1 [hbm4b:s2+s1], $0x80, s0, s1, $0xb8;
	[tilespmem:$0x12800] =	vst v63  }
0x50: {  	s28 =	rddreg [dreg:$0x3];
	s0 =	sadd.s32 @!p1 $0x80, s29;
	s6 =	simm.s32 @!p1 $0xE800  }
0x51: {  	[tilespmem:s6], [sflag:$0x2] =	stream.indirect.gather @!p1 [hbm4b:s4+s1], $0x80, s0, s1, $0xb8;
	[tilespmem:$0x12800] =	vst v63  }
0x52: {  	p1 =	sne.s32 s28, s31  }
.Ltmp0:
0x53: {  	_ = 	snop;
	(pc) =	sbr.rel @p1 .LBB2_2-.Ltmp0, $2  }
0x54: {  	_ =	sdelay $0x2  }
0x55: {  	s30 =	sadd.s32 $0x100, s30;
	s29 =	sadd.s32 $0x100, s29  }
0x56: {  	_ =	swait.ge [sflag:s22], $0x4000  }
0x57: {  	[sflag:s22] =	ssyncset.done $0x0  }
0x58: {  	[sflag:s22] =	ssyncadd.s32 $0xFFFFC000  }
0x59: {  	_ =	swait.ge [sflag:s22], $0x4000  }
0x5a: {  	s6 =	sadd.s32 $0x2, s20;
	[sflag:s22] =	ssyncset.done $0x0  }
0x5b: {  	s0 =	sadd.s32 s31, s13;
	p1 =	sge.u32 s6, s5;
	[sflag:s22] =	ssyncadd.s32 $0xFFFFC000  }
0x5c: {  	[hbm4b:s0+s3] =	stream.linear.scatter [tilespmem:s17], [sflag:$0x3], $0x4000, $0x38;
	[tilespmem:$0x12800] =	vst v63  }
0x5d: {  	s1 =	sadd.s32 s31, s12;
	s6 =	simm.s32 @!p1 $0x3  }
0x5e: {  	[hbm4b:s1+s3] =	stream.linear.scatter [tilespmem:s18], [sflag:$0x3], $0x4000, $0x38;
	[tilespmem:$0x12800] =	vst v63  }
0x5f: {  	_ =	swait.ge @!p1 [sflag:s6], $0x4000  }
0x60: {  	[sflag:s6] =	ssyncset.done @!p1 $0x0  }
0x61: {  	[sflag:s6] =	ssyncadd.s32 @!p1 $0xFFFFC000  }
0x62: {  	_ =	swait.ge @!p1 [sflag:s6], $0x4000  }
0x63: {  	[sflag:s6] =	ssyncset.done @!p1 $0x0  }
0x64: {  	s7 =	simm.s32 @!p1 $0x2800;
	[sflag:s6] =	ssyncadd.s32 @!p1 $0xFFFFC000;
	s6 =	simm.s32 @!p1 $0x80  }
0x65: {  	[tilespmem:s7], [sflag:$0x1] =	stream.indirect.gather @!p1 [hbm4b:s2+s6], $0x80, s30, s6, $0xb8;
	[tilespmem:$0x12800] =	vst v63  }
0x66: {  	s7 =	simm.s32 @!p1 $0x6800  }
0x67: {  	[tilespmem:s7], [sflag:$0x1] =	stream.indirect.gather @!p1 [hbm4b:s4+s6], $0x80, s29, s6, $0xb8;
	[tilespmem:$0x12800] =	vst v63  }
0x68: {  	_ =	swait.ge [sflag:s23], $0x4000  }
0x69: {  	[sflag:s23] =	ssyncset.done $0x0  }
0x6a: {  	[sflag:s23] =	ssyncadd.s32 $0xFFFFC000  }
0x6b: {  	_ =	swait.ge [sflag:s23], $0x4000  }
0x6c: {  	[sflag:s23] =	ssyncset.done $0x0  }
0x6d: {  	s0 =	sadd.s32 $0x800, s0;
	p1 =	sge.u32 s20, s11;
	[sflag:s23] =	ssyncadd.s32 $0xFFFFC000  }
0x6e: {  	[hbm4b:s0+s3] =	stream.linear.scatter [tilespmem:s19], [sflag:$0x4], $0x4000, $0x38;
	[tilespmem:$0x12800] =	vst v63  }
0x6f: {  	s31 =	sadd.s32 $0x800, s1;
	s0 =	simm.s32 @!p1 $0x4  }
0x70: {  	[hbm4b:s31+s3] =	stream.linear.scatter [tilespmem:s21], [sflag:$0x4], $0x4000, $0x38;
	[tilespmem:$0x12800] =	vst v63  }
0x71: {  	_ =	swait.ge @!p1 [sflag:s0], $0x4000  }
0x72: {  	[sflag:s0] =	ssyncset.done @!p1 $0x0  }
0x73: {  	[sflag:s0] =	ssyncadd.s32 @!p1 $0xFFFFC000  }
0x74: {  	_ =	swait.ge @!p1 [sflag:s0], $0x4000  }
0x75: {  	s1 =	simm.s32 @!p1 $0x1380;
	[sflag:s0] =	ssyncset.done @!p1 $0x0  }
0x76: {  	s6 =	simm.s32 @!p1 $0xA800;
	[sflag:s0] =	ssyncadd.s32 @!p1 $0xFFFFC000;
	s0 =	simm.s32 @!p1 $0x80  }
0x77: {  	[tilespmem:s6], [sflag:$0x2] =	stream.indirect.gather @!p1 [hbm4b:s2+s0], $0x80, s1, s0, $0xb8;
	[tilespmem:$0x12800] =	vst v63  }
0x78: {  	s1 =	simm.s32 @!p1 $0x2780;
	s6 =	simm.s32 @!p1 $0xE800  }
0x79: {  	[tilespmem:s6], [sflag:$0x2] =	stream.indirect.gather @!p1 [hbm4b:s4+s0], $0x80, s1, s0, $0xb8;
	[tilespmem:$0x12800] =	vst v63  }
0x7a: {  	_ =	swait.ge [sflag:s24], $0x4000  }
0x7b: {  	[sflag:s24] =	ssyncset.done $0x0  }
0x7c: {  	[sflag:s24] =	ssyncadd.s32 $0xFFFFC000  }
0x7d: {  	_ =	swait.ge [sflag:s24], $0x4000  }
0x7e: {  	[sflag:s24] =	ssyncset.done $0x0  }
0x7f: {  	s26 =	sadd.s32 $0x1, s26;
	[sflag:s24] =	ssyncadd.s32 $0xFFFFC000  }
0x80: {  	p1 =	sne.s32 s26, s10;
	_ =	swait.ge [sflag:s25], $0x4000  }
.Ltmp1:
0x81: {  	[sflag:s25] =	ssyncset.done $0x0;
	(pc) =	sbr.rel @p1 .LBB2_1-.Ltmp1, $4  }
0x82: {  	[sflag:s25] =	ssyncadd.s32 $0xFFFFC000  }
0x83: {  	_ =	swait.ge [sflag:s25], $0x4000  }
0x84: {  	[sflag:s25] =	ssyncset.done $0x0  }
0x85: {  	[sflag:s25] =	ssyncadd.s32 $0xFFFFC000  }
0x86: {  	_ =	sfence.sel $0x180000  }
0x87: {  	[bflag:$0x0] =	sbarrier.arrive $0xFFFF  }
0x88: {  	_ =	strace $0x90000047  }
0x89: {  	s0 =	stileid.u32;
	[bflag:$0x2] =	sbarrier.arrive $0xFFFF  }
0x8a: {  	p0 =	sne.s32 s0, $0x0;
	s0 =	rddreg [dreg:$0x2]  }
0x8b: {  	s0 =	sadd.s32 @!p0 $0x100000, s0  }
0x8c: {  	[sflag:s0] =	ssyncadd.tile.s32 @!p0 $0x1;
	_ =	shalt  }
.Lfunc_end2:
_tile_overlayer_lowered:
.L_overlay_start_2:
0x8d: {  	(tag) =	ssettag $0x2  }
0x8e: {  	s0 =	rddreg [dreg:$0x0];
	s2 =	stileid.u32  }
0x8f: {  	s1 =	rddreg [dreg:$0x1];
	p0 =	sne.s32 s2, $0x0  }
0x90: {  	s3 =	rddreg [dreg:$0x2];
	[bflag:$0x3] =	sbarrier.arrive $0xFFFF;
	s2 =	simm.s32 @!p0 $0x1C05  }
0x91: {  	[timem:s3], [sflag:s2] =	dma.local @!p0 [hbm:s0], s1  }
0x92: {  	s0 =	simm.s32 @!p0 $0x5  }
0x93: {  	_ =	swait.ge @!p0 [sflag:s0], s1  }
0x94: {  	s1 =	ssub.s32 @!p0 $0x0, s1;
	[sflag:s0] =	ssyncset.done @!p0 $0x0  }
0x95: {  	[sflag:s0] =	ssyncadd.s32 @!p0 s1  }
0x96: {  	[bflag:$0x3] =	sbarrier.arrive $0xFFFF  }
0x97: {  	_ =	shalt  }

// kernel: kernel.16.cloned.1.call-start
scs
__scs_entry_jumppad:
0x0: {  	(pc) =	sbr.rel $0x88, $3  }
0x1: {  	(tag) =	ssettag $0x0;
	lr =	simm.s32 $0x1  }
0x2: {  	[smem:$0x3F96] =	sst lr;
	_ =	strace $0xD0000000  }
0x3: {  	_ = 	snop  }
0x4: {  	_ = 	snop  }
0x5: {  	_ = 	snop  }
0x6: {  	_ = 	snop  }
0x7: {  	_ = 	snop  }
__scs_overlays_trampoline_lowered:
0x8: {  	[smem:$0x3FA5] =	sst s0  }
0x9: {  	[smem:$0x3FA6] =	sst s1  }
0xa: {  	[smem:$0x3FA7] =	sst s2  }
0xb: {  	[smem:$0x3FA8] =	sst s3  }
0xc: {  	[smem:$0x3FA9] =	sst s4  }
0xd: {  	[smem:$0x3FAA] =	sst s5  }
0xe: {  	[smem:$0x3FAB] =	sst s6  }
0xf: {  	[smem:$0x3FAC] =	sst s7  }
0x10: {  	[smem:$0x3FAD] =	sst s8  }
0x11: {  	[smem:$0x3FAE] =	sst s9;
	s0 =	simm.s32 @!p0 $0x0  }
0x12: {  	s1 =	sld [smem:$0x3F94];
	s0 =	simm.s32 @p0 $0x1  }
0x13: {  	[smem:$0x3FAF] =	sst s0;
	s0 =	simm.s32 @!p1 $0x0  }
0x14: {  	s2 =	sld [smem:$0x3F93];
	s0 =	simm.s32 @p1 $0x1  }
0x15: {  	[smem:$0x3FB0] =	sst s0;
	s0 =	simm.s32 @!p2 $0x0  }
0x16: {  	s3 =	sld [smem:$0x3FDB];
	s0 =	simm.s32 @p2 $0x1  }
0x17: {  	s4 =	simm.s32 $0x1BF5;
	[smem:$0x3FB2] =	sst s0  }
0x18: {  	s0 =	sld [smem:$0x3F95];
	_ =	swait.ge [sflag:s4], $0x0  }
0x19: {  	s7 =	sld [smem:$0x3F96]  }
0x1a: {  	s8 =	sadd.s32 $0xFFFFE003, lr  }
0x1b: {  	s9 =	sadd.s32 $0xFFFFFEF7, lr;
	s5 =	simm.s32 $0xFFFFFFFF;
	p2 =	slt.u32 s8, $0xFFFFF086  }
0x1c: {  	p1 =	slt.u32 s9, $0xF7A;
	s5 =	simm.s32 @!p2 $0x0  }
0x1d: {  	s5 =	simm.s32 @p1 $0x1;
	p0 =	seq.s32 s7, s2  }
0x1e: {  	s7 =	smul.u32 @!p0 $0xF7A, s2;
	p2 =	seq.s32 @!p0 s5, $0x0  }
0x1f: {  	s9 =	smul.u32 $0xF7A, s1;
	s8 =	simm.s32 @!p0 $0x1BF5;
	p2 =	por !p2, p0  }
0x20: {  	[sflag:s8] =	ssyncset.s32 @!p0 $0xFFFFF086;
	s6 =	sadd.s32 @!p0 s3, s7;
	s7 =	simm.s32 @!p0 $0x108  }
0x21: {  	s3 =	sadd.s32 s3, s9;
	s6 =	sadd.s32 @!p0 $0x88, s6;
	s7 =	simm.s32 @p2 $0x1082  }
0x22: {  	[simem:s7], [sflag:s8] =	dma.local @!p0 [hbm:s6], $0xF7A  }
0x23: {  	s9 =	sor.u32 $0xD0000000, s2;
	s6 =	simm.s32 $0x108;
	_ =	swait.ge @!p0 [sflag:s8], $0x0  }
0x24: {  	s3 =	sadd.s32 $0x88, s3;
	s6 =	simm.s32 @!p1 $0x1082;
	[sflag:s4] =	ssyncset.s32 $0xFFFFF086  }
0x25: {  	[simem:s6], [sflag:s4] =	dma.local [hbm:s3], $0xF7A  }
0x26: {  	[smem:$0x3F96] =	sst s1;
	(tag) =	ssettag s2;
	_ =	strace s9  }
0x27: {  	s1 =	sld [smem:$0x3FA6]  }
0x28: {  	s2 =	sld [smem:$0x3FA7]  }
0x29: {  	s4 =	sld [smem:$0x3FA9]  }
0x2a: {  	p0 =	seq.s32 s5, $0x0;
	s5 =	sld [smem:$0x3FAA]  }
0x2b: {  	s6 =	sld [smem:$0x3FAB]  }
0x2c: {  	s7 =	sld [smem:$0x3FAC]  }
0x2d: {  	s3 =	simm.s32 $0x108;
	s8 =	sld [smem:$0x3FAD]  }
0x2e: {  	s3 =	simm.s32 @!p0 $0x1082;
	s9 =	sld [smem:$0x3FAE]  }
0x2f: {  	lr =	sadd.s32 s0, s3;
	s0 =	sld [smem:$0x3FA5]  }
0x30: {  	s3 =	sld [smem:$0x3FA8]  }
0x31: {  	[smem:$0x3FB1] =	sst s10  }
0x32: {  	s10 =	sld [smem:$0x3FAF];
	_ =	sdelay $0x3  }
0x33: {  	p0 =	seq.s32 s10, $0x1;
	s10 =	sld [smem:$0x3FB1];
	_ =	sdelay $0x3  }
0x34: {  	[smem:$0x3FB1] =	sst s10  }
0x35: {  	s10 =	sld [smem:$0x3FB0];
	_ =	sdelay $0x3  }
0x36: {  	p1 =	seq.s32 s10, $0x1;
	s10 =	sld [smem:$0x3FB1];
	_ =	sdelay $0x3  }
0x37: {  	[smem:$0x3FB1] =	sst s10  }
0x38: {  	s10 =	sld [smem:$0x3FB2]  }
0x39: {  	_ = 	snop;
	(pc) =	sbr.ind lr, $3  }
0x3a: {  	_ = 	snop  }
0x3b: {  	_ = 	snop  }
0x3c: {  	p2 =	seq.s32 s10, $0x1;
	s10 =	sld [smem:$0x3FB1]  }
0x3d: {  	_ =	shalt  }
0x3e: {  	_ =	shalt  }
0x3f: {  	_ =	shalt  }
0x40: {  	_ =	shalt  }
0x41: {  	_ =	shalt  }
0x42: {  	_ =	shalt  }
0x43: {  	_ =	shalt  }
0x44: {  	_ =	shalt  }
0x45: {  	_ =	shalt  }
0x46: {  	_ =	shalt  }
0x47: {  	_ =	shalt  }
0x48: {  	_ =	shalt  }
0x49: {  	_ =	shalt  }
0x4a: {  	_ =	shalt  }
0x4b: {  	_ =	shalt  }
0x4c: {  	_ =	shalt  }
0x4d: {  	_ =	shalt  }
0x4e: {  	_ =	shalt  }
0x4f: {  	_ =	shalt  }
0x50: {  	_ =	shalt  }
0x51: {  	_ =	shalt  }
0x52: {  	_ =	shalt  }
0x53: {  	_ =	shalt  }
0x54: {  	_ =	shalt  }
0x55: {  	_ =	shalt  }
0x56: {  	_ =	shalt  }
0x57: {  	_ =	shalt  }
0x58: {  	_ =	shalt  }
0x59: {  	_ =	shalt  }
0x5a: {  	_ =	shalt  }
0x5b: {  	_ =	shalt  }
0x5c: {  	_ =	shalt  }
0x5d: {  	_ =	shalt  }
0x5e: {  	_ =	shalt  }
0x5f: {  	_ =	shalt  }
0x60: {  	_ =	shalt  }
0x61: {  	_ =	shalt  }
0x62: {  	_ =	shalt  }
0x63: {  	_ =	shalt  }
0x64: {  	_ =	shalt  }
0x65: {  	_ =	shalt  }
0x66: {  	_ =	shalt  }
0x67: {  	_ =	shalt  }
0x68: {  	_ =	shalt  }
0x69: {  	_ =	shalt  }
0x6a: {  	_ =	shalt  }
0x6b: {  	_ =	shalt  }
0x6c: {  	_ =	shalt  }
0x6d: {  	_ =	shalt  }
0x6e: {  	_ =	shalt  }
0x6f: {  	_ =	shalt  }
0x70: {  	_ =	shalt  }
0x71: {  	_ =	shalt  }
0x72: {  	_ =	shalt  }
0x73: {  	_ =	shalt  }
0x74: {  	_ =	shalt  }
0x75: {  	_ =	shalt  }
0x76: {  	_ =	shalt  }
0x77: {  	_ =	shalt  }
0x78: {  	_ =	shalt  }
0x79: {  	_ =	shalt  }
0x7a: {  	_ =	shalt  }
0x7b: {  	_ =	shalt  }
0x7c: {  	_ =	shalt  }
0x7d: {  	_ =	shalt  }
0x7e: {  	_ =	shalt  }
0x7f: {  	_ =	shalt  }
0x80: {  	_ =	shalt  }
0x81: {  	_ =	shalt  }
0x82: {  	_ =	shalt  }
0x83: {  	_ =	shalt  }
0x84: {  	_ =	shalt  }
0x85: {  	_ =	shalt  }
0x86: {  	_ =	shalt  }
0x87: {  	_ =	shalt  }
.Lfunc_end0:
.L_simem_size_0:
called_computation.2_lowered:
.L_overlay_start_0:
0x88: {  	s2 =	sld [smem:$0x3FD9]  }
0x89: {  	s3 =	sld [smem:$0x3FFE];
	_ =	sdelay $0x1  }
0x8a: {  	s1 =	srdreg.scid  }
0x8b: {  	s0 =	sand.u32 $0x1, s1  }
0x8c: {  	s17 =	sshll.u32 s0, $0xA;
	s2 =	sadd.s32 s3, s2  }
0x8d: {  	s2 =	sadd.s32 s2, s17  }
0x8e: {  	[smem:$0x3FBD] =	sst s2  }
0x8f: {  	_ = 	snop  }
0x90: {  	(tm) =	ssettm $0x1  }
0x91: {  	s18 =	sld [smem:$0x3FFB];
	_ =	sdelay $0x3  }
0x92: {  	_ =	strace s18  }
0x93: {  	s2 =	sld [smem:$0x3FFC];
	_ =	sdelay $0x3  }
0x94: {  	_ =	strace s2  }
0x95: {  	s2 =	sld [smem:$0x3FFD];
	_ =	sdelay $0x3  }
0x96: {  	_ =	strace s2  }
0x97: {  	_ =	strace $0x8FFFFFFF  }
0x98: {  	s19 =	sld [smem:$0x3FDB];
	_ =	sdelay $0x1  }
0x99: {  	s20 =	simm.s32 $_scs_section_size  }
0x9a: {  	s4 =	simm.s32 $_size__tile_overlayer_lowered;
	s5 =	simm.s32 $_tile_overlayer_lowered  }
0x9b: {  	s6 =	simm.s32 $0x1BFF;
	s21 =	sshll.u32 s5, $0x1;
	s3 =	sadd.s32 s20, s19  }
0x9c: {  	s22 =	simm.s32 $0x0;
	s4 =	sshll.u32 s4, $0x1;
	s5 =	sadd.s32 s21, s3  }
0x9d: {  	[timem:s22], [sflag:s6] =	dma.local [hbm:s5], s4  }
0x9e: {  	_ =	swait.ge [sflag:s6], s4  }
0x9f: {  	s4 =	ssub.s32 $0x0, s4;
	[sflag:s6] =	ssyncset.done $0x0  }
0xa0: {  	[sflag:s6] =	ssyncadd.s32 s4;
	_ =	sdelay $0x1  }
0xa1: {  	s23 =	simm.s32 $0x1B8B  }
0xa2: {  	_ =	swait.ge [sflag:s23], $0x1  }
0xa3: {  	[sflag:s23] =	ssyncset.done $0x0  }
0xa4: {  	[sflag:s23] =	ssyncadd.s32 $0xFFFFFFFF  }
0xa5: {  	s4 =	sld [smem:$0x0]  }
0xa6: {  	s5 =	sand.u32 $0xFFFFFFFE, s1  }
0xa7: {  	p0 =	sne.s32 s1, s5  }
0xa8: {  	s5 =	sshll.u32 @p0 s5, $0xE  }
0xa9: {  	s5 =	sadd.s32 @p0 $0x11B8D, s5;
	s6 =	sshll.u32 @p0 s4, $0x11  }
0xaa: {  	s5 =	sor.u32 @p0 s6, s5  }
0xab: {  	[sflag:s5] =	ssyncadd.remote.s32 @p0 $0x1;
	_ =	sdelay $0x1  }
0xac: {  	s5 =	simm.s32 @p0 $0x1B8D  }
0xad: {  	_ =	swait.eq @p0 [sflag:s5], $0x1  }
0xae: {  	[sflag:s5] =	ssyncadd.s32 @p0 $0xFFFFFFFF  }
0xaf: {  	s6 =	sshll.u32 @!p0 s1, $0xE  }
0xb0: {  	s6 =	sor.u32 @!p0 $0x4000, s6;
	s5 =	simm.s32 @!p0 $0x1B8D  }
0xb1: {  	s4 =	sshll.u32 @!p0 s4, $0x11;
	s6 =	sadd.s32 @!p0 $0x11B8D, s6;
	_ =	swait.eq @!p0 [sflag:s5], $0x1  }
0xb2: {  	s4 =	sor.u32 @!p0 s4, s6;
	[sflag:s5] =	ssyncadd.s32 @!p0 $0xFFFFFFFF  }
0xb3: {  	s25 =	simm.s32 $0x1B8E;
	s24 =	sld [smem:$0x3FFE];
	[sflag:s4] =	ssyncadd.remote.s32 @!p0 $0x1  }
0xb4: {  	s26 =	simm.s32 $execute0_lowered;
	[smem:$0x3FD2] =	sst s25  }
0xb5: {  	s5 =	sshll.u32 s26, $0x1;
	_ =	strace $0x8000004F;
	[dreg:$0x1] =	wrdreg $0xFFFFFFFF  }
0xb6: {  	s28 =	simm.s32 $_size_execute0_lowered;
	s3 =	sadd.s32 s3, s5;
	[dreg:$0x0] =	wrdreg $0x0  }
0xb7: {  	s5 =	sshll.u32 s28, $0x1;
	[dreg:$0x2] =	wrdreg s3  }
0xb8: {  	[dreg:$0x3] =	wrdreg s5  }
0xb9: {  	[dreg:$0x4] =	wrdreg $0xC0  }
0xba: {  	_ =	task [dreg:s22], $0x5FFFF  }
0xbb: {  	[dreg:$0x1] =	wrdreg $0xFFFFFFFF  }
0xbc: {  	[dreg:$0x0] =	wrdreg $0x60  }
0xbd: {  	[dreg:$0x2] =	wrdreg s24  }
0xbe: {  	[dreg:$0x3] =	wrdreg $0x81000  }
0xbf: {  	[dreg:$0x4] =	wrdreg $0x9  }
0xc0: {  	_ =	task.clear_ibuf [dreg:s22], $0x5FFFF;
	_ =	strace $0x9000004F  }
0xc1: {  	s29 =	simm.s32 $0x9;
	_ =	strace $0x80000051  }
0xc2: {  	_ =	swait.ge [sflag:s29], $0x1  }
0xc3: {  	[sflag:s29] =	ssyncadd.s32 $0xFFFFFFFF  }
0xc4: {  	_ =	strace $0x90000051  }
0xc5: {  	_ =	sfence  }
0xc6: {  	s30 =	sld [smem:$0x0];
	_ =	sdelay $0x2  }
0xc7: {  	s31 =	sshll.u32 s1, $0xD;
	s1 =	sshrl.u32 s1, $0x2  }
0xc8: {  	s4 =	sand.u32 $0x4000, s31;
	s1 =	sadd.s32 s1, s30  }
0xc9: {  	s0 =	sor.u32 s4, s0;
	s1 =	sshll.u32 s1, $0x11  }
0xca: {  	s0 =	sor.u32 s1, s0  }
0xcb: {  	s0 =	sadd.s32 $0x8F2B, s0  }
0xcc: {  	[sflag:s0] =	ssyncadd.remote.s32 $0x1  }
0xcd: {  	_ =	sfence.sel $0xFFFF  }
0xce: {  	[dreg:$0x0] =	wrdreg $0xFFFFFFFF;
	(pc) =	sbr.abs _section_cstart, $3  }
0xcf: {  	[dreg:$0x1] =	wrdreg $0xFFFFFFFF  }
0xd0: {  	_ =	task.clear_ibuf [dreg:s22], $0x2FFFF;
	_ =	strace $0x9FFFFFFF  }
0xd1: {  	(tm) =	ssettm $0x7FFFFFFF  }
tec
execute0_lowered:
.L_overlay_start_1:
0x0: {  	(tag) =	ssettag $0x1  }
0x1: {  	s0 =	rddreg [dreg:$0x0]  }
0x2: {  	s1 =	rddreg [dreg:$0x1];
	s2 =	simm.s32 $0x0;
	s3 =	srdreg.scid  }
0x3: {  	s23 =	stileid.u32;
	s13 =	simm.s32 $0x28;
	s20 =	simm.s32 $0x80  }
0x4: {  	s21 =	simm.s32 $0x4100;
	s22 =	simm.s32 $0x1;
	[smem:$0x7FF] =	sst s2  }
0x5: {  	s5 =	sand.u32 $0x1, s3;
	s14 =	sadd.s32 $0x90600, s0;
	s7 =	smul.u32 $0x13C00, s23  }
0x6: {  	s8 =	sshll.u32 s23, $0x1;
	s16 =	sadd.s32 $0xDE00, s0;
	s4 =	sadd.s32 $0x3EE00, s0  }
0x7: {  	s24 =	smul.u32 $0x4F000, s23;
	s25 =	sshll.u32 s23, $0x6;
	s23 =	simm.s32 $0x2  }
0x8: {  	s6 =	smul.u32 $0x13C000, s5;
	s8 =	sor.u32 s5, s8;
	s5 =	ssub.s32 $0x2, s5  }
0x9: {  	_ =	strace $0x80000050;
	[dreg:$0x3] =	wrdreg s4;
	s9 =	sshrl.u32 s5, $0x1  }
0xa: {  	s10 =	smul.u32 $0x26, s8;
	p0 =	slt.u32 s8, $0x11;
	s6 =	sadd.s32 s7, s6  }
0xb: {  	s7 =	smul.u32 $0x28, s8;
	s11 =	ssub.s32 s5, s9;
	s13 =	simm.s32 @!p0 $0x26  }
0xc: {  	s5 =	sshrl.u32 s24, $0x2;
	s24 =	simm.s32 $0x0;
	s6 =	sshrl.u32 s6, $0x3  }
0xd: {  	s8 =	sadd.s32 $0x22, s10;
	s17 =	sadd.s32 s5, s1;
	s5 =	sor.u32 $0x1C03, s25  }
0xe: {  	s19 =	sshrl.u32 s13, $0x1;
	s11 =	smax.u32 s11, $0x1;
	s12 =	sadd.s32 $0xFFFFFFFE, s13  }
0xf: {  	s13 =	sadd.s32 $0xFFFFFFFD, s13;
	s0 =	sadd.s32 s6, s0;
	s8 =	smov.u32 @p0 s7  }
0x10: {  	s17 =	sshrl.u32 s17, $0x3;
	s18 =	sshll.u32 s8, $0x4;
	s15 =	sshll.u32 s8, $0xB  }
0x11: {  	s7 =	sshll.u32 s8, $0x7;
	s10 =	sadd.s32 $0x301600, s0;
	s26 =	sand.u32 $0x1FFFFFE0, s18  }
0x12: {  	s7 =	sor.u32 $0x80, s7;
	s8 =	sand.u32 $0x1FFFF000, s15;
	s30 =	sadd.s32 s15, s14  }
0x13: {  	s31 =	sadd.s32 s18, s16;
	s18 =	simm.s32 $0x3;
	s6 =	sadd.s32 s16, s26  }
0x14: {  	s28 =	sshrl.u32 s7, $0x3;
	s29 =	sshll.u32 s7, $0x4;
	s7 =	sadd.s32 s14, s8  }
0x15: {  	s15 =	sadd.s32 $0x1800, s30;
	s8 =	sadd.s32 s16, s28;
	s9 =	sadd.s32 s14, s29  }
0x16: {  	s14 =	sadd.s32 $0xFFFFFFFF, s19;
	s16 =	sadd.s32 $0x30, s31;
	s19 =	simm.s32 $0x100  }
.LBB2_1:
0x17: {  	s0 =	rddreg [dreg:$0x3]  }
0x18: {  	[spmem:s17], [sflag:s5] =	dma.local [hbm:s0], $0x2780  }
0x19: {  	_ =	swait.ge [sflag:s18], $0x2780  }
0x1a: {  	[sflag:s18] =	ssyncset.done $0x0  }
0x1b: {  	[sflag:s18] =	ssyncadd.s32 $0xFFFFD880  }
0x1c: {  	[bflag:$0x0] =	sbarrier.arrive $0xFFFF  }
0x1d: {  	[tilespmem:s2], [sflag:$0x1] =	stream.linear.gather [hbm4b:s6+s2], $0x80, $0x38;
	[tilespmem:$0x1BD00] =	vst v63  }
0x1e: {  	_ = 	snop  }
0x1f: {  	[tilespmem:s19], [sflag:$0x1] =	stream.linear.gather [hbm4b:s7+s2], $0x4000, $0x38;
	[tilespmem:$0x1BD00] =	vst v63  }
0x20: {  	_ = 	snop  }
0x21: {  	[tilespmem:s20], [sflag:$0x2] =	stream.linear.gather [hbm4b:s8+s2], $0x80, $0x38;
	[tilespmem:$0x1BD00] =	vst v63  }
0x22: {  	_ = 	snop  }
0x23: {  	[tilespmem:s21], [sflag:$0x2] =	stream.linear.gather [hbm4b:s9+s2], $0x4000, $0x38;
	[tilespmem:$0x1BD00] =	vst v63  }
0x24: {  	_ =	swait.ge [sflag:s22], $0x80  }
0x25: {  	[sflag:s22] =	ssyncset.done $0x0  }
0x26: {  	[sflag:s22] =	ssyncadd.s32 $0xFFFFFF80  }
0x27: {  	_ =	swait.ge [sflag:s22], $0x4000  }
0x28: {  	[sflag:s22] =	ssyncset.done $0x0  }
0x29: {  	[sflag:s22] =	ssyncadd.s32 $0xFFFFC000  }
0x2a: {  	[spmem:s1] =	stream.indirect.scatter.add.f32 [tilespmem:s19], [sflag:$0x3], $0x80, s2, s20, $0xb8;
	[tilespmem:$0x1BD00] =	vst v63  }
0x2b: {  	_ =	swait.ge [sflag:s18], $0x4000  }
0x2c: {  	p0 =	sle.u32 s12, $0x0;
	[sflag:s18] =	ssyncset.done $0x0  }
0x2d: {  	s0 =	sadd.s32 @!p0 $0xFFFFFFF0, s16;
	s25 =	simm.s32 @!p0 $0x0;
	[sflag:s18] =	ssyncadd.s32 $0xFFFFC000  }
0x2e: {  	[tilespmem:s25], [sflag:$0x1] =	stream.linear.gather @!p0 [hbm4b:s0+s25], $0x80, $0x38;
	[tilespmem:$0x1BD00] =	vst v63  }
0x2f: {  	s26 =	simm.s32 @!p0 $0x100;
	s0 =	sadd.s32 @!p0 $0xFFFFF800, s15  }
0x30: {  	[tilespmem:s26], [sflag:$0x1] =	stream.linear.gather @!p0 [hbm4b:s0+s25], $0x4000, $0x38;
	[tilespmem:$0x1BD00] =	vst v63  }
0x31: {  	_ =	swait.ge [sflag:s23], $0x80  }
0x32: {  	[sflag:s23] =	ssyncset.done $0x0  }
0x33: {  	[sflag:s23] =	ssyncadd.s32 $0xFFFFFF80  }
0x34: {  	_ =	swait.ge [sflag:s23], $0x4000  }
0x35: {  	s29 =	sadd.s32 $0xFFFFFFFF, s14;
	[sflag:s23] =	ssyncset.done $0x0  }
0x36: {  	p0 =	sne.s32 s29, $0x0;
	[sflag:s23] =	ssyncadd.s32 $0xFFFFC000  }
0x37: {  	[spmem:s1] =	stream.indirect.scatter.add.f32 [tilespmem:s21], [sflag:$0x3], $0x80, s20, s20, $0xb8;
	[tilespmem:$0x1BD00] =	vst v63  }
.Ltmp0:
0x38: {  	p1 =	sle.u32 s13, $0x0;
	_ =	swait.ge [sflag:s18], $0x4000;
	(pc) =	sbr.rel @!p0 .LBB2_3-.Ltmp0, $4  }
0x39: {  	s28 =	simm.s32 $0x2;
	s30 =	smov.u32 s15;
	[sflag:s18] =	ssyncset.done $0x0  }
0x3a: {  	s31 =	simm.s32 @!p1 $0x0;
	s0 =	simm.s32 @!p1 $0x80;
	[sflag:s18] =	ssyncadd.s32 $0xFFFFC000  }
0x3b: {  	[tilespmem:s0], [sflag:$0x2] =	stream.linear.gather @!p1 [hbm4b:s16+s31], $0x80, $0x38;
	[tilespmem:$0x1BD00] =	vst v63  }
0x3c: {  	s25 =	sadd.s32 $0x20, s16;
	s26 =	sadd.s32 $0x1000, s15;
	s0 =	simm.s32 @!p1 $0x4100  }
.LBB2_2:
0x3d: {  	[tilespmem:s0], [sflag:$0x2] =	stream.linear.gather @!p1 [hbm4b:s30+s31], $0x4000, $0x38;
	[tilespmem:$0x1BD00] =	vst v63  }
0x3e: {  	s29 =	sadd.s32 $0xFFFFFFFF, s29;
	s0 =	smov.u32 s25;
	_ =	swait.ge [sflag:s22], $0x80  }
0x3f: {  	s30 =	smov.u32 s26;
	p0 =	sne.s32 s29, $0x0;
	[sflag:s22] =	ssyncset.done $0x0  }
0x40: {  	[sflag:s22] =	ssyncadd.s32 $0xFFFFFF80  }
0x41: {  	_ =	swait.ge [sflag:s22], $0x4000  }
0x42: {  	[sflag:s22] =	ssyncset.done $0x0  }
0x43: {  	[sflag:s22] =	ssyncadd.s32 $0xFFFFC000  }
0x44: {  	[spmem:s1] =	stream.indirect.scatter.add.f32 [tilespmem:s19], [sflag:$0x3], $0x80, s2, s20, $0xb8;
	[tilespmem:$0x1BD00] =	vst v63  }
0x45: {  	_ =	swait.ge [sflag:s18], $0x4000  }
0x46: {  	p1 =	sge.u32 s28, s12;
	[sflag:s18] =	ssyncset.done $0x0  }
0x47: {  	s31 =	sadd.s32 @!p1 $0xFFFFFFF0, s25;
	s3 =	simm.s32 @!p1 $0x0;
	[sflag:s18] =	ssyncadd.s32 $0xFFFFC000  }
0x48: {  	[tilespmem:s3], [sflag:$0x1] =	stream.linear.gather @!p1 [hbm4b:s31+s3], $0x80, $0x38;
	[tilespmem:$0x1BD00] =	vst v63  }
0x49: {  	s4 =	simm.s32 @!p1 $0x100;
	s31 =	sadd.s32 @!p1 $0xFFFFF800, s26  }
0x4a: {  	[tilespmem:s4], [sflag:$0x1] =	stream.linear.gather @!p1 [hbm4b:s31+s3], $0x4000, $0x38;
	[tilespmem:$0x1BD00] =	vst v63  }
0x4b: {  	_ =	swait.ge [sflag:s23], $0x80  }
0x4c: {  	[sflag:s23] =	ssyncset.done $0x0  }
0x4d: {  	[sflag:s23] =	ssyncadd.s32 $0xFFFFFF80  }
0x4e: {  	_ =	swait.ge [sflag:s23], $0x4000  }
0x4f: {  	[sflag:s23] =	ssyncset.done $0x0  }
0x50: {  	[sflag:s23] =	ssyncadd.s32 $0xFFFFC000  }
0x51: {  	[spmem:s1] =	stream.indirect.scatter.add.f32 [tilespmem:s21], [sflag:$0x3], $0x80, s20, s20, $0xb8;
	[tilespmem:$0x1BD00] =	vst v63  }
.Ltmp1:
0x52: {  	_ =	swait.ge [sflag:s18], $0x4000;
	(pc) =	sbr.rel @p0 .LBB2_2-.Ltmp1, $4  }
0x53: {  	s25 =	sadd.s32 $0x20, s25;
	p1 =	sge.u32 s28, s13;
	[sflag:s18] =	ssyncset.done $0x0  }
0x54: {  	s31 =	simm.s32 @!p1 $0x0;
	s3 =	simm.s32 @!p1 $0x80;
	[sflag:s18] =	ssyncadd.s32 $0xFFFFC000  }
0x55: {  	[tilespmem:s3], [sflag:$0x2] =	stream.linear.gather @!p1 [hbm4b:s0+s31], $0x80, $0x38;
	[tilespmem:$0x1BD00] =	vst v63  }
0x56: {  	s26 =	sadd.s32 $0x1000, s26;
	s28 =	sadd.s32 $0x2, s28;
	s0 =	simm.s32 @!p1 $0x4100  }
.LBB2_3:
0x57: {  	[tilespmem:s0], [sflag:$0x2] =	stream.linear.gather @!p1 [hbm4b:s30+s31], $0x4000, $0x38;
	[tilespmem:$0x1BD00] =	vst v63  }
0x58: {  	_ =	swait.ge [sflag:s22], $0x80  }
0x59: {  	[sflag:s22] =	ssyncset.done $0x0  }
0x5a: {  	[sflag:s22] =	ssyncadd.s32 $0xFFFFFF80  }
0x5b: {  	_ =	swait.ge [sflag:s22], $0x4000  }
0x5c: {  	[sflag:s22] =	ssyncset.done $0x0  }
0x5d: {  	[sflag:s22] =	ssyncadd.s32 $0xFFFFC000  }
0x5e: {  	[spmem:s1] =	stream.indirect.scatter.add.f32 [tilespmem:s19], [sflag:$0x3], $0x80, s2, s20, $0xb8;
	[tilespmem:$0x1BD00] =	vst v63  }
0x5f: {  	_ =	swait.ge [sflag:s18], $0x4000  }
0x60: {  	p0 =	sge.u32 s28, s12;
	[sflag:s18] =	ssyncset.done $0x0  }
0x61: {  	s0 =	sadd.s32 @!p0 $0xFFFFFFF0, s25;
	s3 =	simm.s32 @!p0 $0x0;
	[sflag:s18] =	ssyncadd.s32 $0xFFFFC000  }
0x62: {  	[tilespmem:s3], [sflag:$0x1] =	stream.linear.gather @!p0 [hbm4b:s0+s3], $0x80, $0x38;
	[tilespmem:$0x1BD00] =	vst v63  }
0x63: {  	s4 =	simm.s32 @!p0 $0x100;
	s0 =	sadd.s32 @!p0 $0xFFFFF800, s26  }
0x64: {  	[tilespmem:s4], [sflag:$0x1] =	stream.linear.gather @!p0 [hbm4b:s0+s3], $0x4000, $0x38;
	[tilespmem:$0x1BD00] =	vst v63  }
0x65: {  	_ =	swait.ge [sflag:s23], $0x80  }
0x66: {  	[sflag:s23] =	ssyncset.done $0x0  }
0x67: {  	[sflag:s23] =	ssyncadd.s32 $0xFFFFFF80  }
0x68: {  	_ =	swait.ge [sflag:s23], $0x4000  }
0x69: {  	[sflag:s23] =	ssyncset.done $0x0  }
0x6a: {  	[sflag:s23] =	ssyncadd.s32 $0xFFFFC000  }
0x6b: {  	[spmem:s1] =	stream.indirect.scatter.add.f32 [tilespmem:s21], [sflag:$0x3], $0x80, s20, s20, $0xb8;
	[tilespmem:$0x1BD00] =	vst v63  }
0x6c: {  	_ =	swait.ge [sflag:s18], $0x4000  }
0x6d: {  	p0 =	sge.u32 s28, s13;
	[sflag:s18] =	ssyncset.done $0x0  }
0x6e: {  	s0 =	simm.s32 @!p0 $0x0;
	s3 =	simm.s32 @!p0 $0x80;
	[sflag:s18] =	ssyncadd.s32 $0xFFFFC000  }
0x6f: {  	[tilespmem:s3], [sflag:$0x2] =	stream.linear.gather @!p0 [hbm4b:s25+s0], $0x80, $0x38;
	[tilespmem:$0x1BD00] =	vst v63  }
0x70: {  	s24 =	sadd.s32 $0x1, s24;
	s3 =	simm.s32 @!p0 $0x4100  }
0x71: {  	[tilespmem:s3], [sflag:$0x2] =	stream.linear.gather @!p0 [hbm4b:s26+s0], $0x4000, $0x38;
	[tilespmem:$0x1BD00] =	vst v63  }
0x72: {  	p0 =	sne.s32 s24, s11  }
.Ltmp2:
0x73: {  	[bflag:$0x0] =	sbarrier.arrive $0xFFFF;
	(pc) =	sbr.rel @p0 .LBB2_1-.Ltmp2, $4  }
0x74: {  	[hbm:s10], [sflag:s5] =	dma.local [spmem:s17], $0x2780  }
0x75: {  	_ =	swait.ge [sflag:s18], $0x2780  }
0x76: {  	[sflag:s18] =	ssyncset.done $0x0  }
0x77: {  	[sflag:s18] =	ssyncadd.s32 $0xFFFFD880  }
0x78: {  	_ =	sfence.sel $0x180000  }
0x79: {  	[bflag:$0x0] =	sbarrier.arrive $0xFFFF  }
0x7a: {  	_ =	strace $0x90000050  }
0x7b: {  	s0 =	stileid.u32;
	[bflag:$0x2] =	sbarrier.arrive $0xFFFF  }
0x7c: {  	p0 =	sne.s32 s0, $0x0;
	s0 =	rddreg [dreg:$0x2]  }
0x7d: {  	s0 =	sadd.s32 @!p0 $0x100000, s0  }
0x7e: {  	[sflag:s0] =	ssyncadd.tile.s32 @!p0 $0x1;
	_ =	shalt  }
.Lfunc_end2:
_tile_overlayer_lowered:
.L_overlay_start_2:
0x7f: {  	(tag) =	ssettag $0x2  }
0x80: {  	s0 =	rddreg [dreg:$0x0];
	s2 =	stileid.u32  }
0x81: {  	s1 =	rddreg [dreg:$0x1];
	p0 =	sne.s32 s2, $0x0  }
0x82: {  	s3 =	rddreg [dreg:$0x2];
	[bflag:$0x3] =	sbarrier.arrive $0xFFFF;
	s2 =	simm.s32 @!p0 $0x1C03  }
0x83: {  	[timem:s3], [sflag:s2] =	dma.local @!p0 [hbm:s0], s1  }
0x84: {  	s0 =	simm.s32 @!p0 $0x3  }
0x85: {  	_ =	swait.ge @!p0 [sflag:s0], s1  }
0x86: {  	s1 =	ssub.s32 @!p0 $0x0, s1;
	[sflag:s0] =	ssyncset.done @!p0 $0x0  }
0x87: {  	[sflag:s0] =	ssyncadd.s32 @!p0 s1  }
0x88: {  	[bflag:$0x3] =	sbarrier.arrive $0xFFFF  }
0x89: {  	_ =	shalt  }

// kernel: kernel.19.cloned.1.call-start
scs
__scs_entry_jumppad:
0x0: {  	(pc) =	sbr.rel $0x88, $3  }
0x1: {  	(tag) =	ssettag $0x0;
	lr =	simm.s32 $0x1  }
0x2: {  	[smem:$0x3F96] =	sst lr;
	_ =	strace $0xD0000000  }
0x3: {  	_ = 	snop  }
0x4: {  	_ = 	snop  }
0x5: {  	_ = 	snop  }
0x6: {  	_ = 	snop  }
0x7: {  	_ = 	snop  }
__scs_overlays_trampoline_lowered:
0x8: {  	[smem:$0x3FA5] =	sst s0  }
0x9: {  	[smem:$0x3FA6] =	sst s1  }
0xa: {  	[smem:$0x3FA7] =	sst s2  }
0xb: {  	[smem:$0x3FA8] =	sst s3  }
0xc: {  	[smem:$0x3FA9] =	sst s4  }
0xd: {  	[smem:$0x3FAA] =	sst s5  }
0xe: {  	[smem:$0x3FAB] =	sst s6  }
0xf: {  	[smem:$0x3FAC] =	sst s7  }
0x10: {  	[smem:$0x3FAD] =	sst s8  }
0x11: {  	[smem:$0x3FAE] =	sst s9;
	s0 =	simm.s32 @!p0 $0x0  }
0x12: {  	s1 =	sld [smem:$0x3F94];
	s0 =	simm.s32 @p0 $0x1  }
0x13: {  	[smem:$0x3FAF] =	sst s0;
	s0 =	simm.s32 @!p1 $0x0  }
0x14: {  	s2 =	sld [smem:$0x3F93];
	s0 =	simm.s32 @p1 $0x1  }
0x15: {  	[smem:$0x3FB0] =	sst s0;
	s0 =	simm.s32 @!p2 $0x0  }
0x16: {  	s3 =	sld [smem:$0x3FDB];
	s0 =	simm.s32 @p2 $0x1  }
0x17: {  	s4 =	simm.s32 $0x1BF5;
	[smem:$0x3FB2] =	sst s0  }
0x18: {  	s0 =	sld [smem:$0x3F95];
	_ =	swait.ge [sflag:s4], $0x0  }
0x19: {  	s7 =	sld [smem:$0x3F96]  }
0x1a: {  	s8 =	sadd.s32 $0xFFFFE003, lr  }
0x1b: {  	s9 =	sadd.s32 $0xFFFFFEF7, lr;
	s5 =	simm.s32 $0xFFFFFFFF;
	p2 =	slt.u32 s8, $0xFFFFF086  }
0x1c: {  	p1 =	slt.u32 s9, $0xF7A;
	s5 =	simm.s32 @!p2 $0x0  }
0x1d: {  	s5 =	simm.s32 @p1 $0x1;
	p0 =	seq.s32 s7, s2  }
0x1e: {  	s7 =	smul.u32 @!p0 $0xF7A, s2;
	p2 =	seq.s32 @!p0 s5, $0x0  }
0x1f: {  	s9 =	smul.u32 $0xF7A, s1;
	s8 =	simm.s32 @!p0 $0x1BF5;
	p2 =	por !p2, p0  }
0x20: {  	[sflag:s8] =	ssyncset.s32 @!p0 $0xFFFFF086;
	s6 =	sadd.s32 @!p0 s3, s7;
	s7 =	simm.s32 @!p0 $0x108  }
0x21: {  	s3 =	sadd.s32 s3, s9;
	s6 =	sadd.s32 @!p0 $0x88, s6;
	s7 =	simm.s32 @p2 $0x1082  }
0x22: {  	[simem:s7], [sflag:s8] =	dma.local @!p0 [hbm:s6], $0xF7A  }
0x23: {  	s9 =	sor.u32 $0xD0000000, s2;
	s6 =	simm.s32 $0x108;
	_ =	swait.ge @!p0 [sflag:s8], $0x0  }
0x24: {  	s3 =	sadd.s32 $0x88, s3;
	s6 =	simm.s32 @!p1 $0x1082;
	[sflag:s4] =	ssyncset.s32 $0xFFFFF086  }
0x25: {  	[simem:s6], [sflag:s4] =	dma.local [hbm:s3], $0xF7A  }
0x26: {  	[smem:$0x3F96] =	sst s1;
	(tag) =	ssettag s2;
	_ =	strace s9  }
0x27: {  	s1 =	sld [smem:$0x3FA6]  }
0x28: {  	s2 =	sld [smem:$0x3FA7]  }
0x29: {  	s4 =	sld [smem:$0x3FA9]  }
0x2a: {  	p0 =	seq.s32 s5, $0x0;
	s5 =	sld [smem:$0x3FAA]  }
0x2b: {  	s6 =	sld [smem:$0x3FAB]  }
0x2c: {  	s7 =	sld [smem:$0x3FAC]  }
0x2d: {  	s3 =	simm.s32 $0x108;
	s8 =	sld [smem:$0x3FAD]  }
0x2e: {  	s3 =	simm.s32 @!p0 $0x1082;
	s9 =	sld [smem:$0x3FAE]  }
0x2f: {  	lr =	sadd.s32 s0, s3;
	s0 =	sld [smem:$0x3FA5]  }
0x30: {  	s3 =	sld [smem:$0x3FA8]  }
0x31: {  	[smem:$0x3FB1] =	sst s10  }
0x32: {  	s10 =	sld [smem:$0x3FAF];
	_ =	sdelay $0x3  }
0x33: {  	p0 =	seq.s32 s10, $0x1;
	s10 =	sld [smem:$0x3FB1];
	_ =	sdelay $0x3  }
0x34: {  	[smem:$0x3FB1] =	sst s10  }
0x35: {  	s10 =	sld [smem:$0x3FB0];
	_ =	sdelay $0x3  }
0x36: {  	p1 =	seq.s32 s10, $0x1;
	s10 =	sld [smem:$0x3FB1];
	_ =	sdelay $0x3  }
0x37: {  	[smem:$0x3FB1] =	sst s10  }
0x38: {  	s10 =	sld [smem:$0x3FB2]  }
0x39: {  	_ = 	snop;
	(pc) =	sbr.ind lr, $3  }
0x3a: {  	_ = 	snop  }
0x3b: {  	_ = 	snop  }
0x3c: {  	p2 =	seq.s32 s10, $0x1;
	s10 =	sld [smem:$0x3FB1]  }
0x3d: {  	_ =	shalt  }
0x3e: {  	_ =	shalt  }
0x3f: {  	_ =	shalt  }
0x40: {  	_ =	shalt  }
0x41: {  	_ =	shalt  }
0x42: {  	_ =	shalt  }
0x43: {  	_ =	shalt  }
0x44: {  	_ =	shalt  }
0x45: {  	_ =	shalt  }
0x46: {  	_ =	shalt  }
0x47: {  	_ =	shalt  }
0x48: {  	_ =	shalt  }
0x49: {  	_ =	shalt  }
0x4a: {  	_ =	shalt  }
0x4b: {  	_ =	shalt  }
0x4c: {  	_ =	shalt  }
0x4d: {  	_ =	shalt  }
0x4e: {  	_ =	shalt  }
0x4f: {  	_ =	shalt  }
0x50: {  	_ =	shalt  }
0x51: {  	_ =	shalt  }
0x52: {  	_ =	shalt  }
0x53: {  	_ =	shalt  }
0x54: {  	_ =	shalt  }
0x55: {  	_ =	shalt  }
0x56: {  	_ =	shalt  }
0x57: {  	_ =	shalt  }
0x58: {  	_ =	shalt  }
0x59: {  	_ =	shalt  }
0x5a: {  	_ =	shalt  }
0x5b: {  	_ =	shalt  }
0x5c: {  	_ =	shalt  }
0x5d: {  	_ =	shalt  }
0x5e: {  	_ =	shalt  }
0x5f: {  	_ =	shalt  }
0x60: {  	_ =	shalt  }
0x61: {  	_ =	shalt  }
0x62: {  	_ =	shalt  }
0x63: {  	_ =	shalt  }
0x64: {  	_ =	shalt  }
0x65: {  	_ =	shalt  }
0x66: {  	_ =	shalt  }
0x67: {  	_ =	shalt  }
0x68: {  	_ =	shalt  }
0x69: {  	_ =	shalt  }
0x6a: {  	_ =	shalt  }
0x6b: {  	_ =	shalt  }
0x6c: {  	_ =	shalt  }
0x6d: {  	_ =	shalt  }
0x6e: {  	_ =	shalt  }
0x6f: {  	_ =	shalt  }
0x70: {  	_ =	shalt  }
0x71: {  	_ =	shalt  }
0x72: {  	_ =	shalt  }
0x73: {  	_ =	shalt  }
0x74: {  	_ =	shalt  }
0x75: {  	_ =	shalt  }
0x76: {  	_ =	shalt  }
0x77: {  	_ =	shalt  }
0x78: {  	_ =	shalt  }
0x79: {  	_ =	shalt  }
0x7a: {  	_ =	shalt  }
0x7b: {  	_ =	shalt  }
0x7c: {  	_ =	shalt  }
0x7d: {  	_ =	shalt  }
0x7e: {  	_ =	shalt  }
0x7f: {  	_ =	shalt  }
0x80: {  	_ =	shalt  }
0x81: {  	_ =	shalt  }
0x82: {  	_ =	shalt  }
0x83: {  	_ =	shalt  }
0x84: {  	_ =	shalt  }
0x85: {  	_ =	shalt  }
0x86: {  	_ =	shalt  }
0x87: {  	_ =	shalt  }
.Lfunc_end0:
.L_simem_size_0:
called_computation.3_lowered:
.L_overlay_start_0:
0x88: {  	s2 =	sld [smem:$0x3FD9]  }
0x89: {  	s3 =	sld [smem:$0x3FFE];
	_ =	sdelay $0x1  }
0x8a: {  	s1 =	srdreg.scid  }
0x8b: {  	s0 =	sand.u32 $0x1, s1  }
0x8c: {  	s17 =	sshll.u32 s0, $0xA;
	s2 =	sadd.s32 s3, s2  }
0x8d: {  	s2 =	sadd.s32 s2, s17  }
0x8e: {  	[smem:$0x3FBD] =	sst s2  }
0x8f: {  	_ = 	snop  }
0x90: {  	(tm) =	ssettm $0x1  }
0x91: {  	s18 =	sld [smem:$0x3FFB];
	_ =	sdelay $0x3  }
0x92: {  	_ =	strace s18  }
0x93: {  	s2 =	sld [smem:$0x3FFC];
	_ =	sdelay $0x3  }
0x94: {  	_ =	strace s2  }
0x95: {  	s2 =	sld [smem:$0x3FFD];
	_ =	sdelay $0x3  }
0x96: {  	_ =	strace s2  }
0x97: {  	_ =	strace $0x8FFFFFFF  }
0x98: {  	s19 =	sld [smem:$0x3FDB];
	_ =	sdelay $0x1  }
0x99: {  	s20 =	simm.s32 $_scs_section_size  }
0x9a: {  	s4 =	simm.s32 $_size__tile_overlayer_lowered;
	s5 =	simm.s32 $_tile_overlayer_lowered  }
0x9b: {  	s6 =	simm.s32 $0x1BFF;
	s21 =	sshll.u32 s5, $0x1;
	s3 =	sadd.s32 s20, s19  }
0x9c: {  	s22 =	simm.s32 $0x0;
	s4 =	sshll.u32 s4, $0x1;
	s5 =	sadd.s32 s21, s3  }
0x9d: {  	[timem:s22], [sflag:s6] =	dma.local [hbm:s5], s4  }
0x9e: {  	_ =	swait.ge [sflag:s6], s4  }
0x9f: {  	s4 =	ssub.s32 $0x0, s4;
	[sflag:s6] =	ssyncset.done $0x0  }
0xa0: {  	[sflag:s6] =	ssyncadd.s32 s4;
	_ =	sdelay $0x1  }
0xa1: {  	s23 =	simm.s32 $0x1B8B  }
0xa2: {  	_ =	swait.ge [sflag:s23], $0x1  }
0xa3: {  	[sflag:s23] =	ssyncset.done $0x0  }
0xa4: {  	[sflag:s23] =	ssyncadd.s32 $0xFFFFFFFF  }
0xa5: {  	s4 =	sld [smem:$0x0]  }
0xa6: {  	s5 =	sand.u32 $0xFFFFFFFE, s1  }
0xa7: {  	p0 =	sne.s32 s1, s5  }
0xa8: {  	s5 =	sshll.u32 @p0 s5, $0xE  }
0xa9: {  	s5 =	sadd.s32 @p0 $0x11B8D, s5;
	s6 =	sshll.u32 @p0 s4, $0x11  }
0xaa: {  	s5 =	sor.u32 @p0 s6, s5  }
0xab: {  	[sflag:s5] =	ssyncadd.remote.s32 @p0 $0x1;
	_ =	sdelay $0x1  }
0xac: {  	s5 =	simm.s32 @p0 $0x1B8D  }
0xad: {  	_ =	swait.eq @p0 [sflag:s5], $0x1  }
0xae: {  	[sflag:s5] =	ssyncadd.s32 @p0 $0xFFFFFFFF  }
0xaf: {  	s6 =	sshll.u32 @!p0 s1, $0xE  }
0xb0: {  	s6 =	sor.u32 @!p0 $0x4000, s6;
	s5 =	simm.s32 @!p0 $0x1B8D  }
0xb1: {  	s4 =	sshll.u32 @!p0 s4, $0x11;
	s6 =	sadd.s32 @!p0 $0x11B8D, s6;
	_ =	swait.eq @!p0 [sflag:s5], $0x1  }
0xb2: {  	s4 =	sor.u32 @!p0 s4, s6;
	[sflag:s5] =	ssyncadd.s32 @!p0 $0xFFFFFFFF  }
0xb3: {  	s25 =	simm.s32 $0x1B8E;
	s24 =	sld [smem:$0x3FFE];
	[sflag:s4] =	ssyncadd.remote.s32 @!p0 $0x1  }
0xb4: {  	s26 =	simm.s32 $execute0_lowered;
	[smem:$0x3FD2] =	sst s25  }
0xb5: {  	s5 =	sshll.u32 s26, $0x1;
	_ =	strace $0x8000004C;
	[dreg:$0x1] =	wrdreg $0xFFFFFFFF  }
0xb6: {  	s28 =	simm.s32 $_size_execute0_lowered;
	s3 =	sadd.s32 s3, s5;
	[dreg:$0x0] =	wrdreg $0x0  }
0xb7: {  	s5 =	sshll.u32 s28, $0x1;
	[dreg:$0x2] =	wrdreg s3  }
0xb8: {  	[dreg:$0x3] =	wrdreg s5  }
0xb9: {  	[dreg:$0x4] =	wrdreg $0xC0  }
0xba: {  	_ =	task [dreg:s22], $0x5FFFF  }
0xbb: {  	[dreg:$0x1] =	wrdreg $0xFFFFFFFF  }
0xbc: {  	[dreg:$0x0] =	wrdreg $0x60  }
0xbd: {  	[dreg:$0x2] =	wrdreg s24  }
0xbe: {  	[dreg:$0x3] =	wrdreg $0x81000  }
0xbf: {  	[dreg:$0x4] =	wrdreg $0xA  }
0xc0: {  	_ =	task.clear_ibuf [dreg:s22], $0x5FFFF;
	_ =	strace $0x9000004C  }
0xc1: {  	s29 =	simm.s32 $0xA;
	_ =	strace $0x8000004E  }
0xc2: {  	_ =	swait.ge [sflag:s29], $0x1  }
0xc3: {  	[sflag:s29] =	ssyncadd.s32 $0xFFFFFFFF  }
0xc4: {  	_ =	strace $0x9000004E  }
0xc5: {  	_ =	sfence  }
0xc6: {  	s30 =	sld [smem:$0x0];
	_ =	sdelay $0x2  }
0xc7: {  	s31 =	sshll.u32 s1, $0xD;
	s1 =	sshrl.u32 s1, $0x2  }
0xc8: {  	s4 =	sand.u32 $0x4000, s31;
	s1 =	sadd.s32 s1, s30  }
0xc9: {  	s0 =	sor.u32 s4, s0;
	s1 =	sshll.u32 s1, $0x11  }
0xca: {  	s0 =	sor.u32 s1, s0  }
0xcb: {  	s0 =	sadd.s32 $0x8F2B, s0  }
0xcc: {  	[sflag:s0] =	ssyncadd.remote.s32 $0x1  }
0xcd: {  	_ =	sfence.sel $0xFFFF  }
0xce: {  	[dreg:$0x0] =	wrdreg $0xFFFFFFFF;
	(pc) =	sbr.abs _section_cstart, $3  }
0xcf: {  	[dreg:$0x1] =	wrdreg $0xFFFFFFFF  }
0xd0: {  	_ =	task.clear_ibuf [dreg:s22], $0x2FFFF;
	_ =	strace $0x9FFFFFFF  }
0xd1: {  	(tm) =	ssettm $0x7FFFFFFF  }
tec
execute0_lowered:
.L_overlay_start_1:
0x0: {  	(tag) =	ssettag $0x1  }
0x1: {  	s0 =	rddreg [dreg:$0x0]  }
0x2: {  	s1 =	rddreg [dreg:$0x1];
	s2 =	simm.s32 $0x0;
	s3 =	srdreg.scid  }
0x3: {  	s23 =	stileid.u32;
	s13 =	simm.s32 $0x28;
	s20 =	simm.s32 $0x80  }
0x4: {  	s21 =	simm.s32 $0x4100;
	s22 =	simm.s32 $0x1;
	[smem:$0x7FF] =	sst s2  }
0x5: {  	s5 =	sand.u32 $0x1, s3;
	s14 =	sadd.s32 $0xA02E00, s0;
	s7 =	smul.u32 $0x13C00, s23  }
0x6: {  	s8 =	sshll.u32 s23, $0x1;
	s16 =	sadd.s32 $0xDE00, s0;
	s4 =	sadd.s32 $0x3EE00, s0  }
0x7: {  	s24 =	smul.u32 $0x4F000, s23;
	s25 =	sshll.u32 s23, $0x6;
	s23 =	simm.s32 $0x2  }
0x8: {  	s6 =	smul.u32 $0x13C000, s5;
	s8 =	sor.u32 s5, s8;
	s5 =	ssub.s32 $0x2, s5  }
0x9: {  	_ =	strace $0x8000004D;
	[dreg:$0x3] =	wrdreg s4;
	s9 =	sshrl.u32 s5, $0x1  }
0xa: {  	s10 =	smul.u32 $0x26, s8;
	p0 =	slt.u32 s8, $0x11;
	s6 =	sadd.s32 s7, s6  }
0xb: {  	s7 =	smul.u32 $0x28, s8;
	s11 =	ssub.s32 s5, s9;
	s13 =	simm.s32 @!p0 $0x26  }
0xc: {  	s5 =	sshrl.u32 s24, $0x2;
	s24 =	simm.s32 $0x0;
	s6 =	sshrl.u32 s6, $0x3  }
0xd: {  	s17 =	sadd.s32 s5, s1;
	s5 =	sor.u32 $0x1C03, s25;
	s19 =	sshrl.u32 s13, $0x1  }
0xe: {  	s11 =	smax.u32 s11, $0x1;
	s0 =	sadd.s32 s6, s0;
	s6 =	sadd.s32 $0x22, s10  }
0xf: {  	s12 =	sadd.s32 $0xFFFFFFFE, s13;
	s13 =	sadd.s32 $0xFFFFFFFD, s13;
	s6 =	smov.u32 @p0 s7  }
0x10: {  	s17 =	sshrl.u32 s17, $0x3;
	s18 =	sshll.u32 s6, $0x4;
	s15 =	sshll.u32 s6, $0xB  }
0x11: {  	s10 =	sadd.s32 $0x41600, s0;
	s26 =	sand.u32 $0x1FFFFFE0, s18;
	s28 =	sand.u32 $0x1FFFF000, s15  }
0x12: {  	s30 =	sadd.s32 s15, s14;
	s31 =	sadd.s32 s18, s16;
	s18 =	simm.s32 $0x3  }
0x13: {  	s29 =	sadd.s32 s16, s26;
	s6 =	sadd.s32 s14, s28;
	s14 =	sadd.s32 $0xFFFFFFFF, s19  }
0x14: {  	s15 =	sadd.s32 $0x1800, s30;
	s16 =	sadd.s32 $0x4E50, s31;
	s19 =	simm.s32 $0x100  }
0x15: {  	s7 =	sadd.s32 $0x4E20, s29;
	s8 =	sadd.s32 $0x4E30, s29;
	s9 =	sadd.s32 $0x800, s6  }
.LBB2_1:
0x16: {  	s0 =	rddreg [dreg:$0x3]  }
0x17: {  	[spmem:s17], [sflag:s5] =	dma.local [hbm:s0], $0x2780  }
0x18: {  	_ =	swait.ge [sflag:s18], $0x2780  }
0x19: {  	[sflag:s18] =	ssyncset.done $0x0  }
0x1a: {  	[sflag:s18] =	ssyncadd.s32 $0xFFFFD880  }
0x1b: {  	[bflag:$0x0] =	sbarrier.arrive $0xFFFF  }
0x1c: {  	[tilespmem:s2], [sflag:$0x1] =	stream.linear.gather [hbm4b:s7+s2], $0x80, $0x38;
	[tilespmem:$0x1BD00] =	vst v63  }
0x1d: {  	_ = 	snop  }
0x1e: {  	[tilespmem:s19], [sflag:$0x1] =	stream.linear.gather [hbm4b:s6+s2], $0x4000, $0x38;
	[tilespmem:$0x1BD00] =	vst v63  }
0x1f: {  	_ = 	snop  }
0x20: {  	[tilespmem:s20], [sflag:$0x2] =	stream.linear.gather [hbm4b:s8+s2], $0x80, $0x38;
	[tilespmem:$0x1BD00] =	vst v63  }
0x21: {  	_ = 	snop  }
0x22: {  	[tilespmem:s21], [sflag:$0x2] =	stream.linear.gather [hbm4b:s9+s2], $0x4000, $0x38;
	[tilespmem:$0x1BD00] =	vst v63  }
0x23: {  	_ =	swait.ge [sflag:s22], $0x80  }
0x24: {  	[sflag:s22] =	ssyncset.done $0x0  }
0x25: {  	[sflag:s22] =	ssyncadd.s32 $0xFFFFFF80  }
0x26: {  	_ =	swait.ge [sflag:s22], $0x4000  }
0x27: {  	[sflag:s22] =	ssyncset.done $0x0  }
0x28: {  	[sflag:s22] =	ssyncadd.s32 $0xFFFFC000  }
0x29: {  	[spmem:s1] =	stream.indirect.scatter.add.f32 [tilespmem:s19], [sflag:$0x3], $0x80, s2, s20, $0xb8;
	[tilespmem:$0x1BD00] =	vst v63  }
0x2a: {  	_ =	swait.ge [sflag:s18], $0x4000  }
0x2b: {  	p0 =	sle.u32 s12, $0x0;
	[sflag:s18] =	ssyncset.done $0x0  }
0x2c: {  	s0 =	sadd.s32 @!p0 $0xFFFFFFF0, s16;
	s25 =	simm.s32 @!p0 $0x0;
	[sflag:s18] =	ssyncadd.s32 $0xFFFFC000  }
0x2d: {  	[tilespmem:s25], [sflag:$0x1] =	stream.linear.gather @!p0 [hbm4b:s0+s25], $0x80, $0x38;
	[tilespmem:$0x1BD00] =	vst v63  }
0x2e: {  	s26 =	simm.s32 @!p0 $0x100;
	s0 =	sadd.s32 @!p0 $0xFFFFF800, s15  }
0x2f: {  	[tilespmem:s26], [sflag:$0x1] =	stream.linear.gather @!p0 [hbm4b:s0+s25], $0x4000, $0x38;
	[tilespmem:$0x1BD00] =	vst v63  }
0x30: {  	_ =	swait.ge [sflag:s23], $0x80  }
0x31: {  	[sflag:s23] =	ssyncset.done $0x0  }
0x32: {  	[sflag:s23] =	ssyncadd.s32 $0xFFFFFF80  }
0x33: {  	_ =	swait.ge [sflag:s23], $0x4000  }
0x34: {  	s29 =	sadd.s32 $0xFFFFFFFF, s14;
	[sflag:s23] =	ssyncset.done $0x0  }
0x35: {  	p0 =	sne.s32 s29, $0x0;
	[sflag:s23] =	ssyncadd.s32 $0xFFFFC000  }
0x36: {  	[spmem:s1] =	stream.indirect.scatter.add.f32 [tilespmem:s21], [sflag:$0x3], $0x80, s20, s20, $0xb8;
	[tilespmem:$0x1BD00] =	vst v63  }
.Ltmp0:
0x37: {  	p1 =	sle.u32 s13, $0x0;
	_ =	swait.ge [sflag:s18], $0x4000;
	(pc) =	sbr.rel @!p0 .LBB2_3-.Ltmp0, $4  }
0x38: {  	s28 =	simm.s32 $0x2;
	s30 =	smov.u32 s15;
	[sflag:s18] =	ssyncset.done $0x0  }
0x39: {  	s31 =	simm.s32 @!p1 $0x0;
	s0 =	simm.s32 @!p1 $0x80;
	[sflag:s18] =	ssyncadd.s32 $0xFFFFC000  }
0x3a: {  	[tilespmem:s0], [sflag:$0x2] =	stream.linear.gather @!p1 [hbm4b:s16+s31], $0x80, $0x38;
	[tilespmem:$0x1BD00] =	vst v63  }
0x3b: {  	s25 =	sadd.s32 $0x20, s16;
	s26 =	sadd.s32 $0x1000, s15;
	s0 =	simm.s32 @!p1 $0x4100  }
.LBB2_2:
0x3c: {  	[tilespmem:s0], [sflag:$0x2] =	stream.linear.gather @!p1 [hbm4b:s30+s31], $0x4000, $0x38;
	[tilespmem:$0x1BD00] =	vst v63  }
0x3d: {  	s29 =	sadd.s32 $0xFFFFFFFF, s29;
	s0 =	smov.u32 s25;
	_ =	swait.ge [sflag:s22], $0x80  }
0x3e: {  	s30 =	smov.u32 s26;
	p0 =	sne.s32 s29, $0x0;
	[sflag:s22] =	ssyncset.done $0x0  }
0x3f: {  	[sflag:s22] =	ssyncadd.s32 $0xFFFFFF80  }
0x40: {  	_ =	swait.ge [sflag:s22], $0x4000  }
0x41: {  	[sflag:s22] =	ssyncset.done $0x0  }
0x42: {  	[sflag:s22] =	ssyncadd.s32 $0xFFFFC000  }
0x43: {  	[spmem:s1] =	stream.indirect.scatter.add.f32 [tilespmem:s19], [sflag:$0x3], $0x80, s2, s20, $0xb8;
	[tilespmem:$0x1BD00] =	vst v63  }
0x44: {  	_ =	swait.ge [sflag:s18], $0x4000  }
0x45: {  	p1 =	sge.u32 s28, s12;
	[sflag:s18] =	ssyncset.done $0x0  }
0x46: {  	s31 =	sadd.s32 @!p1 $0xFFFFFFF0, s25;
	s3 =	simm.s32 @!p1 $0x0;
	[sflag:s18] =	ssyncadd.s32 $0xFFFFC000  }
0x47: {  	[tilespmem:s3], [sflag:$0x1] =	stream.linear.gather @!p1 [hbm4b:s31+s3], $0x80, $0x38;
	[tilespmem:$0x1BD00] =	vst v63  }
0x48: {  	s4 =	simm.s32 @!p1 $0x100;
	s31 =	sadd.s32 @!p1 $0xFFFFF800, s26  }
0x49: {  	[tilespmem:s4], [sflag:$0x1] =	stream.linear.gather @!p1 [hbm4b:s31+s3], $0x4000, $0x38;
	[tilespmem:$0x1BD00] =	vst v63  }
0x4a: {  	_ =	swait.ge [sflag:s23], $0x80  }
0x4b: {  	[sflag:s23] =	ssyncset.done $0x0  }
0x4c: {  	[sflag:s23] =	ssyncadd.s32 $0xFFFFFF80  }
0x4d: {  	_ =	swait.ge [sflag:s23], $0x4000  }
0x4e: {  	[sflag:s23] =	ssyncset.done $0x0  }
0x4f: {  	[sflag:s23] =	ssyncadd.s32 $0xFFFFC000  }
0x50: {  	[spmem:s1] =	stream.indirect.scatter.add.f32 [tilespmem:s21], [sflag:$0x3], $0x80, s20, s20, $0xb8;
	[tilespmem:$0x1BD00] =	vst v63  }
.Ltmp1:
0x51: {  	_ =	swait.ge [sflag:s18], $0x4000;
	(pc) =	sbr.rel @p0 .LBB2_2-.Ltmp1, $4  }
0x52: {  	s25 =	sadd.s32 $0x20, s25;
	p1 =	sge.u32 s28, s13;
	[sflag:s18] =	ssyncset.done $0x0  }
0x53: {  	s31 =	simm.s32 @!p1 $0x0;
	s3 =	simm.s32 @!p1 $0x80;
	[sflag:s18] =	ssyncadd.s32 $0xFFFFC000  }
0x54: {  	[tilespmem:s3], [sflag:$0x2] =	stream.linear.gather @!p1 [hbm4b:s0+s31], $0x80, $0x38;
	[tilespmem:$0x1BD00] =	vst v63  }
0x55: {  	s26 =	sadd.s32 $0x1000, s26;
	s28 =	sadd.s32 $0x2, s28;
	s0 =	simm.s32 @!p1 $0x4100  }
.LBB2_3:
0x56: {  	[tilespmem:s0], [sflag:$0x2] =	stream.linear.gather @!p1 [hbm4b:s30+s31], $0x4000, $0x38;
	[tilespmem:$0x1BD00] =	vst v63  }
0x57: {  	_ =	swait.ge [sflag:s22], $0x80  }
0x58: {  	[sflag:s22] =	ssyncset.done $0x0  }
0x59: {  	[sflag:s22] =	ssyncadd.s32 $0xFFFFFF80  }
0x5a: {  	_ =	swait.ge [sflag:s22], $0x4000  }
0x5b: {  	[sflag:s22] =	ssyncset.done $0x0  }
0x5c: {  	[sflag:s22] =	ssyncadd.s32 $0xFFFFC000  }
0x5d: {  	[spmem:s1] =	stream.indirect.scatter.add.f32 [tilespmem:s19], [sflag:$0x3], $0x80, s2, s20, $0xb8;
	[tilespmem:$0x1BD00] =	vst v63  }
0x5e: {  	_ =	swait.ge [sflag:s18], $0x4000  }
0x5f: {  	p0 =	sge.u32 s28, s12;
	[sflag:s18] =	ssyncset.done $0x0  }
0x60: {  	s0 =	sadd.s32 @!p0 $0xFFFFFFF0, s25;
	s3 =	simm.s32 @!p0 $0x0;
	[sflag:s18] =	ssyncadd.s32 $0xFFFFC000  }
0x61: {  	[tilespmem:s3], [sflag:$0x1] =	stream.linear.gather @!p0 [hbm4b:s0+s3], $0x80, $0x38;
	[tilespmem:$0x1BD00] =	vst v63  }
0x62: {  	s4 =	simm.s32 @!p0 $0x100;
	s0 =	sadd.s32 @!p0 $0xFFFFF800, s26  }
0x63: {  	[tilespmem:s4], [sflag:$0x1] =	stream.linear.gather @!p0 [hbm4b:s0+s3], $0x4000, $0x38;
	[tilespmem:$0x1BD00] =	vst v63  }
0x64: {  	_ =	swait.ge [sflag:s23], $0x80  }
0x65: {  	[sflag:s23] =	ssyncset.done $0x0  }
0x66: {  	[sflag:s23] =	ssyncadd.s32 $0xFFFFFF80  }
0x67: {  	_ =	swait.ge [sflag:s23], $0x4000  }
0x68: {  	[sflag:s23] =	ssyncset.done $0x0  }
0x69: {  	[sflag:s23] =	ssyncadd.s32 $0xFFFFC000  }
0x6a: {  	[spmem:s1] =	stream.indirect.scatter.add.f32 [tilespmem:s21], [sflag:$0x3], $0x80, s20, s20, $0xb8;
	[tilespmem:$0x1BD00] =	vst v63  }
0x6b: {  	_ =	swait.ge [sflag:s18], $0x4000  }
0x6c: {  	p0 =	sge.u32 s28, s13;
	[sflag:s18] =	ssyncset.done $0x0  }
0x6d: {  	s0 =	simm.s32 @!p0 $0x0;
	s3 =	simm.s32 @!p0 $0x80;
	[sflag:s18] =	ssyncadd.s32 $0xFFFFC000  }
0x6e: {  	[tilespmem:s3], [sflag:$0x2] =	stream.linear.gather @!p0 [hbm4b:s25+s0], $0x80, $0x38;
	[tilespmem:$0x1BD00] =	vst v63  }
0x6f: {  	s24 =	sadd.s32 $0x1, s24;
	s3 =	simm.s32 @!p0 $0x4100  }
0x70: {  	[tilespmem:s3], [sflag:$0x2] =	stream.linear.gather @!p0 [hbm4b:s26+s0], $0x4000, $0x38;
	[tilespmem:$0x1BD00] =	vst v63  }
0x71: {  	p0 =	sne.s32 s24, s11  }
.Ltmp2:
0x72: {  	[bflag:$0x0] =	sbarrier.arrive $0xFFFF;
	(pc) =	sbr.rel @p0 .LBB2_1-.Ltmp2, $4  }
0x73: {  	[hbm:s10], [sflag:s5] =	dma.local [spmem:s17], $0x2780  }
0x74: {  	_ =	swait.ge [sflag:s18], $0x2780  }
0x75: {  	[sflag:s18] =	ssyncset.done $0x0  }
0x76: {  	[sflag:s18] =	ssyncadd.s32 $0xFFFFD880  }
0x77: {  	_ =	sfence.sel $0x180000  }
0x78: {  	[bflag:$0x0] =	sbarrier.arrive $0xFFFF  }
0x79: {  	_ =	strace $0x9000004D  }
0x7a: {  	s0 =	stileid.u32;
	[bflag:$0x2] =	sbarrier.arrive $0xFFFF  }
0x7b: {  	p0 =	sne.s32 s0, $0x0;
	s0 =	rddreg [dreg:$0x2]  }
0x7c: {  	s0 =	sadd.s32 @!p0 $0x100000, s0  }
0x7d: {  	[sflag:s0] =	ssyncadd.tile.s32 @!p0 $0x1;
	_ =	shalt  }
.Lfunc_end2:
_tile_overlayer_lowered:
.L_overlay_start_2:
0x7e: {  	(tag) =	ssettag $0x2  }
0x7f: {  	s0 =	rddreg [dreg:$0x0];
	s2 =	stileid.u32  }
0x80: {  	s1 =	rddreg [dreg:$0x1];
	p0 =	sne.s32 s2, $0x0  }
0x81: {  	s3 =	rddreg [dreg:$0x2];
	[bflag:$0x3] =	sbarrier.arrive $0xFFFF;
	s2 =	simm.s32 @!p0 $0x1C03  }
0x82: {  	[timem:s3], [sflag:s2] =	dma.local @!p0 [hbm:s0], s1  }
0x83: {  	s0 =	simm.s32 @!p0 $0x3  }
0x84: {  	_ =	swait.ge @!p0 [sflag:s0], s1  }
0x85: {  	s1 =	ssub.s32 @!p0 $0x0, s1;
	[sflag:s0] =	ssyncset.done @!p0 $0x0  }
0x86: {  	[sflag:s0] =	ssyncadd.s32 @!p0 s1  }
0x87: {  	[bflag:$0x3] =	sbarrier.arrive $0xFFFF  }
0x88: {  	_ =	shalt  }

</sc_bundles>
